<compile_context>
chip_gen: v7x
topology: tpu7x:2x2x1
jax: 0.10.2.dev20260603
libtpu: 0.0.44.dev20260713+nightly
codegen_flags: <defaults>
</compile_context>

<pallas_src>
import jax
import jax.numpy as jnp
from jax import lax
from jax.experimental import pallas as pl
from jax.experimental.pallas import tpu as pltpu
from jax.experimental.pallas import tpu_sc as plsc

N = 10000
E = 320000
F = 128
NCLASS = 40

NC = 2
NS = 16
NW = NC * NS
K = 64
CPW = 160
EPW = CPW * K
EPAD = NW * EPW
SRP = 632
NP = NS * SRP

_MESH = plsc.VectorSubcoreMesh(
    core_axis_name="c", subcore_axis_name="s", num_cores=NC, num_subcores=NS)


def _sc_deg_body(col_hbm, z_hbm, ones_hbm, out_hbm, col_v, ones_v, acc, sem):
    cid = lax.axis_index("c")
    sid = lax.axis_index("s")
    wid = cid * NS + sid
    base = sid * SRP

    pltpu.sync_copy(col_hbm.at[pl.ds(wid * CPW, CPW)], col_v)
    pltpu.sync_copy(ones_hbm, ones_v)
    pltpu.sync_copy(z_hbm.at[pl.ds(base, SRP)], acc.at[pl.ds(base, SRP)])

    plsc.subcore_barrier()

    def chunk(j, carry):
        pltpu.sync_copy(ones_v, acc.at[col_v.at[j]], add=True)
        return carry

    lax.fori_loop(0, CPW, chunk, 0)

    plsc.subcore_barrier()
    pltpu.sync_copy(acc.at[pl.ds(base, SRP)], out_hbm.at[cid, pl.ds(base, SRP)])


_sc_deg = pl.kernel(
    _sc_deg_body,
    out_type=jax.ShapeDtypeStruct((NC, NP, F), jnp.float32),
    mesh=_MESH,
    scratch_types=[
        pltpu.VMEM((CPW, K), jnp.int32),
        pltpu.VMEM((K, F), jnp.float32),
        pltpu.VMEM_SHARED((NP, F), jnp.float32),
        pltpu.SemaphoreType.DMA,
    ],
)


NSLOT = 5


def _sc_spmm_body(xs_hbm, rc_hbm, z_hbm, out_hbm, *rest):
    ixs = rest[:NSLOT]
    rvs = rest[NSLOT:2 * NSLOT]
    acc = rest[2 * NSLOT]
    isems = rest[2 * NSLOT + 1:3 * NSLOT + 1]
    gsems = rest[3 * NSLOT + 1:]
    cid = lax.axis_index("c")
    sid = lax.axis_index("s")
    wid = cid * NS + sid
    base = sid * SRP
    c0 = wid * CPW

    pltpu.sync_copy(z_hbm.at[pl.ds(base, SRP)], acc.at[pl.ds(base, SRP)])

    plsc.subcore_barrier()

    for b in range(NSLOT):
        pltpu.async_copy(rc_hbm.at[c0 + b], ixs[b], isems[b])
    for b in range(NSLOT - 1):
        pltpu.make_async_copy(rc_hbm.at[c0 + b], ixs[b], isems[b]).wait()
        pltpu.async_copy(xs_hbm.at[ixs[b].at[0]], rvs[b], gsems[b])

    def group(jj, carry):
        for b in range(NSLOT):
            j = jj * NSLOT + b
            pltpu.make_async_copy(xs_hbm.at[ixs[b].at[0]], rvs[b], gsems[b]).wait()
            pltpu.sync_copy(rvs[b], acc.at[ixs[b].at[1]], add=True)

            @pl.when(j + NSLOT < CPW)
            def _():
                pltpu.async_copy(rc_hbm.at[c0 + j + NSLOT], ixs[b], isems[b])

            @pl.when(j + NSLOT - 1 < CPW)
            def _():
                b2 = (b + NSLOT - 1) % NSLOT
                pltpu.make_async_copy(
                    rc_hbm.at[c0 + j + NSLOT - 1], ixs[b2], isems[b2]).wait()
                pltpu.async_copy(xs_hbm.at[ixs[b2].at[0]], rvs[b2], gsems[b2])
        return carry

    lax.fori_loop(0, CPW // NSLOT, group, 0, unroll=False)

    for j in range(CPW - CPW % NSLOT, CPW):
        b = j % NSLOT
        pltpu.make_async_copy(xs_hbm.at[ixs[b].at[0]], rvs[b], gsems[b]).wait()
        pltpu.sync_copy(rvs[b], acc.at[ixs[b].at[1]], add=True)

    plsc.subcore_barrier()
    pltpu.sync_copy(acc.at[pl.ds(base, SRP)], out_hbm.at[cid, pl.ds(base, SRP)])


_sc_spmm = pl.kernel(
    _sc_spmm_body,
    out_type=jax.ShapeDtypeStruct((NC, NP, F), jnp.float32),
    mesh=_MESH,
    scratch_types=(
        [pltpu.VMEM((2, K), jnp.int32) for _ in range(NSLOT)]
        + [pltpu.VMEM((K, F), jnp.float32) for _ in range(NSLOT)]
        + [pltpu.VMEM_SHARED((NP, F), jnp.float32)]
        + [pltpu.SemaphoreType.DMA for _ in range(2 * NSLOT)]
    ),
)


R = 1000
GRID = N // R


def _k1_body(x_ref, w_ref, degp_ref, dinv_ref, xs_ref):
    deg = degp_ref[0][:, 0:1] + degp_ref[1][:, 0:1] + 1.0
    dinv = lax.rsqrt(deg)
    dinv_ref[...] = dinv
    xw = jnp.dot(x_ref[...], w_ref[...], preferred_element_type=jnp.float32)
    xs_ref[...] = xw * dinv


def _k1(x, w, degp):
    return pl.pallas_call(
        _k1_body,
        grid=(GRID,),
        in_specs=[
            pl.BlockSpec((R, F), lambda i: (i, 0)),
            pl.BlockSpec((F, F), lambda i: (0, 0)),
            pl.BlockSpec((NC, R, F), lambda i: (0, i, 0)),
        ],
        out_specs=[
            pl.BlockSpec((R, 1), lambda i: (i, 0)),
            pl.BlockSpec((R, F), lambda i: (i, 0)),
        ],
        out_shape=[
            jax.ShapeDtypeStruct((N, 1), jnp.float32),
            jax.ShapeDtypeStruct((N, F), jnp.float32),
        ],
    )(x, w, degp)


def _k2_body(p_ref, xs_ref, dinv_ref, b_ref, w_ref, out_ref):
    dinv = dinv_ref[...]
    h = jnp.maximum(dinv * (p_ref[0] + p_ref[1] + xs_ref[...]) + b_ref[...], 0.0)
    xw = jnp.dot(h, w_ref[...], preferred_element_type=jnp.float32)
    out_ref[...] = xw * dinv


def _k2(p, xs, dinv, b, w):
    return pl.pallas_call(
        _k2_body,
        grid=(GRID,),
        in_specs=[
            pl.BlockSpec((NC, R, F), lambda i: (0, i, 0)),
            pl.BlockSpec((R, F), lambda i: (i, 0)),
            pl.BlockSpec((R, 1), lambda i: (i, 0)),
            pl.BlockSpec((1, F), lambda i: (0, 0)),
            pl.BlockSpec((F, F), lambda i: (0, 0)),
        ],
        out_specs=pl.BlockSpec((R, F), lambda i: (i, 0)),
        out_shape=jax.ShapeDtypeStruct((N, F), jnp.float32),
    )(p, xs, dinv, b, w)


def _k4_body(p_ref, xs_ref, dinv_ref, b_ref, wl_ref, bl_ref, out_ref):
    x3 = dinv_ref[...] * (p_ref[0] + p_ref[1] + xs_ref[...]) + b_ref[...]
    logits = jnp.dot(x3, wl_ref[...], preferred_element_type=jnp.float32)
    logits = logits + bl_ref[...]
    m = jnp.max(logits, axis=1, keepdims=True)
    s = jnp.sum(jnp.exp(logits - m), axis=1, keepdims=True)
    out_ref[...] = logits - m - jnp.log(s)


def _k4(p, xs, dinv, b, wl, bl):
    return pl.pallas_call(
        _k4_body,
        grid=(GRID,),
        in_specs=[
            pl.BlockSpec((NC, R, F), lambda i: (0, i, 0)),
            pl.BlockSpec((R, F), lambda i: (i, 0)),
            pl.BlockSpec((R, 1), lambda i: (i, 0)),
            pl.BlockSpec((1, F), lambda i: (0, 0)),
            pl.BlockSpec((F, NCLASS), lambda i: (0, 0)),
            pl.BlockSpec((1, NCLASS), lambda i: (0, 0)),
        ],
        out_specs=pl.BlockSpec((R, NCLASS), lambda i: (i, 0)),
        out_shape=jax.ShapeDtypeStruct((N, NCLASS), jnp.float32),
    )(p, xs, dinv, b, wl, bl)


def kernel(x, edge_index, W1, b1, W2, b2, W3, b3, Wl, bl):
    row = edge_index[0]
    col = edge_index[1]
    pad = EPAD - E
    prow = (jnp.arange(pad, dtype=jnp.int32) * 37) % N
    pcol = N + (jnp.arange(pad, dtype=jnp.int32) % (NP - N))
    rowp = jnp.concatenate([row, prow]).reshape(NW * CPW, K)
    colp = jnp.concatenate([col, pcol]).reshape(NW * CPW, K)
    rc = jnp.concatenate(
        [rowp.reshape(NW * CPW, 1, K), colp.reshape(NW * CPW, 1, K)], axis=1)

    z128 = jnp.zeros((NP, F), jnp.float32)
    ones128 = jnp.ones((K, F), jnp.float32)

    degp = _sc_deg(colp, z128, ones128)
    dinv, xs = _k1(x, W1, degp)

    p = _sc_spmm(xs, rc, z128)
    xs = _k2(p, xs, dinv, b1.reshape(1, F), W2)
    p = _sc_spmm(xs, rc, z128)
    xs = _k2(p, xs, dinv, b2.reshape(1, F), W3)
    p = _sc_spmm(xs, rc, z128)
    return _k4(p, xs, dinv, b3.reshape(1, F), Wl, bl.reshape(1, NCLASS))

# --- scband reference (transcript-rebuilt; emitter-appended) ---
"""Pipeline reference for scband-gcn3-layer-py-g-78219944394962 (READ-ONLY COPY).

The authoritative reference and input builder live on the scoring server;
editing this copy changes nothing except your own understanding.
"""

import jax, jax.numpy as jnp
import numpy as np

N = 10000
E = 320000
NFEAT = 128
NHID = 128
NCLASS = 40


def _glorot(key, shape):
    fan_in, fan_out = shape[0], shape[1]
    lim = np.sqrt(6.0 / (fan_in + fan_out))
    return jax.random.uniform(key, shape, jnp.float32, -lim, lim)


def setup_inputs(seed: int = 0) -> dict:
    key = jax.random.key(seed)
    ks = jax.random.split(key, 12)
    x = jax.random.normal(ks[0], (N, NFEAT), dtype=jnp.float32)
    edge_index = jax.random.randint(ks[1], (2, E), 0, N, dtype=jnp.int32)
    W1 = _glorot(ks[2], (NFEAT, NHID))
    b1 = jnp.zeros((NHID,), jnp.float32)
    W2 = _glorot(ks[3], (NHID, NHID))
    b2 = jnp.zeros((NHID,), jnp.float32)
    W3 = _glorot(ks[4], (NHID, NHID))
    b3 = jnp.zeros((NHID,), jnp.float32)
    Wl = _glorot(ks[5], (NHID, NCLASS))
    bl = jnp.zeros((NCLASS,), jnp.float32)
    return {"x": x, "edge_index": edge_index, "W1": W1, "b1": b1, "W2": W2, "b2": b2, "W3": W3, "b3": b3, "Wl": Wl, "bl": bl}


def gcn_conv(x, edge_index, W, b):
    # PyG GCNConv with add_self_loops=True and symmetric normalization
    n = x.shape[0]
    row = edge_index[0]
    col = edge_index[1]
    loop = jnp.arange(n, dtype=edge_index.dtype)
    row = jnp.concatenate([row, loop])
    col = jnp.concatenate([col, loop])
    ew = jnp.ones((row.shape[0],), jnp.float32)
    deg = jnp.zeros((n,), jnp.float32).at[col].add(ew)
    deg_inv_sqrt = jnp.where(deg > 0, 1.0 / jnp.sqrt(jnp.where(deg > 0, deg, 1.0)), 0.0)
    norm = deg_inv_sqrt[row] * ew * deg_inv_sqrt[col]
    xw = x @ W
    msg = xw[row] * norm[:, None]
    out = jnp.zeros((n, xw.shape[1]), xw.dtype).at[col].add(msg)
    return out + b


def reference(x, edge_index, W1, b1, W2, b2, W3, b3, Wl, bl):
    x1 = jax.nn.relu(gcn_conv(x, edge_index, W1, b1))
    x2 = jax.nn.relu(gcn_conv(x1, edge_index, W2, b2))
    x3 = gcn_conv(x2, edge_index, W3, b3)
    out = x3 @ Wl + bl
    # dropout is identity in eval mode
    return jax.nn.log_softmax(out, axis=1)

if __name__ == "__main__":
    import jax
    _d = setup_inputs()
    print(jax.jit(kernel)(*tuple(_d.values())))

</pallas_src>

<mosaic_0001>
#map = affine_map<(d0, d1) -> (0, 0)>
#map1 = affine_map<(d0, d1) -> (0, 0, 0)>
module attributes {stable_mosaic.version = 14 : i64} {
  func.func @_sc_spmm_body(%arg0: i32, %arg1: i32, %arg2: memref<10000x128xf32, #tpu.memory_space<hbm>>, %arg3: memref<5120x2x64xi32, #tpu.memory_space<hbm>>, %arg4: memref<10112x128xf32, #tpu.memory_space<hbm>>, %arg5: memref<2x10112x128xf32, #tpu.memory_space<hbm>>, %arg6: memref<2x64xi32, #tpu.memory_space<vmem>>, %arg7: memref<2x64xi32, #tpu.memory_space<vmem>>, %arg8: memref<2x64xi32, #tpu.memory_space<vmem>>, %arg9: memref<2x64xi32, #tpu.memory_space<vmem>>, %arg10: memref<2x64xi32, #tpu.memory_space<vmem>>, %arg11: memref<64x128xf32, #tpu.memory_space<vmem>>, %arg12: memref<64x128xf32, #tpu.memory_space<vmem>>, %arg13: memref<64x128xf32, #tpu.memory_space<vmem>>, %arg14: memref<64x128xf32, #tpu.memory_space<vmem>>, %arg15: memref<64x128xf32, #tpu.memory_space<vmem>>, %arg16: memref<10112x128xf32, #tpu.memory_space<vmem_shared>>, %arg17: memref<!tpu.dma_semaphore, #tpu.memory_space<semaphore_mem>>, %arg18: memref<!tpu.dma_semaphore, #tpu.memory_space<semaphore_mem>>, %arg19: memref<!tpu.dma_semaphore, #tpu.memory_space<semaphore_mem>>, %arg20: memref<!tpu.dma_semaphore, #tpu.memory_space<semaphore_mem>>, %arg21: memref<!tpu.dma_semaphore, #tpu.memory_space<semaphore_mem>>, %arg22: memref<!tpu.dma_semaphore, #tpu.memory_space<semaphore_mem>>, %arg23: memref<!tpu.dma_semaphore, #tpu.memory_space<semaphore_mem>>, %arg24: memref<!tpu.dma_semaphore, #tpu.memory_space<semaphore_mem>>, %arg25: memref<!tpu.dma_semaphore, #tpu.memory_space<semaphore_mem>>, %arg26: memref<!tpu.dma_semaphore, #tpu.memory_space<semaphore_mem>>) attributes {dimension_semantics = [#tpu.dimension_semantics<core_parallel>, #tpu.dimension_semantics<subcore_parallel>], iteration_bounds = array<i64: 2, 16>, scalar_prefetch = 0 : i64, scratch_operands = 21 : i64, tpu.core_type = #tpu.core_type<sc_vector_subcore>, window_params = [{transform_indices = #map}, {transform_indices = #map1}, {transform_indices = #map}, {transform_indices = #map1}]} {
    %mul3A = arith.constant 16 : i32
    %mul3A_0 = arith.muli %arg0, %mul3A : i32
    %add3A = arith.addi %mul3A_0, %arg1 : i32
    %mul3A_1 = arith.constant 632 : i32
    %mul3A_2 = arith.muli %arg1, %mul3A_1 : i32
    %mul3A_3 = arith.constant 160 : i32
    %mul3A_4 = arith.muli %add3A, %mul3A_3 : i32
    "tpu.region"() ({
      %run_scoped3A = tpu.sem_alloc : memref<!tpu.dma_semaphore, #tpu.memory_space<semaphore_mem>>
      %dma_start3A_127 = arith.constant 0 : i32
      %dma_start3A_128 = tpu.memref_slice %arg16[%mul3A_2, %dma_start3A_127] : memref<10112x128xf32, #tpu.memory_space<vmem_shared>> -> memref<632x128xf32, #tpu.memory_space<vmem_shared>>
      %dma_start3A_129 = arith.constant 0 : i32
      %dma_start3A_130 = tpu.memref_slice %arg4[%mul3A_2, %dma_start3A_129] : memref<10112x128xf32, #tpu.memory_space<hbm>> -> memref<632x128xf32, #tpu.memory_space<hbm>>
      tpu.enqueue_dma source(%dma_start3A_130 : memref<632x128xf32, #tpu.memory_space<hbm>>) target(%dma_start3A_128 : memref<632x128xf32, #tpu.memory_space<vmem_shared>>) target_semaphore(%run_scoped3A : memref<!tpu.dma_semaphore, #tpu.memory_space<semaphore_mem>>)
      %dma_wait3A_131 = arith.constant 0 : i32
      %dma_wait3A_132 = tpu.memref_slice %arg16[%mul3A_2, %dma_wait3A_131] : memref<10112x128xf32, #tpu.memory_space<vmem_shared>> -> memref<632x128xf32, #tpu.memory_space<vmem_shared>>
      %dma_wait3A_133 = arith.constant 0 : i32
      %dma_wait3A_134 = tpu.memref_slice %arg4[%mul3A_2, %dma_wait3A_133] : memref<10112x128xf32, #tpu.memory_space<hbm>> -> memref<632x128xf32, #tpu.memory_space<hbm>>
      tpu.wait_dma2 semaphore(%run_scoped3A : memref<!tpu.dma_semaphore, #tpu.memory_space<semaphore_mem>>) src(%dma_wait3A_134 : memref<632x128xf32, #tpu.memory_space<hbm>>) dst(%dma_wait3A_132 : memref<632x128xf32, #tpu.memory_space<vmem_shared>>)
      tpu.yield
    }) : () -> ()
    %barrier3A = arith.constant 0 : index
    tpu.barrier barrier_id(%barrier3A)
    %add3A_5 = arith.constant 0 : i32
    %add3A_6 = arith.addi %mul3A_4, %add3A_5 : i32
    %dma_start3A = arith.constant 0 : i32
    %dma_start3A_7 = arith.constant 0 : i32
    %dma_start3A_8 = tpu.memref_slice %arg3[%add3A_6, %dma_start3A, %dma_start3A_7] : memref<5120x2x64xi32, #tpu.memory_space<hbm>> -> memref<1x2x64xi32, #tpu.memory_space<hbm>>
    %dma_start3A_9 = tpu.memref_squeeze %dma_start3A_8 : memref<1x2x64xi32, #tpu.memory_space<hbm>> -> memref<2x64xi32, #tpu.memory_space<hbm>>
    %dma_start3A_10 = arith.constant 0 : i32
    %dma_start3A_11 = arith.constant 0 : i32
    %dma_start3A_12 = tpu.memref_slice %arg3[%add3A_6, %dma_start3A_10, %dma_start3A_11] : memref<5120x2x64xi32, #tpu.memory_space<hbm>> -> memref<1x2x64xi32, #tpu.memory_space<hbm>>
    %dma_start3A_13 = tpu.memref_squeeze %dma_start3A_12 : memref<1x2x64xi32, #tpu.memory_space<hbm>> -> memref<2x64xi32, #tpu.memory_space<hbm>>
    tpu.enqueue_dma source(%dma_start3A_13 : memref<2x64xi32, #tpu.memory_space<hbm>>) target(%arg6 : memref<2x64xi32, #tpu.memory_space<vmem>>) target_semaphore(%arg17 : memref<!tpu.dma_semaphore, #tpu.memory_space<semaphore_mem>>)
    %add3A_14 = arith.constant 1 : i32
    %add3A_15 = arith.addi %mul3A_4, %add3A_14 : i32
    %dma_start3A_16 = arith.constant 0 : i32
    %dma_start3A_17 = arith.constant 0 : i32
    %dma_start3A_18 = tpu.memref_slice %arg3[%add3A_15, %dma_start3A_16, %dma_start3A_17] : memref<5120x2x64xi32, #tpu.memory_space<hbm>> -> memref<1x2x64xi32, #tpu.memory_space<hbm>>
    %dma_start3A_19 = tpu.memref_squeeze %dma_start3A_18 : memref<1x2x64xi32, #tpu.memory_space<hbm>> -> memref<2x64xi32, #tpu.memory_space<hbm>>
    %dma_start3A_20 = arith.constant 0 : i32
    %dma_start3A_21 = arith.constant 0 : i32
    %dma_start3A_22 = tpu.memref_slice %arg3[%add3A_15, %dma_start3A_20, %dma_start3A_21] : memref<5120x2x64xi32, #tpu.memory_space<hbm>> -> memref<1x2x64xi32, #tpu.memory_space<hbm>>
    %dma_start3A_23 = tpu.memref_squeeze %dma_start3A_22 : memref<1x2x64xi32, #tpu.memory_space<hbm>> -> memref<2x64xi32, #tpu.memory_space<hbm>>
    tpu.enqueue_dma source(%dma_start3A_23 : memref<2x64xi32, #tpu.memory_space<hbm>>) target(%arg7 : memref<2x64xi32, #tpu.memory_space<vmem>>) target_semaphore(%arg18 : memref<!tpu.dma_semaphore, #tpu.memory_space<semaphore_mem>>)
    %add3A_24 = arith.constant 2 : i32
    %add3A_25 = arith.addi %mul3A_4, %add3A_24 : i32
    %dma_start3A_26 = arith.constant 0 : i32
    %dma_start3A_27 = arith.constant 0 : i32
    %dma_start3A_28 = tpu.memref_slice %arg3[%add3A_25, %dma_start3A_26, %dma_start3A_27] : memref<5120x2x64xi32, #tpu.memory_space<hbm>> -> memref<1x2x64xi32, #tpu.memory_space<hbm>>
    %dma_start3A_29 = tpu.memref_squeeze %dma_start3A_28 : memref<1x2x64xi32, #tpu.memory_space<hbm>> -> memref<2x64xi32, #tpu.memory_space<hbm>>
    %dma_start3A_30 = arith.constant 0 : i32
    %dma_start3A_31 = arith.constant 0 : i32
    %dma_start3A_32 = tpu.memref_slice %arg3[%add3A_25, %dma_start3A_30, %dma_start3A_31] : memref<5120x2x64xi32, #tpu.memory_space<hbm>> -> memref<1x2x64xi32, #tpu.memory_space<hbm>>
    %dma_start3A_33 = tpu.memref_squeeze %dma_start3A_32 : memref<1x2x64xi32, #tpu.memory_space<hbm>> -> memref<2x64xi32, #tpu.memory_space<hbm>>
    tpu.enqueue_dma source(%dma_start3A_33 : memref<2x64xi32, #tpu.memory_space<hbm>>) target(%arg8 : memref<2x64xi32, #tpu.memory_space<vmem>>) target_semaphore(%arg19 : memref<!tpu.dma_semaphore, #tpu.memory_space<semaphore_mem>>)
    %add3A_34 = arith.constant 3 : i32
    %add3A_35 = arith.addi %mul3A_4, %add3A_34 : i32
    %dma_start3A_36 = arith.constant 0 : i32
    %dma_start3A_37 = arith.constant 0 : i32
    %dma_start3A_38 = tpu.memref_slice %arg3[%add3A_35, %dma_start3A_36, %dma_start3A_37] : memref<5120x2x64xi32, #tpu.memory_space<hbm>> -> memref<1x2x64xi32, #tpu.memory_space<hbm>>
    %dma_start3A_39 = tpu.memref_squeeze %dma_start3A_38 : memref<1x2x64xi32, #tpu.memory_space<hbm>> -> memref<2x64xi32, #tpu.memory_space<hbm>>
    %dma_start3A_40 = arith.constant 0 : i32
    %dma_start3A_41 = arith.constant 0 : i32
    %dma_start3A_42 = tpu.memref_slice %arg3[%add3A_35, %dma_start3A_40, %dma_start3A_41] : memref<5120x2x64xi32, #tpu.memory_space<hbm>> -> memref<1x2x64xi32, #tpu.memory_space<hbm>>
    %dma_start3A_43 = tpu.memref_squeeze %dma_start3A_42 : memref<1x2x64xi32, #tpu.memory_space<hbm>> -> memref<2x64xi32, #tpu.memory_space<hbm>>
    tpu.enqueue_dma source(%dma_start3A_43 : memref<2x64xi32, #tpu.memory_space<hbm>>) target(%arg9 : memref<2x64xi32, #tpu.memory_space<vmem>>) target_semaphore(%arg20 : memref<!tpu.dma_semaphore, #tpu.memory_space<semaphore_mem>>)
    %add3A_44 = arith.constant 4 : i32
    %add3A_45 = arith.addi %mul3A_4, %add3A_44 : i32
    %dma_start3A_46 = arith.constant 0 : i32
    %dma_start3A_47 = arith.constant 0 : i32
    %dma_start3A_48 = tpu.memref_slice %arg3[%add3A_45, %dma_start3A_46, %dma_start3A_47] : memref<5120x2x64xi32, #tpu.memory_space<hbm>> -> memref<1x2x64xi32, #tpu.memory_space<hbm>>
    %dma_start3A_49 = tpu.memref_squeeze %dma_start3A_48 : memref<1x2x64xi32, #tpu.memory_space<hbm>> -> memref<2x64xi32, #tpu.memory_space<hbm>>
    %dma_start3A_50 = arith.constant 0 : i32
    %dma_start3A_51 = arith.constant 0 : i32
    %dma_start3A_52 = tpu.memref_slice %arg3[%add3A_45, %dma_start3A_50, %dma_start3A_51] : memref<5120x2x64xi32, #tpu.memory_space<hbm>> -> memref<1x2x64xi32, #tpu.memory_space<hbm>>
    %dma_start3A_53 = tpu.memref_squeeze %dma_start3A_52 : memref<1x2x64xi32, #tpu.memory_space<hbm>> -> memref<2x64xi32, #tpu.memory_space<hbm>>
    tpu.enqueue_dma source(%dma_start3A_53 : memref<2x64xi32, #tpu.memory_space<hbm>>) target(%arg10 : memref<2x64xi32, #tpu.memory_space<vmem>>) target_semaphore(%arg21 : memref<!tpu.dma_semaphore, #tpu.memory_space<semaphore_mem>>)
    %add3A_54 = arith.constant 0 : i32
    %add3A_55 = arith.addi %mul3A_4, %add3A_54 : i32
    %dma_wait3A = arith.constant 0 : i32
    %dma_wait3A_56 = arith.constant 0 : i32
    %dma_wait3A_57 = tpu.memref_slice %arg3[%add3A_55, %dma_wait3A, %dma_wait3A_56] : memref<5120x2x64xi32, #tpu.memory_space<hbm>> -> memref<1x2x64xi32, #tpu.memory_space<hbm>>
    %dma_wait3A_58 = tpu.memref_squeeze %dma_wait3A_57 : memref<1x2x64xi32, #tpu.memory_space<hbm>> -> memref<2x64xi32, #tpu.memory_space<hbm>>
    %dma_wait3A_59 = arith.constant 0 : i32
    %dma_wait3A_60 = arith.constant 0 : i32
    %dma_wait3A_61 = tpu.memref_slice %arg3[%add3A_55, %dma_wait3A_59, %dma_wait3A_60] : memref<5120x2x64xi32, #tpu.memory_space<hbm>> -> memref<1x2x64xi32, #tpu.memory_space<hbm>>
    %dma_wait3A_62 = tpu.memref_squeeze %dma_wait3A_61 : memref<1x2x64xi32, #tpu.memory_space<hbm>> -> memref<2x64xi32, #tpu.memory_space<hbm>>
    tpu.wait_dma2 semaphore(%arg17 : memref<!tpu.dma_semaphore, #tpu.memory_space<semaphore_mem>>) src(%dma_wait3A_62 : memref<2x64xi32, #tpu.memory_space<hbm>>) dst(%arg6 : memref<2x64xi32, #tpu.memory_space<vmem>>)
    %dma_start3A_63 = arith.constant 0 : i32
    %dma_start3A_64 = arith.constant 0 : i32
    %dma_start3A_65 = tpu.memref_slice %arg6[%dma_start3A_63, %dma_start3A_64] : memref<2x64xi32, #tpu.memory_space<vmem>> -> memref<1x64xi32, #tpu.memory_space<vmem>>
    %dma_start3A_66 = tpu.memref_squeeze %dma_start3A_65 : memref<1x64xi32, #tpu.memory_space<vmem>> -> memref<64xi32, #tpu.memory_space<vmem>>
    %dma_start3A_67 = arith.constant 0 : i32
    %dma_start3A_68 = arith.constant 0 : i32
    %dma_start3A_69 = tpu.memref_slice %arg2[%dma_start3A_67, %dma_start3A_68] : memref<10000x128xf32, #tpu.memory_space<hbm>> -> memref<10000x128xf32, #tpu.memory_space<hbm>>
    tpu.enqueue_indirect_dma source(%dma_start3A_69 : memref<10000x128xf32, #tpu.memory_space<hbm>>) target(%arg11 : memref<64x128xf32, #tpu.memory_space<vmem>>) offsets(%dma_start3A_66 : memref<64xi32, #tpu.memory_space<vmem>>) semaphore(%arg22 : memref<!tpu.dma_semaphore, #tpu.memory_space<semaphore_mem>>)
    %add3A_70 = arith.constant 1 : i32
    %add3A_71 = arith.addi %mul3A_4, %add3A_70 : i32
    %dma_wait3A_72 = arith.constant 0 : i32
    %dma_wait3A_73 = arith.constant 0 : i32
    %dma_wait3A_74 = tpu.memref_slice %arg3[%add3A_71, %dma_wait3A_72, %dma_wait3A_73] : memref<5120x2x64xi32, #tpu.memory_space<hbm>> -> memref<1x2x64xi32, #tpu.memory_space<hbm>>
    %dma_wait3A_75 = tpu.memref_squeeze %dma_wait3A_74 : memref<1x2x64xi32, #tpu.memory_space<hbm>> -> memref<2x64xi32, #tpu.memory_space<hbm>>
    %dma_wait3A_76 = arith.constant 0 : i32
    %dma_wait3A_77 = arith.constant 0 : i32
    %dma_wait3A_78 = tpu.memref_slice %arg3[%add3A_71, %dma_wait3A_76, %dma_wait3A_77] : memref<5120x2x64xi32, #tpu.memory_space<hbm>> -> memref<1x2x64xi32, #tpu.memory_space<hbm>>
    %dma_wait3A_79 = tpu.memref_squeeze %dma_wait3A_78 : memref<1x2x64xi32, #tpu.memory_space<hbm>> -> memref<2x64xi32, #tpu.memory_space<hbm>>
    tpu.wait_dma2 semaphore(%arg18 : memref<!tpu.dma_semaphore, #tpu.memory_space<semaphore_mem>>) src(%dma_wait3A_79 : memref<2x64xi32, #tpu.memory_space<hbm>>) dst(%arg7 : memref<2x64xi32, #tpu.memory_space<vmem>>)
    %dma_start3A_80 = arith.constant 0 : i32
    %dma_start3A_81 = arith.constant 0 : i32
    %dma_start3A_82 = tpu.memref_slice %arg7[%dma_start3A_80, %dma_start3A_81] : memref<2x64xi32, #tpu.memory_space<vmem>> -> memref<1x64xi32, #tpu.memory_space<vmem>>
    %dma_start3A_83 = tpu.memref_squeeze %dma_start3A_82 : memref<1x64xi32, #tpu.memory_space<vmem>> -> memref<64xi32, #tpu.memory_space<vmem>>
    %dma_start3A_84 = arith.constant 0 : i32
    %dma_start3A_85 = arith.constant 0 : i32
    %dma_start3A_86 = tpu.memref_slice %arg2[%dma_start3A_84, %dma_start3A_85] : memref<10000x128xf32, #tpu.memory_space<hbm>> -> memref<10000x128xf32, #tpu.memory_space<hbm>>
    tpu.enqueue_indirect_dma source(%dma_start3A_86 : memref<10000x128xf32, #tpu.memory_space<hbm>>) target(%arg12 : memref<64x128xf32, #tpu.memory_space<vmem>>) offsets(%dma_start3A_83 : memref<64xi32, #tpu.memory_space<vmem>>) semaphore(%arg23 : memref<!tpu.dma_semaphore, #tpu.memory_space<semaphore_mem>>)
    %add3A_87 = arith.constant 2 : i32
    %add3A_88 = arith.addi %mul3A_4, %add3A_87 : i32
    %dma_wait3A_89 = arith.constant 0 : i32
    %dma_wait3A_90 = arith.constant 0 : i32
    %dma_wait3A_91 = tpu.memref_slice %arg3[%add3A_88, %dma_wait3A_89, %dma_wait3A_90] : memref<5120x2x64xi32, #tpu.memory_space<hbm>> -> memref<1x2x64xi32, #tpu.memory_space<hbm>>
    %dma_wait3A_92 = tpu.memref_squeeze %dma_wait3A_91 : memref<1x2x64xi32, #tpu.memory_space<hbm>> -> memref<2x64xi32, #tpu.memory_space<hbm>>
    %dma_wait3A_93 = arith.constant 0 : i32
    %dma_wait3A_94 = arith.constant 0 : i32
    %dma_wait3A_95 = tpu.memref_slice %arg3[%add3A_88, %dma_wait3A_93, %dma_wait3A_94] : memref<5120x2x64xi32, #tpu.memory_space<hbm>> -> memref<1x2x64xi32, #tpu.memory_space<hbm>>
    %dma_wait3A_96 = tpu.memref_squeeze %dma_wait3A_95 : memref<1x2x64xi32, #tpu.memory_space<hbm>> -> memref<2x64xi32, #tpu.memory_space<hbm>>
    tpu.wait_dma2 semaphore(%arg19 : memref<!tpu.dma_semaphore, #tpu.memory_space<semaphore_mem>>) src(%dma_wait3A_96 : memref<2x64xi32, #tpu.memory_space<hbm>>) dst(%arg8 : memref<2x64xi32, #tpu.memory_space<vmem>>)
    %dma_start3A_97 = arith.constant 0 : i32
    %dma_start3A_98 = arith.constant 0 : i32
    %dma_start3A_99 = tpu.memref_slice %arg8[%dma_start3A_97, %dma_start3A_98] : memref<2x64xi32, #tpu.memory_space<vmem>> -> memref<1x64xi32, #tpu.memory_space<vmem>>
    %dma_start3A_100 = tpu.memref_squeeze %dma_start3A_99 : memref<1x64xi32, #tpu.memory_space<vmem>> -> memref<64xi32, #tpu.memory_space<vmem>>
    %dma_start3A_101 = arith.constant 0 : i32
    %dma_start3A_102 = arith.constant 0 : i32
    %dma_start3A_103 = tpu.memref_slice %arg2[%dma_start3A_101, %dma_start3A_102] : memref<10000x128xf32, #tpu.memory_space<hbm>> -> memref<10000x128xf32, #tpu.memory_space<hbm>>
    tpu.enqueue_indirect_dma source(%dma_start3A_103 : memref<10000x128xf32, #tpu.memory_space<hbm>>) target(%arg13 : memref<64x128xf32, #tpu.memory_space<vmem>>) offsets(%dma_start3A_100 : memref<64xi32, #tpu.memory_space<vmem>>) semaphore(%arg24 : memref<!tpu.dma_semaphore, #tpu.memory_space<semaphore_mem>>)
    %add3A_104 = arith.constant 3 : i32
    %add3A_105 = arith.addi %mul3A_4, %add3A_104 : i32
    %dma_wait3A_106 = arith.constant 0 : i32
    %dma_wait3A_107 = arith.constant 0 : i32
    %dma_wait3A_108 = tpu.memref_slice %arg3[%add3A_105, %dma_wait3A_106, %dma_wait3A_107] : memref<5120x2x64xi32, #tpu.memory_space<hbm>> -> memref<1x2x64xi32, #tpu.memory_space<hbm>>
    %dma_wait3A_109 = tpu.memref_squeeze %dma_wait3A_108 : memref<1x2x64xi32, #tpu.memory_space<hbm>> -> memref<2x64xi32, #tpu.memory_space<hbm>>
    %dma_wait3A_110 = arith.constant 0 : i32
    %dma_wait3A_111 = arith.constant 0 : i32
    %dma_wait3A_112 = tpu.memref_slice %arg3[%add3A_105, %dma_wait3A_110, %dma_wait3A_111] : memref<5120x2x64xi32, #tpu.memory_space<hbm>> -> memref<1x2x64xi32, #tpu.memory_space<hbm>>
    %dma_wait3A_113 = tpu.memref_squeeze %dma_wait3A_112 : memref<1x2x64xi32, #tpu.memory_space<hbm>> -> memref<2x64xi32, #tpu.memory_space<hbm>>
    tpu.wait_dma2 semaphore(%arg20 : memref<!tpu.dma_semaphore, #tpu.memory_space<semaphore_mem>>) src(%dma_wait3A_113 : memref<2x64xi32, #tpu.memory_space<hbm>>) dst(%arg9 : memref<2x64xi32, #tpu.memory_space<vmem>>)
    %dma_start3A_114 = arith.constant 0 : i32
    %dma_start3A_115 = arith.constant 0 : i32
    %dma_start3A_116 = tpu.memref_slice %arg9[%dma_start3A_114, %dma_start3A_115] : memref<2x64xi32, #tpu.memory_space<vmem>> -> memref<1x64xi32, #tpu.memory_space<vmem>>
    %dma_start3A_117 = tpu.memref_squeeze %dma_start3A_116 : memref<1x64xi32, #tpu.memory_space<vmem>> -> memref<64xi32, #tpu.memory_space<vmem>>
    %dma_start3A_118 = arith.constant 0 : i32
    %dma_start3A_119 = arith.constant 0 : i32
    %dma_start3A_120 = tpu.memref_slice %arg2[%dma_start3A_118, %dma_start3A_119] : memref<10000x128xf32, #tpu.memory_space<hbm>> -> memref<10000x128xf32, #tpu.memory_space<hbm>>
    tpu.enqueue_indirect_dma source(%dma_start3A_120 : memref<10000x128xf32, #tpu.memory_space<hbm>>) target(%arg14 : memref<64x128xf32, #tpu.memory_space<vmem>>) offsets(%dma_start3A_117 : memref<64xi32, #tpu.memory_space<vmem>>) semaphore(%arg25 : memref<!tpu.dma_semaphore, #tpu.memory_space<semaphore_mem>>)
    %scan3A = arith.constant 0 : i32
    %scan3A_121 = arith.constant 0 : i32
    %scan3A_122 = arith.constant 32 : i32
    %scan3A_123 = arith.addi %scan3A_121, %scan3A_122 : i32
    %scan3A_124 = arith.constant 1 : i32
    scf.for %scan3A_127 = %scan3A_121 to %scan3A_123 step %scan3A_124  : i32 {
      %mul3A_128 = arith.constant 5 : i32
      %mul3A_129 = arith.muli %scan3A_127, %mul3A_128 : i32
      %add3A_130 = arith.constant 0 : i32
      %add3A_131 = arith.addi %mul3A_129, %add3A_130 : i32
      %dma_wait3A_132 = arith.constant 0 : i32
      %dma_wait3A_133 = arith.constant 0 : i32
      %dma_wait3A_134 = tpu.memref_slice %arg6[%dma_wait3A_132, %dma_wait3A_133] : memref<2x64xi32, #tpu.memory_space<vmem>> -> memref<1x64xi32, #tpu.memory_space<vmem>>
      %dma_wait3A_135 = tpu.memref_squeeze %dma_wait3A_134 : memref<1x64xi32, #tpu.memory_space<vmem>> -> memref<64xi32, #tpu.memory_space<vmem>>
      %dma_wait3A_136 = arith.constant 0 : i32
      %dma_wait3A_137 = arith.constant 0 : i32
      %dma_wait3A_138 = tpu.memref_slice %arg2[%dma_wait3A_136, %dma_wait3A_137] : memref<10000x128xf32, #tpu.memory_space<hbm>> -> memref<10000x128xf32, #tpu.memory_space<hbm>>
      tpu.wait_indirect_dma semaphore(%arg22 : memref<!tpu.dma_semaphore, #tpu.memory_space<semaphore_mem>>) src(%dma_wait3A_138 : memref<10000x128xf32, #tpu.memory_space<hbm>>) dst(%arg11 : memref<64x128xf32, #tpu.memory_space<vmem>>)
      %run_scoped3A = arith.constant 1 : i32
      "tpu.region"() ({
        %run_scoped3A_263 = tpu.sem_alloc : memref<!tpu.dma_semaphore, #tpu.memory_space<semaphore_mem>>
        %dma_start3A_264 = arith.constant 0 : i32
        %dma_start3A_265 = tpu.memref_slice %arg6[%run_scoped3A, %dma_start3A_264] : memref<2x64xi32, #tpu.memory_space<vmem>> -> memref<1x64xi32, #tpu.memory_space<vmem>>
        %dma_start3A_266 = tpu.memref_squeeze %dma_start3A_265 : memref<1x64xi32, #tpu.memory_space<vmem>> -> memref<64xi32, #tpu.memory_space<vmem>>
        %dma_start3A_267 = arith.constant 0 : i32
        %dma_start3A_268 = arith.constant 0 : i32
        %dma_start3A_269 = tpu.memref_slice %arg16[%dma_start3A_267, %dma_start3A_268] : memref<10112x128xf32, #tpu.memory_space<vmem_shared>> -> memref<10112x128xf32, #tpu.memory_space<vmem_shared>>
        tpu.enqueue_indirect_dma source(%arg11 : memref<64x128xf32, #tpu.memory_space<vmem>>) target(%dma_start3A_269 : memref<10112x128xf32, #tpu.memory_space<vmem_shared>>) offsets(%dma_start3A_266 : memref<64xi32, #tpu.memory_space<vmem>>) semaphore(%run_scoped3A_263 : memref<!tpu.dma_semaphore, #tpu.memory_space<semaphore_mem>>) {add = true}
        %dma_wait3A_270 = arith.constant 0 : i32
        %dma_wait3A_271 = tpu.memref_slice %arg6[%run_scoped3A, %dma_wait3A_270] : memref<2x64xi32, #tpu.memory_space<vmem>> -> memref<1x64xi32, #tpu.memory_space<vmem>>
        %dma_wait3A_272 = tpu.memref_squeeze %dma_wait3A_271 : memref<1x64xi32, #tpu.memory_space<vmem>> -> memref<64xi32, #tpu.memory_space<vmem>>
        %dma_wait3A_273 = arith.constant 0 : i32
        %dma_wait3A_274 = arith.constant 0 : i32
        %dma_wait3A_275 = tpu.memref_slice %arg16[%dma_wait3A_273, %dma_wait3A_274] : memref<10112x128xf32, #tpu.memory_space<vmem_shared>> -> memref<10112x128xf32, #tpu.memory_space<vmem_shared>>
        tpu.wait_indirect_dma semaphore(%run_scoped3A_263 : memref<!tpu.dma_semaphore, #tpu.memory_space<semaphore_mem>>) src(%arg11 : memref<64x128xf32, #tpu.memory_space<vmem>>) dst(%dma_wait3A_275 : memref<10112x128xf32, #tpu.memory_space<vmem_shared>>)
        tpu.yield
      }) : () -> ()
      %add3A_139 = arith.constant 5 : i32
      %add3A_140 = arith.addi %add3A_131, %add3A_139 : i32
      %lt3A = arith.constant 160 : i32
      %lt3A_141 = arith.cmpi slt, %add3A_140, %lt3A : i32
      %convert_element_type3A = arith.extui %lt3A_141 : i1 to i32
      %cond3A = arith.constant 0 : i32
      %cond3A_142 = arith.cmpi ne, %convert_element_type3A, %cond3A : i32
      scf.if %cond3A_142 {
        %add3A_263 = arith.addi %mul3A_4, %add3A_131 : i32
        %add3A_264 = arith.constant 5 : i32
        %add3A_265 = arith.addi %add3A_263, %add3A_264 : i32
        %dma_start3A_266 = arith.constant 0 : i32
        %dma_start3A_267 = arith.constant 0 : i32
        %dma_start3A_268 = tpu.memref_slice %arg3[%add3A_265, %dma_start3A_266, %dma_start3A_267] : memref<5120x2x64xi32, #tpu.memory_space<hbm>> -> memref<1x2x64xi32, #tpu.memory_space<hbm>>
        %dma_start3A_269 = tpu.memref_squeeze %dma_start3A_268 : memref<1x2x64xi32, #tpu.memory_space<hbm>> -> memref<2x64xi32, #tpu.memory_space<hbm>>
        %dma_start3A_270 = arith.constant 0 : i32
        %dma_start3A_271 = arith.constant 0 : i32
        %dma_start3A_272 = tpu.memref_slice %arg3[%add3A_265, %dma_start3A_270, %dma_start3A_271] : memref<5120x2x64xi32, #tpu.memory_space<hbm>> -> memref<1x2x64xi32, #tpu.memory_space<hbm>>
        %dma_start3A_273 = tpu.memref_squeeze %dma_start3A_272 : memref<1x2x64xi32, #tpu.memory_space<hbm>> -> memref<2x64xi32, #tpu.memory_space<hbm>>
        tpu.enqueue_dma source(%dma_start3A_273 : memref<2x64xi32, #tpu.memory_space<hbm>>) target(%arg6 : memref<2x64xi32, #tpu.memory_space<vmem>>) target_semaphore(%arg17 : memref<!tpu.dma_semaphore, #tpu.memory_space<semaphore_mem>>)
      } else {
      }
      %add3A_143 = arith.constant 5 : i32
      %add3A_144 = arith.addi %add3A_131, %add3A_143 : i32
      %sub3A = arith.constant 1 : i32
      %sub3A_145 = arith.subi %add3A_144, %sub3A : i32
      %lt3A_146 = arith.constant 160 : i32
      %lt3A_147 = arith.cmpi slt, %sub3A_145, %lt3A_146 : i32
      %convert_element_type3A_148 = arith.extui %lt3A_147 : i1 to i32
      %cond3A_149 = arith.constant 0 : i32
      %cond3A_150 = arith.cmpi ne, %convert_element_type3A_148, %cond3A_149 : i32
      scf.if %cond3A_150 {
        %add3A_263 = arith.addi %mul3A_4, %add3A_131 : i32
        %add3A_264 = arith.constant 5 : i32
        %add3A_265 = arith.addi %add3A_263, %add3A_264 : i32
        %sub3A_266 = arith.constant 1 : i32
        %sub3A_267 = arith.subi %add3A_265, %sub3A_266 : i32
        %dma_wait3A_268 = arith.constant 0 : i32
        %dma_wait3A_269 = arith.constant 0 : i32
        %dma_wait3A_270 = tpu.memref_slice %arg3[%sub3A_267, %dma_wait3A_268, %dma_wait3A_269] : memref<5120x2x64xi32, #tpu.memory_space<hbm>> -> memref<1x2x64xi32, #tpu.memory_space<hbm>>
        %dma_wait3A_271 = tpu.memref_squeeze %dma_wait3A_270 : memref<1x2x64xi32, #tpu.memory_space<hbm>> -> memref<2x64xi32, #tpu.memory_space<hbm>>
        %dma_wait3A_272 = arith.constant 0 : i32
        %dma_wait3A_273 = arith.constant 0 : i32
        %dma_wait3A_274 = tpu.memref_slice %arg3[%sub3A_267, %dma_wait3A_272, %dma_wait3A_273] : memref<5120x2x64xi32, #tpu.memory_space<hbm>> -> memref<1x2x64xi32, #tpu.memory_space<hbm>>
        %dma_wait3A_275 = tpu.memref_squeeze %dma_wait3A_274 : memref<1x2x64xi32, #tpu.memory_space<hbm>> -> memref<2x64xi32, #tpu.memory_space<hbm>>
        tpu.wait_dma2 semaphore(%arg21 : memref<!tpu.dma_semaphore, #tpu.memory_space<semaphore_mem>>) src(%dma_wait3A_275 : memref<2x64xi32, #tpu.memory_space<hbm>>) dst(%arg10 : memref<2x64xi32, #tpu.memory_space<vmem>>)
        %dma_start3A_276 = arith.constant 0 : i32
        %dma_start3A_277 = arith.constant 0 : i32
        %dma_start3A_278 = tpu.memref_slice %arg10[%dma_start3A_276, %dma_start3A_277] : memref<2x64xi32, #tpu.memory_space<vmem>> -> memref<1x64xi32, #tpu.memory_space<vmem>>
        %dma_start3A_279 = tpu.memref_squeeze %dma_start3A_278 : memref<1x64xi32, #tpu.memory_space<vmem>> -> memref<64xi32, #tpu.memory_space<vmem>>
        %dma_start3A_280 = arith.constant 0 : i32
        %dma_start3A_281 = arith.constant 0 : i32
        %dma_start3A_282 = tpu.memref_slice %arg2[%dma_start3A_280, %dma_start3A_281] : memref<10000x128xf32, #tpu.memory_space<hbm>> -> memref<10000x128xf32, #tpu.memory_space<hbm>>
        tpu.enqueue_indirect_dma source(%dma_start3A_282 : memref<10000x128xf32, #tpu.memory_space<hbm>>) target(%arg15 : memref<64x128xf32, #tpu.memory_space<vmem>>) offsets(%dma_start3A_279 : memref<64xi32, #tpu.memory_space<vmem>>) semaphore(%arg26 : memref<!tpu.dma_semaphore, #tpu.memory_space<semaphore_mem>>)
      } else {
      }
      %mul3A_151 = arith.constant 5 : i32
      %mul3A_152 = arith.muli %scan3A_127, %mul3A_151 : i32
      %add3A_153 = arith.constant 1 : i32
      %add3A_154 = arith.addi %mul3A_152, %add3A_153 : i32
      %dma_wait3A_155 = arith.constant 0 : i32
      %dma_wait3A_156 = arith.constant 0 : i32
      %dma_wait3A_157 = tpu.memref_slice %arg7[%dma_wait3A_155, %dma_wait3A_156] : memref<2x64xi32, #tpu.memory_space<vmem>> -> memref<1x64xi32, #tpu.memory_space<vmem>>
      %dma_wait3A_158 = tpu.memref_squeeze %dma_wait3A_157 : memref<1x64xi32, #tpu.memory_space<vmem>> -> memref<64xi32, #tpu.memory_space<vmem>>
      %dma_wait3A_159 = arith.constant 0 : i32
      %dma_wait3A_160 = arith.constant 0 : i32
      %dma_wait3A_161 = tpu.memref_slice %arg2[%dma_wait3A_159, %dma_wait3A_160] : memref<10000x128xf32, #tpu.memory_space<hbm>> -> memref<10000x128xf32, #tpu.memory_space<hbm>>
      tpu.wait_indirect_dma semaphore(%arg23 : memref<!tpu.dma_semaphore, #tpu.memory_space<semaphore_mem>>) src(%dma_wait3A_161 : memref<10000x128xf32, #tpu.memory_space<hbm>>) dst(%arg12 : memref<64x128xf32, #tpu.memory_space<vmem>>)
      %run_scoped3A_162 = arith.constant 1 : i32
      "tpu.region"() ({
        %run_scoped3A_263 = tpu.sem_alloc : memref<!tpu.dma_semaphore, #tpu.memory_space<semaphore_mem>>
        %dma_start3A_264 = arith.constant 0 : i32
        %dma_start3A_265 = tpu.memref_slice %arg7[%run_scoped3A_162, %dma_start3A_264] : memref<2x64xi32, #tpu.memory_space<vmem>> -> memref<1x64xi32, #tpu.memory_space<vmem>>
        %dma_start3A_266 = tpu.memref_squeeze %dma_start3A_265 : memref<1x64xi32, #tpu.memory_space<vmem>> -> memref<64xi32, #tpu.memory_space<vmem>>
        %dma_start3A_267 = arith.constant 0 : i32
        %dma_start3A_268 = arith.constant 0 : i32
        %dma_start3A_269 = tpu.memref_slice %arg16[%dma_start3A_267, %dma_start3A_268] : memref<10112x128xf32, #tpu.memory_space<vmem_shared>> -> memref<10112x128xf32, #tpu.memory_space<vmem_shared>>
        tpu.enqueue_indirect_dma source(%arg12 : memref<64x128xf32, #tpu.memory_space<vmem>>) target(%dma_start3A_269 : memref<10112x128xf32, #tpu.memory_space<vmem_shared>>) offsets(%dma_start3A_266 : memref<64xi32, #tpu.memory_space<vmem>>) semaphore(%run_scoped3A_263 : memref<!tpu.dma_semaphore, #tpu.memory_space<semaphore_mem>>) {add = true}
        %dma_wait3A_270 = arith.constant 0 : i32
        %dma_wait3A_271 = tpu.memref_slice %arg7[%run_scoped3A_162, %dma_wait3A_270] : memref<2x64xi32, #tpu.memory_space<vmem>> -> memref<1x64xi32, #tpu.memory_space<vmem>>
        %dma_wait3A_272 = tpu.memref_squeeze %dma_wait3A_271 : memref<1x64xi32, #tpu.memory_space<vmem>> -> memref<64xi32, #tpu.memory_space<vmem>>
        %dma_wait3A_273 = arith.constant 0 : i32
        %dma_wait3A_274 = arith.constant 0 : i32
        %dma_wait3A_275 = tpu.memref_slice %arg16[%dma_wait3A_273, %dma_wait3A_274] : memref<10112x128xf32, #tpu.memory_space<vmem_shared>> -> memref<10112x128xf32, #tpu.memory_space<vmem_shared>>
        tpu.wait_indirect_dma semaphore(%run_scoped3A_263 : memref<!tpu.dma_semaphore, #tpu.memory_space<semaphore_mem>>) src(%arg12 : memref<64x128xf32, #tpu.memory_space<vmem>>) dst(%dma_wait3A_275 : memref<10112x128xf32, #tpu.memory_space<vmem_shared>>)
        tpu.yield
      }) : () -> ()
      %add3A_163 = arith.constant 5 : i32
      %add3A_164 = arith.addi %add3A_154, %add3A_163 : i32
      %lt3A_165 = arith.constant 160 : i32
      %lt3A_166 = arith.cmpi slt, %add3A_164, %lt3A_165 : i32
      %convert_element_type3A_167 = arith.extui %lt3A_166 : i1 to i32
      %cond3A_168 = arith.constant 0 : i32
      %cond3A_169 = arith.cmpi ne, %convert_element_type3A_167, %cond3A_168 : i32
      scf.if %cond3A_169 {
        %add3A_263 = arith.addi %mul3A_4, %add3A_154 : i32
        %add3A_264 = arith.constant 5 : i32
        %add3A_265 = arith.addi %add3A_263, %add3A_264 : i32
        %dma_start3A_266 = arith.constant 0 : i32
        %dma_start3A_267 = arith.constant 0 : i32
        %dma_start3A_268 = tpu.memref_slice %arg3[%add3A_265, %dma_start3A_266, %dma_start3A_267] : memref<5120x2x64xi32, #tpu.memory_space<hbm>> -> memref<1x2x64xi32, #tpu.memory_space<hbm>>
        %dma_start3A_269 = tpu.memref_squeeze %dma_start3A_268 : memref<1x2x64xi32, #tpu.memory_space<hbm>> -> memref<2x64xi32, #tpu.memory_space<hbm>>
        %dma_start3A_270 = arith.constant 0 : i32
        %dma_start3A_271 = arith.constant 0 : i32
        %dma_start3A_272 = tpu.memref_slice %arg3[%add3A_265, %dma_start3A_270, %dma_start3A_271] : memref<5120x2x64xi32, #tpu.memory_space<hbm>> -> memref<1x2x64xi32, #tpu.memory_space<hbm>>
        %dma_start3A_273 = tpu.memref_squeeze %dma_start3A_272 : memref<1x2x64xi32, #tpu.memory_space<hbm>> -> memref<2x64xi32, #tpu.memory_space<hbm>>
        tpu.enqueue_dma source(%dma_start3A_273 : memref<2x64xi32, #tpu.memory_space<hbm>>) target(%arg7 : memref<2x64xi32, #tpu.memory_space<vmem>>) target_semaphore(%arg18 : memref<!tpu.dma_semaphore, #tpu.memory_space<semaphore_mem>>)
      } else {
      }
      %add3A_170 = arith.constant 5 : i32
      %add3A_171 = arith.addi %add3A_154, %add3A_170 : i32
      %sub3A_172 = arith.constant 1 : i32
      %sub3A_173 = arith.subi %add3A_171, %sub3A_172 : i32
      %lt3A_174 = arith.constant 160 : i32
      %lt3A_175 = arith.cmpi slt, %sub3A_173, %lt3A_174 : i32
      %convert_element_type3A_176 = arith.extui %lt3A_175 : i1 to i32
      %cond3A_177 = arith.constant 0 : i32
      %cond3A_178 = arith.cmpi ne, %convert_element_type3A_176, %cond3A_177 : i32
      scf.if %cond3A_178 {
        %add3A_263 = arith.addi %mul3A_4, %add3A_154 : i32
        %add3A_264 = arith.constant 5 : i32
        %add3A_265 = arith.addi %add3A_263, %add3A_264 : i32
        %sub3A_266 = arith.constant 1 : i32
        %sub3A_267 = arith.subi %add3A_265, %sub3A_266 : i32
        %dma_wait3A_268 = arith.constant 0 : i32
        %dma_wait3A_269 = arith.constant 0 : i32
        %dma_wait3A_270 = tpu.memref_slice %arg3[%sub3A_267, %dma_wait3A_268, %dma_wait3A_269] : memref<5120x2x64xi32, #tpu.memory_space<hbm>> -> memref<1x2x64xi32, #tpu.memory_space<hbm>>
        %dma_wait3A_271 = tpu.memref_squeeze %dma_wait3A_270 : memref<1x2x64xi32, #tpu.memory_space<hbm>> -> memref<2x64xi32, #tpu.memory_space<hbm>>
        %dma_wait3A_272 = arith.constant 0 : i32
        %dma_wait3A_273 = arith.constant 0 : i32
        %dma_wait3A_274 = tpu.memref_slice %arg3[%sub3A_267, %dma_wait3A_272, %dma_wait3A_273] : memref<5120x2x64xi32, #tpu.memory_space<hbm>> -> memref<1x2x64xi32, #tpu.memory_space<hbm>>
        %dma_wait3A_275 = tpu.memref_squeeze %dma_wait3A_274 : memref<1x2x64xi32, #tpu.memory_space<hbm>> -> memref<2x64xi32, #tpu.memory_space<hbm>>
        tpu.wait_dma2 semaphore(%arg17 : memref<!tpu.dma_semaphore, #tpu.memory_space<semaphore_mem>>) src(%dma_wait3A_275 : memref<2x64xi32, #tpu.memory_space<hbm>>) dst(%arg6 : memref<2x64xi32, #tpu.memory_space<vmem>>)
        %dma_start3A_276 = arith.constant 0 : i32
        %dma_start3A_277 = arith.constant 0 : i32
        %dma_start3A_278 = tpu.memref_slice %arg6[%dma_start3A_276, %dma_start3A_277] : memref<2x64xi32, #tpu.memory_space<vmem>> -> memref<1x64xi32, #tpu.memory_space<vmem>>
        %dma_start3A_279 = tpu.memref_squeeze %dma_start3A_278 : memref<1x64xi32, #tpu.memory_space<vmem>> -> memref<64xi32, #tpu.memory_space<vmem>>
        %dma_start3A_280 = arith.constant 0 : i32
        %dma_start3A_281 = arith.constant 0 : i32
        %dma_start3A_282 = tpu.memref_slice %arg2[%dma_start3A_280, %dma_start3A_281] : memref<10000x128xf32, #tpu.memory_space<hbm>> -> memref<10000x128xf32, #tpu.memory_space<hbm>>
        tpu.enqueue_indirect_dma source(%dma_start3A_282 : memref<10000x128xf32, #tpu.memory_space<hbm>>) target(%arg11 : memref<64x128xf32, #tpu.memory_space<vmem>>) offsets(%dma_start3A_279 : memref<64xi32, #tpu.memory_space<vmem>>) semaphore(%arg22 : memref<!tpu.dma_semaphore, #tpu.memory_space<semaphore_mem>>)
      } else {
      }
      %mul3A_179 = arith.constant 5 : i32
      %mul3A_180 = arith.muli %scan3A_127, %mul3A_179 : i32
      %add3A_181 = arith.constant 2 : i32
      %add3A_182 = arith.addi %mul3A_180, %add3A_181 : i32
      %dma_wait3A_183 = arith.constant 0 : i32
      %dma_wait3A_184 = arith.constant 0 : i32
      %dma_wait3A_185 = tpu.memref_slice %arg8[%dma_wait3A_183, %dma_wait3A_184] : memref<2x64xi32, #tpu.memory_space<vmem>> -> memref<1x64xi32, #tpu.memory_space<vmem>>
      %dma_wait3A_186 = tpu.memref_squeeze %dma_wait3A_185 : memref<1x64xi32, #tpu.memory_space<vmem>> -> memref<64xi32, #tpu.memory_space<vmem>>
      %dma_wait3A_187 = arith.constant 0 : i32
      %dma_wait3A_188 = arith.constant 0 : i32
      %dma_wait3A_189 = tpu.memref_slice %arg2[%dma_wait3A_187, %dma_wait3A_188] : memref<10000x128xf32, #tpu.memory_space<hbm>> -> memref<10000x128xf32, #tpu.memory_space<hbm>>
      tpu.wait_indirect_dma semaphore(%arg24 : memref<!tpu.dma_semaphore, #tpu.memory_space<semaphore_mem>>) src(%dma_wait3A_189 : memref<10000x128xf32, #tpu.memory_space<hbm>>) dst(%arg13 : memref<64x128xf32, #tpu.memory_space<vmem>>)
      %run_scoped3A_190 = arith.constant 1 : i32
      "tpu.region"() ({
        %run_scoped3A_263 = tpu.sem_alloc : memref<!tpu.dma_semaphore, #tpu.memory_space<semaphore_mem>>
        %dma_start3A_264 = arith.constant 0 : i32
        %dma_start3A_265 = tpu.memref_slice %arg8[%run_scoped3A_190, %dma_start3A_264] : memref<2x64xi32, #tpu.memory_space<vmem>> -> memref<1x64xi32, #tpu.memory_space<vmem>>
        %dma_start3A_266 = tpu.memref_squeeze %dma_start3A_265 : memref<1x64xi32, #tpu.memory_space<vmem>> -> memref<64xi32, #tpu.memory_space<vmem>>
        %dma_start3A_267 = arith.constant 0 : i32
        %dma_start3A_268 = arith.constant 0 : i32
        %dma_start3A_269 = tpu.memref_slice %arg16[%dma_start3A_267, %dma_start3A_268] : memref<10112x128xf32, #tpu.memory_space<vmem_shared>> -> memref<10112x128xf32, #tpu.memory_space<vmem_shared>>
        tpu.enqueue_indirect_dma source(%arg13 : memref<64x128xf32, #tpu.memory_space<vmem>>) target(%dma_start3A_269 : memref<10112x128xf32, #tpu.memory_space<vmem_shared>>) offsets(%dma_start3A_266 : memref<64xi32, #tpu.memory_space<vmem>>) semaphore(%run_scoped3A_263 : memref<!tpu.dma_semaphore, #tpu.memory_space<semaphore_mem>>) {add = true}
        %dma_wait3A_270 = arith.constant 0 : i32
        %dma_wait3A_271 = tpu.memref_slice %arg8[%run_scoped3A_190, %dma_wait3A_270] : memref<2x64xi32, #tpu.memory_space<vmem>> -> memref<1x64xi32, #tpu.memory_space<vmem>>
        %dma_wait3A_272 = tpu.memref_squeeze %dma_wait3A_271 : memref<1x64xi32, #tpu.memory_space<vmem>> -> memref<64xi32, #tpu.memory_space<vmem>>
        %dma_wait3A_273 = arith.constant 0 : i32
        %dma_wait3A_274 = arith.constant 0 : i32
        %dma_wait3A_275 = tpu.memref_slice %arg16[%dma_wait3A_273, %dma_wait3A_274] : memref<10112x128xf32, #tpu.memory_space<vmem_shared>> -> memref<10112x128xf32, #tpu.memory_space<vmem_shared>>
        tpu.wait_indirect_dma semaphore(%run_scoped3A_263 : memref<!tpu.dma_semaphore, #tpu.memory_space<semaphore_mem>>) src(%arg13 : memref<64x128xf32, #tpu.memory_space<vmem>>) dst(%dma_wait3A_275 : memref<10112x128xf32, #tpu.memory_space<vmem_shared>>)
        tpu.yield
      }) : () -> ()
      %add3A_191 = arith.constant 5 : i32
      %add3A_192 = arith.addi %add3A_182, %add3A_191 : i32
      %lt3A_193 = arith.constant 160 : i32
      %lt3A_194 = arith.cmpi slt, %add3A_192, %lt3A_193 : i32
      %convert_element_type3A_195 = arith.extui %lt3A_194 : i1 to i32
      %cond3A_196 = arith.constant 0 : i32
      %cond3A_197 = arith.cmpi ne, %convert_element_type3A_195, %cond3A_196 : i32
      scf.if %cond3A_197 {
        %add3A_263 = arith.addi %mul3A_4, %add3A_182 : i32
        %add3A_264 = arith.constant 5 : i32
        %add3A_265 = arith.addi %add3A_263, %add3A_264 : i32
        %dma_start3A_266 = arith.constant 0 : i32
        %dma_start3A_267 = arith.constant 0 : i32
        %dma_start3A_268 = tpu.memref_slice %arg3[%add3A_265, %dma_start3A_266, %dma_start3A_267] : memref<5120x2x64xi32, #tpu.memory_space<hbm>> -> memref<1x2x64xi32, #tpu.memory_space<hbm>>
        %dma_start3A_269 = tpu.memref_squeeze %dma_start3A_268 : memref<1x2x64xi32, #tpu.memory_space<hbm>> -> memref<2x64xi32, #tpu.memory_space<hbm>>
        %dma_start3A_270 = arith.constant 0 : i32
        %dma_start3A_271 = arith.constant 0 : i32
        %dma_start3A_272 = tpu.memref_slice %arg3[%add3A_265, %dma_start3A_270, %dma_start3A_271] : memref<5120x2x64xi32, #tpu.memory_space<hbm>> -> memref<1x2x64xi32, #tpu.memory_space<hbm>>
        %dma_start3A_273 = tpu.memref_squeeze %dma_start3A_272 : memref<1x2x64xi32, #tpu.memory_space<hbm>> -> memref<2x64xi32, #tpu.memory_space<hbm>>
        tpu.enqueue_dma source(%dma_start3A_273 : memref<2x64xi32, #tpu.memory_space<hbm>>) target(%arg8 : memref<2x64xi32, #tpu.memory_space<vmem>>) target_semaphore(%arg19 : memref<!tpu.dma_semaphore, #tpu.memory_space<semaphore_mem>>)
      } else {
      }
      %add3A_198 = arith.constant 5 : i32
      %add3A_199 = arith.addi %add3A_182, %add3A_198 : i32
      %sub3A_200 = arith.constant 1 : i32
      %sub3A_201 = arith.subi %add3A_199, %sub3A_200 : i32
      %lt3A_202 = arith.constant 160 : i32
      %lt3A_203 = arith.cmpi slt, %sub3A_201, %lt3A_202 : i32
      %convert_element_type3A_204 = arith.extui %lt3A_203 : i1 to i32
      %cond3A_205 = arith.constant 0 : i32
      %cond3A_206 = arith.cmpi ne, %convert_element_type3A_204, %cond3A_205 : i32
      scf.if %cond3A_206 {
        %add3A_263 = arith.addi %mul3A_4, %add3A_182 : i32
        %add3A_264 = arith.constant 5 : i32
        %add3A_265 = arith.addi %add3A_263, %add3A_264 : i32
        %sub3A_266 = arith.constant 1 : i32
        %sub3A_267 = arith.subi %add3A_265, %sub3A_266 : i32
        %dma_wait3A_268 = arith.constant 0 : i32
        %dma_wait3A_269 = arith.constant 0 : i32
        %dma_wait3A_270 = tpu.memref_slice %arg3[%sub3A_267, %dma_wait3A_268, %dma_wait3A_269] : memref<5120x2x64xi32, #tpu.memory_space<hbm>> -> memref<1x2x64xi32, #tpu.memory_space<hbm>>
        %dma_wait3A_271 = tpu.memref_squeeze %dma_wait3A_270 : memref<1x2x64xi32, #tpu.memory_space<hbm>> -> memref<2x64xi32, #tpu.memory_space<hbm>>
        %dma_wait3A_272 = arith.constant 0 : i32
        %dma_wait3A_273 = arith.constant 0 : i32
        %dma_wait3A_274 = tpu.memref_slice %arg3[%sub3A_267, %dma_wait3A_272, %dma_wait3A_273] : memref<5120x2x64xi32, #tpu.memory_space<hbm>> -> memref<1x2x64xi32, #tpu.memory_space<hbm>>
        %dma_wait3A_275 = tpu.memref_squeeze %dma_wait3A_274 : memref<1x2x64xi32, #tpu.memory_space<hbm>> -> memref<2x64xi32, #tpu.memory_space<hbm>>
        tpu.wait_dma2 semaphore(%arg18 : memref<!tpu.dma_semaphore, #tpu.memory_space<semaphore_mem>>) src(%dma_wait3A_275 : memref<2x64xi32, #tpu.memory_space<hbm>>) dst(%arg7 : memref<2x64xi32, #tpu.memory_space<vmem>>)
        %dma_start3A_276 = arith.constant 0 : i32
        %dma_start3A_277 = arith.constant 0 : i32
        %dma_start3A_278 = tpu.memref_slice %arg7[%dma_start3A_276, %dma_start3A_277] : memref<2x64xi32, #tpu.memory_space<vmem>> -> memref<1x64xi32, #tpu.memory_space<vmem>>
        %dma_start3A_279 = tpu.memref_squeeze %dma_start3A_278 : memref<1x64xi32, #tpu.memory_space<vmem>> -> memref<64xi32, #tpu.memory_space<vmem>>
        %dma_start3A_280 = arith.constant 0 : i32
        %dma_start3A_281 = arith.constant 0 : i32
        %dma_start3A_282 = tpu.memref_slice %arg2[%dma_start3A_280, %dma_start3A_281] : memref<10000x128xf32, #tpu.memory_space<hbm>> -> memref<10000x128xf32, #tpu.memory_space<hbm>>
        tpu.enqueue_indirect_dma source(%dma_start3A_282 : memref<10000x128xf32, #tpu.memory_space<hbm>>) target(%arg12 : memref<64x128xf32, #tpu.memory_space<vmem>>) offsets(%dma_start3A_279 : memref<64xi32, #tpu.memory_space<vmem>>) semaphore(%arg23 : memref<!tpu.dma_semaphore, #tpu.memory_space<semaphore_mem>>)
      } else {
      }
      %mul3A_207 = arith.constant 5 : i32
      %mul3A_208 = arith.muli %scan3A_127, %mul3A_207 : i32
      %add3A_209 = arith.constant 3 : i32
      %add3A_210 = arith.addi %mul3A_208, %add3A_209 : i32
      %dma_wait3A_211 = arith.constant 0 : i32
      %dma_wait3A_212 = arith.constant 0 : i32
      %dma_wait3A_213 = tpu.memref_slice %arg9[%dma_wait3A_211, %dma_wait3A_212] : memref<2x64xi32, #tpu.memory_space<vmem>> -> memref<1x64xi32, #tpu.memory_space<vmem>>
      %dma_wait3A_214 = tpu.memref_squeeze %dma_wait3A_213 : memref<1x64xi32, #tpu.memory_space<vmem>> -> memref<64xi32, #tpu.memory_space<vmem>>
      %dma_wait3A_215 = arith.constant 0 : i32
      %dma_wait3A_216 = arith.constant 0 : i32
      %dma_wait3A_217 = tpu.memref_slice %arg2[%dma_wait3A_215, %dma_wait3A_216] : memref<10000x128xf32, #tpu.memory_space<hbm>> -> memref<10000x128xf32, #tpu.memory_space<hbm>>
      tpu.wait_indirect_dma semaphore(%arg25 : memref<!tpu.dma_semaphore, #tpu.memory_space<semaphore_mem>>) src(%dma_wait3A_217 : memref<10000x128xf32, #tpu.memory_space<hbm>>) dst(%arg14 : memref<64x128xf32, #tpu.memory_space<vmem>>)
      %run_scoped3A_218 = arith.constant 1 : i32
      "tpu.region"() ({
        %run_scoped3A_263 = tpu.sem_alloc : memref<!tpu.dma_semaphore, #tpu.memory_space<semaphore_mem>>
        %dma_start3A_264 = arith.constant 0 : i32
        %dma_start3A_265 = tpu.memref_slice %arg9[%run_scoped3A_218, %dma_start3A_264] : memref<2x64xi32, #tpu.memory_space<vmem>> -> memref<1x64xi32, #tpu.memory_space<vmem>>
        %dma_start3A_266 = tpu.memref_squeeze %dma_start3A_265 : memref<1x64xi32, #tpu.memory_space<vmem>> -> memref<64xi32, #tpu.memory_space<vmem>>
        %dma_start3A_267 = arith.constant 0 : i32
        %dma_start3A_268 = arith.constant 0 : i32
        %dma_start3A_269 = tpu.memref_slice %arg16[%dma_start3A_267, %dma_start3A_268] : memref<10112x128xf32, #tpu.memory_space<vmem_shared>> -> memref<10112x128xf32, #tpu.memory_space<vmem_shared>>
        tpu.enqueue_indirect_dma source(%arg14 : memref<64x128xf32, #tpu.memory_space<vmem>>) target(%dma_start3A_269 : memref<10112x128xf32, #tpu.memory_space<vmem_shared>>) offsets(%dma_start3A_266 : memref<64xi32, #tpu.memory_space<vmem>>) semaphore(%run_scoped3A_263 : memref<!tpu.dma_semaphore, #tpu.memory_space<semaphore_mem>>) {add = true}
        %dma_wait3A_270 = arith.constant 0 : i32
        %dma_wait3A_271 = tpu.memref_slice %arg9[%run_scoped3A_218, %dma_wait3A_270] : memref<2x64xi32, #tpu.memory_space<vmem>> -> memref<1x64xi32, #tpu.memory_space<vmem>>
        %dma_wait3A_272 = tpu.memref_squeeze %dma_wait3A_271 : memref<1x64xi32, #tpu.memory_space<vmem>> -> memref<64xi32, #tpu.memory_space<vmem>>
        %dma_wait3A_273 = arith.constant 0 : i32
        %dma_wait3A_274 = arith.constant 0 : i32
        %dma_wait3A_275 = tpu.memref_slice %arg16[%dma_wait3A_273, %dma_wait3A_274] : memref<10112x128xf32, #tpu.memory_space<vmem_shared>> -> memref<10112x128xf32, #tpu.memory_space<vmem_shared>>
        tpu.wait_indirect_dma semaphore(%run_scoped3A_263 : memref<!tpu.dma_semaphore, #tpu.memory_space<semaphore_mem>>) src(%arg14 : memref<64x128xf32, #tpu.memory_space<vmem>>) dst(%dma_wait3A_275 : memref<10112x128xf32, #tpu.memory_space<vmem_shared>>)
        tpu.yield
      }) : () -> ()
      %add3A_219 = arith.constant 5 : i32
      %add3A_220 = arith.addi %add3A_210, %add3A_219 : i32
      %lt3A_221 = arith.constant 160 : i32
      %lt3A_222 = arith.cmpi slt, %add3A_220, %lt3A_221 : i32
      %convert_element_type3A_223 = arith.extui %lt3A_222 : i1 to i32
      %cond3A_224 = arith.constant 0 : i32
      %cond3A_225 = arith.cmpi ne, %convert_element_type3A_223, %cond3A_224 : i32
      scf.if %cond3A_225 {
        %add3A_263 = arith.addi %mul3A_4, %add3A_210 : i32
        %add3A_264 = arith.constant 5 : i32
        %add3A_265 = arith.addi %add3A_263, %add3A_264 : i32
        %dma_start3A_266 = arith.constant 0 : i32
        %dma_start3A_267 = arith.constant 0 : i32
        %dma_start3A_268 = tpu.memref_slice %arg3[%add3A_265, %dma_start3A_266, %dma_start3A_267] : memref<5120x2x64xi32, #tpu.memory_space<hbm>> -> memref<1x2x64xi32, #tpu.memory_space<hbm>>
        %dma_start3A_269 = tpu.memref_squeeze %dma_start3A_268 : memref<1x2x64xi32, #tpu.memory_space<hbm>> -> memref<2x64xi32, #tpu.memory_space<hbm>>
        %dma_start3A_270 = arith.constant 0 : i32
        %dma_start3A_271 = arith.constant 0 : i32
        %dma_start3A_272 = tpu.memref_slice %arg3[%add3A_265, %dma_start3A_270, %dma_start3A_271] : memref<5120x2x64xi32, #tpu.memory_space<hbm>> -> memref<1x2x64xi32, #tpu.memory_space<hbm>>
        %dma_start3A_273 = tpu.memref_squeeze %dma_start3A_272 : memref<1x2x64xi32, #tpu.memory_space<hbm>> -> memref<2x64xi32, #tpu.memory_space<hbm>>
        tpu.enqueue_dma source(%dma_start3A_273 : memref<2x64xi32, #tpu.memory_space<hbm>>) target(%arg9 : memref<2x64xi32, #tpu.memory_space<vmem>>) target_semaphore(%arg20 : memref<!tpu.dma_semaphore, #tpu.memory_space<semaphore_mem>>)
      } else {
      }
      %add3A_226 = arith.constant 5 : i32
      %add3A_227 = arith.addi %add3A_210, %add3A_226 : i32
      %sub3A_228 = arith.constant 1 : i32
      %sub3A_229 = arith.subi %add3A_227, %sub3A_228 : i32
      %lt3A_230 = arith.constant 160 : i32
      %lt3A_231 = arith.cmpi slt, %sub3A_229, %lt3A_230 : i32
      %convert_element_type3A_232 = arith.extui %lt3A_231 : i1 to i32
      %cond3A_233 = arith.constant 0 : i32
      %cond3A_234 = arith.cmpi ne, %convert_element_type3A_232, %cond3A_233 : i32
      scf.if %cond3A_234 {
        %add3A_263 = arith.addi %mul3A_4, %add3A_210 : i32
        %add3A_264 = arith.constant 5 : i32
        %add3A_265 = arith.addi %add3A_263, %add3A_264 : i32
        %sub3A_266 = arith.constant 1 : i32
        %sub3A_267 = arith.subi %add3A_265, %sub3A_266 : i32
        %dma_wait3A_268 = arith.constant 0 : i32
        %dma_wait3A_269 = arith.constant 0 : i32
        %dma_wait3A_270 = tpu.memref_slice %arg3[%sub3A_267, %dma_wait3A_268, %dma_wait3A_269] : memref<5120x2x64xi32, #tpu.memory_space<hbm>> -> memref<1x2x64xi32, #tpu.memory_space<hbm>>
        %dma_wait3A_271 = tpu.memref_squeeze %dma_wait3A_270 : memref<1x2x64xi32, #tpu.memory_space<hbm>> -> memref<2x64xi32, #tpu.memory_space<hbm>>
        %dma_wait3A_272 = arith.constant 0 : i32
        %dma_wait3A_273 = arith.constant 0 : i32
        %dma_wait3A_274 = tpu.memref_slice %arg3[%sub3A_267, %dma_wait3A_272, %dma_wait3A_273] : memref<5120x2x64xi32, #tpu.memory_space<hbm>> -> memref<1x2x64xi32, #tpu.memory_space<hbm>>
        %dma_wait3A_275 = tpu.memref_squeeze %dma_wait3A_274 : memref<1x2x64xi32, #tpu.memory_space<hbm>> -> memref<2x64xi32, #tpu.memory_space<hbm>>
        tpu.wait_dma2 semaphore(%arg19 : memref<!tpu.dma_semaphore, #tpu.memory_space<semaphore_mem>>) src(%dma_wait3A_275 : memref<2x64xi32, #tpu.memory_space<hbm>>) dst(%arg8 : memref<2x64xi32, #tpu.memory_space<vmem>>)
        %dma_start3A_276 = arith.constant 0 : i32
        %dma_start3A_277 = arith.constant 0 : i32
        %dma_start3A_278 = tpu.memref_slice %arg8[%dma_start3A_276, %dma_start3A_277] : memref<2x64xi32, #tpu.memory_space<vmem>> -> memref<1x64xi32, #tpu.memory_space<vmem>>
        %dma_start3A_279 = tpu.memref_squeeze %dma_start3A_278 : memref<1x64xi32, #tpu.memory_space<vmem>> -> memref<64xi32, #tpu.memory_space<vmem>>
        %dma_start3A_280 = arith.constant 0 : i32
        %dma_start3A_281 = arith.constant 0 : i32
        %dma_start3A_282 = tpu.memref_slice %arg2[%dma_start3A_280, %dma_start3A_281] : memref<10000x128xf32, #tpu.memory_space<hbm>> -> memref<10000x128xf32, #tpu.memory_space<hbm>>
        tpu.enqueue_indirect_dma source(%dma_start3A_282 : memref<10000x128xf32, #tpu.memory_space<hbm>>) target(%arg13 : memref<64x128xf32, #tpu.memory_space<vmem>>) offsets(%dma_start3A_279 : memref<64xi32, #tpu.memory_space<vmem>>) semaphore(%arg24 : memref<!tpu.dma_semaphore, #tpu.memory_space<semaphore_mem>>)
      } else {
      }
      %mul3A_235 = arith.constant 5 : i32
      %mul3A_236 = arith.muli %scan3A_127, %mul3A_235 : i32
      %add3A_237 = arith.constant 4 : i32
      %add3A_238 = arith.addi %mul3A_236, %add3A_237 : i32
      %dma_wait3A_239 = arith.constant 0 : i32
      %dma_wait3A_240 = arith.constant 0 : i32
      %dma_wait3A_241 = tpu.memref_slice %arg10[%dma_wait3A_239, %dma_wait3A_240] : memref<2x64xi32, #tpu.memory_space<vmem>> -> memref<1x64xi32, #tpu.memory_space<vmem>>
      %dma_wait3A_242 = tpu.memref_squeeze %dma_wait3A_241 : memref<1x64xi32, #tpu.memory_space<vmem>> -> memref<64xi32, #tpu.memory_space<vmem>>
      %dma_wait3A_243 = arith.constant 0 : i32
      %dma_wait3A_244 = arith.constant 0 : i32
      %dma_wait3A_245 = tpu.memref_slice %arg2[%dma_wait3A_243, %dma_wait3A_244] : memref<10000x128xf32, #tpu.memory_space<hbm>> -> memref<10000x128xf32, #tpu.memory_space<hbm>>
      tpu.wait_indirect_dma semaphore(%arg26 : memref<!tpu.dma_semaphore, #tpu.memory_space<semaphore_mem>>) src(%dma_wait3A_245 : memref<10000x128xf32, #tpu.memory_space<hbm>>) dst(%arg15 : memref<64x128xf32, #tpu.memory_space<vmem>>)
      %run_scoped3A_246 = arith.constant 1 : i32
      "tpu.region"() ({
        %run_scoped3A_263 = tpu.sem_alloc : memref<!tpu.dma_semaphore, #tpu.memory_space<semaphore_mem>>
        %dma_start3A_264 = arith.constant 0 : i32
        %dma_start3A_265 = tpu.memref_slice %arg10[%run_scoped3A_246, %dma_start3A_264] : memref<2x64xi32, #tpu.memory_space<vmem>> -> memref<1x64xi32, #tpu.memory_space<vmem>>
        %dma_start3A_266 = tpu.memref_squeeze %dma_start3A_265 : memref<1x64xi32, #tpu.memory_space<vmem>> -> memref<64xi32, #tpu.memory_space<vmem>>
        %dma_start3A_267 = arith.constant 0 : i32
        %dma_start3A_268 = arith.constant 0 : i32
        %dma_start3A_269 = tpu.memref_slice %arg16[%dma_start3A_267, %dma_start3A_268] : memref<10112x128xf32, #tpu.memory_space<vmem_shared>> -> memref<10112x128xf32, #tpu.memory_space<vmem_shared>>
        tpu.enqueue_indirect_dma source(%arg15 : memref<64x128xf32, #tpu.memory_space<vmem>>) target(%dma_start3A_269 : memref<10112x128xf32, #tpu.memory_space<vmem_shared>>) offsets(%dma_start3A_266 : memref<64xi32, #tpu.memory_space<vmem>>) semaphore(%run_scoped3A_263 : memref<!tpu.dma_semaphore, #tpu.memory_space<semaphore_mem>>) {add = true}
        %dma_wait3A_270 = arith.constant 0 : i32
        %dma_wait3A_271 = tpu.memref_slice %arg10[%run_scoped3A_246, %dma_wait3A_270] : memref<2x64xi32, #tpu.memory_space<vmem>> -> memref<1x64xi32, #tpu.memory_space<vmem>>
        %dma_wait3A_272 = tpu.memref_squeeze %dma_wait3A_271 : memref<1x64xi32, #tpu.memory_space<vmem>> -> memref<64xi32, #tpu.memory_space<vmem>>
        %dma_wait3A_273 = arith.constant 0 : i32
        %dma_wait3A_274 = arith.constant 0 : i32
        %dma_wait3A_275 = tpu.memref_slice %arg16[%dma_wait3A_273, %dma_wait3A_274] : memref<10112x128xf32, #tpu.memory_space<vmem_shared>> -> memref<10112x128xf32, #tpu.memory_space<vmem_shared>>
        tpu.wait_indirect_dma semaphore(%run_scoped3A_263 : memref<!tpu.dma_semaphore, #tpu.memory_space<semaphore_mem>>) src(%arg15 : memref<64x128xf32, #tpu.memory_space<vmem>>) dst(%dma_wait3A_275 : memref<10112x128xf32, #tpu.memory_space<vmem_shared>>)
        tpu.yield
      }) : () -> ()
      %add3A_247 = arith.constant 5 : i32
      %add3A_248 = arith.addi %add3A_238, %add3A_247 : i32
      %lt3A_249 = arith.constant 160 : i32
      %lt3A_250 = arith.cmpi slt, %add3A_248, %lt3A_249 : i32
      %convert_element_type3A_251 = arith.extui %lt3A_250 : i1 to i32
      %cond3A_252 = arith.constant 0 : i32
      %cond3A_253 = arith.cmpi ne, %convert_element_type3A_251, %cond3A_252 : i32
      scf.if %cond3A_253 {
        %add3A_263 = arith.addi %mul3A_4, %add3A_238 : i32
        %add3A_264 = arith.constant 5 : i32
        %add3A_265 = arith.addi %add3A_263, %add3A_264 : i32
        %dma_start3A_266 = arith.constant 0 : i32
        %dma_start3A_267 = arith.constant 0 : i32
        %dma_start3A_268 = tpu.memref_slice %arg3[%add3A_265, %dma_start3A_266, %dma_start3A_267] : memref<5120x2x64xi32, #tpu.memory_space<hbm>> -> memref<1x2x64xi32, #tpu.memory_space<hbm>>
        %dma_start3A_269 = tpu.memref_squeeze %dma_start3A_268 : memref<1x2x64xi32, #tpu.memory_space<hbm>> -> memref<2x64xi32, #tpu.memory_space<hbm>>
        %dma_start3A_270 = arith.constant 0 : i32
        %dma_start3A_271 = arith.constant 0 : i32
        %dma_start3A_272 = tpu.memref_slice %arg3[%add3A_265, %dma_start3A_270, %dma_start3A_271] : memref<5120x2x64xi32, #tpu.memory_space<hbm>> -> memref<1x2x64xi32, #tpu.memory_space<hbm>>
        %dma_start3A_273 = tpu.memref_squeeze %dma_start3A_272 : memref<1x2x64xi32, #tpu.memory_space<hbm>> -> memref<2x64xi32, #tpu.memory_space<hbm>>
        tpu.enqueue_dma source(%dma_start3A_273 : memref<2x64xi32, #tpu.memory_space<hbm>>) target(%arg10 : memref<2x64xi32, #tpu.memory_space<vmem>>) target_semaphore(%arg21 : memref<!tpu.dma_semaphore, #tpu.memory_space<semaphore_mem>>)
      } else {
      }
      %add3A_254 = arith.constant 5 : i32
      %add3A_255 = arith.addi %add3A_238, %add3A_254 : i32
      %sub3A_256 = arith.constant 1 : i32
      %sub3A_257 = arith.subi %add3A_255, %sub3A_256 : i32
      %lt3A_258 = arith.constant 160 : i32
      %lt3A_259 = arith.cmpi slt, %sub3A_257, %lt3A_258 : i32
      %convert_element_type3A_260 = arith.extui %lt3A_259 : i1 to i32
      %cond3A_261 = arith.constant 0 : i32
      %cond3A_262 = arith.cmpi ne, %convert_element_type3A_260, %cond3A_261 : i32
      scf.if %cond3A_262 {
        %add3A_263 = arith.addi %mul3A_4, %add3A_238 : i32
        %add3A_264 = arith.constant 5 : i32
        %add3A_265 = arith.addi %add3A_263, %add3A_264 : i32
        %sub3A_266 = arith.constant 1 : i32
        %sub3A_267 = arith.subi %add3A_265, %sub3A_266 : i32
        %dma_wait3A_268 = arith.constant 0 : i32
        %dma_wait3A_269 = arith.constant 0 : i32
        %dma_wait3A_270 = tpu.memref_slice %arg3[%sub3A_267, %dma_wait3A_268, %dma_wait3A_269] : memref<5120x2x64xi32, #tpu.memory_space<hbm>> -> memref<1x2x64xi32, #tpu.memory_space<hbm>>
        %dma_wait3A_271 = tpu.memref_squeeze %dma_wait3A_270 : memref<1x2x64xi32, #tpu.memory_space<hbm>> -> memref<2x64xi32, #tpu.memory_space<hbm>>
        %dma_wait3A_272 = arith.constant 0 : i32
        %dma_wait3A_273 = arith.constant 0 : i32
        %dma_wait3A_274 = tpu.memref_slice %arg3[%sub3A_267, %dma_wait3A_272, %dma_wait3A_273] : memref<5120x2x64xi32, #tpu.memory_space<hbm>> -> memref<1x2x64xi32, #tpu.memory_space<hbm>>
        %dma_wait3A_275 = tpu.memref_squeeze %dma_wait3A_274 : memref<1x2x64xi32, #tpu.memory_space<hbm>> -> memref<2x64xi32, #tpu.memory_space<hbm>>
        tpu.wait_dma2 semaphore(%arg20 : memref<!tpu.dma_semaphore, #tpu.memory_space<semaphore_mem>>) src(%dma_wait3A_275 : memref<2x64xi32, #tpu.memory_space<hbm>>) dst(%arg9 : memref<2x64xi32, #tpu.memory_space<vmem>>)
        %dma_start3A_276 = arith.constant 0 : i32
        %dma_start3A_277 = arith.constant 0 : i32
        %dma_start3A_278 = tpu.memref_slice %arg9[%dma_start3A_276, %dma_start3A_277] : memref<2x64xi32, #tpu.memory_space<vmem>> -> memref<1x64xi32, #tpu.memory_space<vmem>>
        %dma_start3A_279 = tpu.memref_squeeze %dma_start3A_278 : memref<1x64xi32, #tpu.memory_space<vmem>> -> memref<64xi32, #tpu.memory_space<vmem>>
        %dma_start3A_280 = arith.constant 0 : i32
        %dma_start3A_281 = arith.constant 0 : i32
        %dma_start3A_282 = tpu.memref_slice %arg2[%dma_start3A_280, %dma_start3A_281] : memref<10000x128xf32, #tpu.memory_space<hbm>> -> memref<10000x128xf32, #tpu.memory_space<hbm>>
        tpu.enqueue_indirect_dma source(%dma_start3A_282 : memref<10000x128xf32, #tpu.memory_space<hbm>>) target(%arg14 : memref<64x128xf32, #tpu.memory_space<vmem>>) offsets(%dma_start3A_279 : memref<64xi32, #tpu.memory_space<vmem>>) semaphore(%arg25 : memref<!tpu.dma_semaphore, #tpu.memory_space<semaphore_mem>>)
      } else {
      }
    }
    %scan3A_125 = arith.constant 32 : i32
    %barrier3A_126 = arith.constant 0 : index
    tpu.barrier barrier_id(%barrier3A_126)
    "tpu.region"() ({
      %run_scoped3A = tpu.sem_alloc : memref<!tpu.dma_semaphore, #tpu.memory_space<semaphore_mem>>
      %dma_start3A_127 = arith.constant 0 : i32
      %dma_start3A_128 = tpu.memref_slice %arg5[%arg0, %mul3A_2, %dma_start3A_127] : memref<2x10112x128xf32, #tpu.memory_space<hbm>> -> memref<1x632x128xf32, #tpu.memory_space<hbm>>
      %dma_start3A_129 = tpu.memref_squeeze %dma_start3A_128 : memref<1x632x128xf32, #tpu.memory_space<hbm>> -> memref<632x128xf32, #tpu.memory_space<hbm>>
      %dma_start3A_130 = arith.constant 0 : i32
      %dma_start3A_131 = tpu.memref_slice %arg16[%mul3A_2, %dma_start3A_130] : memref<10112x128xf32, #tpu.memory_space<vmem_shared>> -> memref<632x128xf32, #tpu.memory_space<vmem_shared>>
      tpu.enqueue_dma source(%dma_start3A_131 : memref<632x128xf32, #tpu.memory_space<vmem_shared>>) target(%dma_start3A_129 : memref<632x128xf32, #tpu.memory_space<hbm>>) target_semaphore(%run_scoped3A : memref<!tpu.dma_semaphore, #tpu.memory_space<semaphore_mem>>)
      %dma_wait3A_132 = arith.constant 0 : i32
      %dma_wait3A_133 = tpu.memref_slice %arg5[%arg0, %mul3A_2, %dma_wait3A_132] : memref<2x10112x128xf32, #tpu.memory_space<hbm>> -> memref<1x632x128xf32, #tpu.memory_space<hbm>>
      %dma_wait3A_134 = tpu.memref_squeeze %dma_wait3A_133 : memref<1x632x128xf32, #tpu.memory_space<hbm>> -> memref<632x128xf32, #tpu.memory_space<hbm>>
      %dma_wait3A_135 = arith.constant 0 : i32
      %dma_wait3A_136 = tpu.memref_slice %arg16[%mul3A_2, %dma_wait3A_135] : memref<10112x128xf32, #tpu.memory_space<vmem_shared>> -> memref<632x128xf32, #tpu.memory_space<vmem_shared>>
      tpu.wait_dma2 semaphore(%run_scoped3A : memref<!tpu.dma_semaphore, #tpu.memory_space<semaphore_mem>>) src(%dma_wait3A_136 : memref<632x128xf32, #tpu.memory_space<vmem_shared>>) dst(%dma_wait3A_134 : memref<632x128xf32, #tpu.memory_space<hbm>>)
      tpu.yield
    }) : () -> ()
    return
  }
}

#map = affine_map<(d0, d1) -> (0, 0)>
#map1 = affine_map<(d0, d1) -> (0, 0, 0)>
module attributes {stable_mosaic.version = 14 : i64} {
  func.func @_sc_deg_body(%arg0: i32, %arg1: i32, %arg2: memref<5120x64xi32, #tpu.memory_space<hbm>>, %arg3: memref<10112x128xf32, #tpu.memory_space<hbm>>, %arg4: memref<64x128xf32, #tpu.memory_space<hbm>>, %arg5: memref<2x10112x128xf32, #tpu.memory_space<hbm>>, %arg6: memref<160x64xi32, #tpu.memory_space<vmem>>, %arg7: memref<64x128xf32, #tpu.memory_space<vmem>>, %arg8: memref<10112x128xf32, #tpu.memory_space<vmem_shared>>, %arg9: memref<!tpu.dma_semaphore, #tpu.memory_space<semaphore_mem>>) attributes {dimension_semantics = [#tpu.dimension_semantics<core_parallel>, #tpu.dimension_semantics<subcore_parallel>], iteration_bounds = array<i64: 2, 16>, scalar_prefetch = 0 : i64, scratch_operands = 4 : i64, tpu.core_type = #tpu.core_type<sc_vector_subcore>, window_params = [{transform_indices = #map}, {transform_indices = #map}, {transform_indices = #map}, {transform_indices = #map1}]} {
    %mul3A = arith.constant 16 : i32
    %mul3A_0 = arith.muli %arg0, %mul3A : i32
    %add3A = arith.addi %mul3A_0, %arg1 : i32
    %mul3A_1 = arith.constant 632 : i32
    %mul3A_2 = arith.muli %arg1, %mul3A_1 : i32
    %mul3A_3 = arith.constant 160 : i32
    %mul3A_4 = arith.muli %add3A, %mul3A_3 : i32
    "tpu.region"() ({
      %run_scoped3A = tpu.sem_alloc : memref<!tpu.dma_semaphore, #tpu.memory_space<semaphore_mem>>
      %dma_start3A = arith.constant 0 : i32
      %dma_start3A_11 = tpu.memref_slice %arg2[%mul3A_4, %dma_start3A] : memref<5120x64xi32, #tpu.memory_space<hbm>> -> memref<160x64xi32, #tpu.memory_space<hbm>>
      %dma_start3A_12 = arith.constant 0 : i32
      %dma_start3A_13 = tpu.memref_slice %arg2[%mul3A_4, %dma_start3A_12] : memref<5120x64xi32, #tpu.memory_space<hbm>> -> memref<160x64xi32, #tpu.memory_space<hbm>>
      tpu.enqueue_dma source(%dma_start3A_13 : memref<160x64xi32, #tpu.memory_space<hbm>>) target(%arg6 : memref<160x64xi32, #tpu.memory_space<vmem>>) target_semaphore(%run_scoped3A : memref<!tpu.dma_semaphore, #tpu.memory_space<semaphore_mem>>)
      %dma_wait3A = arith.constant 0 : i32
      %dma_wait3A_14 = tpu.memref_slice %arg2[%mul3A_4, %dma_wait3A] : memref<5120x64xi32, #tpu.memory_space<hbm>> -> memref<160x64xi32, #tpu.memory_space<hbm>>
      %dma_wait3A_15 = arith.constant 0 : i32
      %dma_wait3A_16 = tpu.memref_slice %arg2[%mul3A_4, %dma_wait3A_15] : memref<5120x64xi32, #tpu.memory_space<hbm>> -> memref<160x64xi32, #tpu.memory_space<hbm>>
      tpu.wait_dma2 semaphore(%run_scoped3A : memref<!tpu.dma_semaphore, #tpu.memory_space<semaphore_mem>>) src(%dma_wait3A_16 : memref<160x64xi32, #tpu.memory_space<hbm>>) dst(%arg6 : memref<160x64xi32, #tpu.memory_space<vmem>>)
      tpu.yield
    }) : () -> ()
    "tpu.region"() ({
      %run_scoped3A = tpu.sem_alloc : memref<!tpu.dma_semaphore, #tpu.memory_space<semaphore_mem>>
      tpu.enqueue_dma source(%arg4 : memref<64x128xf32, #tpu.memory_space<hbm>>) target(%arg7 : memref<64x128xf32, #tpu.memory_space<vmem>>) target_semaphore(%run_scoped3A : memref<!tpu.dma_semaphore, #tpu.memory_space<semaphore_mem>>)
      tpu.wait_dma2 semaphore(%run_scoped3A : memref<!tpu.dma_semaphore, #tpu.memory_space<semaphore_mem>>) src(%arg4 : memref<64x128xf32, #tpu.memory_space<hbm>>) dst(%arg7 : memref<64x128xf32, #tpu.memory_space<vmem>>)
      tpu.yield
    }) : () -> ()
    "tpu.region"() ({
      %run_scoped3A = tpu.sem_alloc : memref<!tpu.dma_semaphore, #tpu.memory_space<semaphore_mem>>
      %dma_start3A = arith.constant 0 : i32
      %dma_start3A_11 = tpu.memref_slice %arg8[%mul3A_2, %dma_start3A] : memref<10112x128xf32, #tpu.memory_space<vmem_shared>> -> memref<632x128xf32, #tpu.memory_space<vmem_shared>>
      %dma_start3A_12 = arith.constant 0 : i32
      %dma_start3A_13 = tpu.memref_slice %arg3[%mul3A_2, %dma_start3A_12] : memref<10112x128xf32, #tpu.memory_space<hbm>> -> memref<632x128xf32, #tpu.memory_space<hbm>>
      tpu.enqueue_dma source(%dma_start3A_13 : memref<632x128xf32, #tpu.memory_space<hbm>>) target(%dma_start3A_11 : memref<632x128xf32, #tpu.memory_space<vmem_shared>>) target_semaphore(%run_scoped3A : memref<!tpu.dma_semaphore, #tpu.memory_space<semaphore_mem>>)
      %dma_wait3A = arith.constant 0 : i32
      %dma_wait3A_14 = tpu.memref_slice %arg8[%mul3A_2, %dma_wait3A] : memref<10112x128xf32, #tpu.memory_space<vmem_shared>> -> memref<632x128xf32, #tpu.memory_space<vmem_shared>>
      %dma_wait3A_15 = arith.constant 0 : i32
      %dma_wait3A_16 = tpu.memref_slice %arg3[%mul3A_2, %dma_wait3A_15] : memref<10112x128xf32, #tpu.memory_space<hbm>> -> memref<632x128xf32, #tpu.memory_space<hbm>>
      tpu.wait_dma2 semaphore(%run_scoped3A : memref<!tpu.dma_semaphore, #tpu.memory_space<semaphore_mem>>) src(%dma_wait3A_16 : memref<632x128xf32, #tpu.memory_space<hbm>>) dst(%dma_wait3A_14 : memref<632x128xf32, #tpu.memory_space<vmem_shared>>)
      tpu.yield
    }) : () -> ()
    %barrier3A = arith.constant 0 : index
    tpu.barrier barrier_id(%barrier3A)
    %scan3A = arith.constant 0 : i32
    %scan3A_5 = arith.constant 0 : i32
    %scan3A_6 = arith.constant 160 : i32
    %scan3A_7 = arith.addi %scan3A_5, %scan3A_6 : i32
    %scan3A_8 = arith.constant 1 : i32
    scf.for %scan3A_11 = %scan3A_5 to %scan3A_7 step %scan3A_8  : i32 {
      "tpu.region"() ({
        %run_scoped3A = tpu.sem_alloc : memref<!tpu.dma_semaphore, #tpu.memory_space<semaphore_mem>>
        %dma_start3A = arith.constant 0 : i32
        %dma_start3A_12 = tpu.memref_slice %arg6[%scan3A_11, %dma_start3A] : memref<160x64xi32, #tpu.memory_space<vmem>> -> memref<1x64xi32, #tpu.memory_space<vmem>>
        %dma_start3A_13 = tpu.memref_squeeze %dma_start3A_12 : memref<1x64xi32, #tpu.memory_space<vmem>> -> memref<64xi32, #tpu.memory_space<vmem>>
        %dma_start3A_14 = arith.constant 0 : i32
        %dma_start3A_15 = arith.constant 0 : i32
        %dma_start3A_16 = tpu.memref_slice %arg8[%dma_start3A_14, %dma_start3A_15] : memref<10112x128xf32, #tpu.memory_space<vmem_shared>> -> memref<10112x128xf32, #tpu.memory_space<vmem_shared>>
        tpu.enqueue_indirect_dma source(%arg7 : memref<64x128xf32, #tpu.memory_space<vmem>>) target(%dma_start3A_16 : memref<10112x128xf32, #tpu.memory_space<vmem_shared>>) offsets(%dma_start3A_13 : memref<64xi32, #tpu.memory_space<vmem>>) semaphore(%run_scoped3A : memref<!tpu.dma_semaphore, #tpu.memory_space<semaphore_mem>>) {add = true}
        %dma_wait3A = arith.constant 0 : i32
        %dma_wait3A_17 = tpu.memref_slice %arg6[%scan3A_11, %dma_wait3A] : memref<160x64xi32, #tpu.memory_space<vmem>> -> memref<1x64xi32, #tpu.memory_space<vmem>>
        %dma_wait3A_18 = tpu.memref_squeeze %dma_wait3A_17 : memref<1x64xi32, #tpu.memory_space<vmem>> -> memref<64xi32, #tpu.memory_space<vmem>>
        %dma_wait3A_19 = arith.constant 0 : i32
        %dma_wait3A_20 = arith.constant 0 : i32
        %dma_wait3A_21 = tpu.memref_slice %arg8[%dma_wait3A_19, %dma_wait3A_20] : memref<10112x128xf32, #tpu.memory_space<vmem_shared>> -> memref<10112x128xf32, #tpu.memory_space<vmem_shared>>
        tpu.wait_indirect_dma semaphore(%run_scoped3A : memref<!tpu.dma_semaphore, #tpu.memory_space<semaphore_mem>>) src(%arg7 : memref<64x128xf32, #tpu.memory_space<vmem>>) dst(%dma_wait3A_21 : memref<10112x128xf32, #tpu.memory_space<vmem_shared>>)
        tpu.yield
      }) : () -> ()
    }
    %scan3A_9 = arith.constant 160 : i32
    %barrier3A_10 = arith.constant 0 : index
    tpu.barrier barrier_id(%barrier3A_10)
    "tpu.region"() ({
      %run_scoped3A = tpu.sem_alloc : memref<!tpu.dma_semaphore, #tpu.memory_space<semaphore_mem>>
      %dma_start3A = arith.constant 0 : i32
      %dma_start3A_11 = tpu.memref_slice %arg5[%arg0, %mul3A_2, %dma_start3A] : memref<2x10112x128xf32, #tpu.memory_space<hbm>> -> memref<1x632x128xf32, #tpu.memory_space<hbm>>
      %dma_start3A_12 = tpu.memref_squeeze %dma_start3A_11 : memref<1x632x128xf32, #tpu.memory_space<hbm>> -> memref<632x128xf32, #tpu.memory_space<hbm>>
      %dma_start3A_13 = arith.constant 0 : i32
      %dma_start3A_14 = tpu.memref_slice %arg8[%mul3A_2, %dma_start3A_13] : memref<10112x128xf32, #tpu.memory_space<vmem_shared>> -> memref<632x128xf32, #tpu.memory_space<vmem_shared>>
      tpu.enqueue_dma source(%dma_start3A_14 : memref<632x128xf32, #tpu.memory_space<vmem_shared>>) target(%dma_start3A_12 : memref<632x128xf32, #tpu.memory_space<hbm>>) target_semaphore(%run_scoped3A : memref<!tpu.dma_semaphore, #tpu.memory_space<semaphore_mem>>)
      %dma_wait3A = arith.constant 0 : i32
      %dma_wait3A_15 = tpu.memref_slice %arg5[%arg0, %mul3A_2, %dma_wait3A] : memref<2x10112x128xf32, #tpu.memory_space<hbm>> -> memref<1x632x128xf32, #tpu.memory_space<hbm>>
      %dma_wait3A_16 = tpu.memref_squeeze %dma_wait3A_15 : memref<1x632x128xf32, #tpu.memory_space<hbm>> -> memref<632x128xf32, #tpu.memory_space<hbm>>
      %dma_wait3A_17 = arith.constant 0 : i32
      %dma_wait3A_18 = tpu.memref_slice %arg8[%mul3A_2, %dma_wait3A_17] : memref<10112x128xf32, #tpu.memory_space<vmem_shared>> -> memref<632x128xf32, #tpu.memory_space<vmem_shared>>
      tpu.wait_dma2 semaphore(%run_scoped3A : memref<!tpu.dma_semaphore, #tpu.memory_space<semaphore_mem>>) src(%dma_wait3A_18 : memref<632x128xf32, #tpu.memory_space<vmem_shared>>) dst(%dma_wait3A_16 : memref<632x128xf32, #tpu.memory_space<hbm>>)
      tpu.yield
    }) : () -> ()
    return
  }
}

#map = affine_map<(d0, d1) -> (0, 0)>
#map1 = affine_map<(d0, d1) -> (0, 0, 0)>
module attributes {stable_mosaic.version = 14 : i64} {
  func.func @_sc_spmm_body(%arg0: i32, %arg1: i32, %arg2: memref<10000x128xf32, #tpu.memory_space<hbm>>, %arg3: memref<5120x2x64xi32, #tpu.memory_space<hbm>>, %arg4: memref<10112x128xf32, #tpu.memory_space<hbm>>, %arg5: memref<2x10112x128xf32, #tpu.memory_space<hbm>>, %arg6: memref<2x64xi32, #tpu.memory_space<vmem>>, %arg7: memref<2x64xi32, #tpu.memory_space<vmem>>, %arg8: memref<2x64xi32, #tpu.memory_space<vmem>>, %arg9: memref<2x64xi32, #tpu.memory_space<vmem>>, %arg10: memref<2x64xi32, #tpu.memory_space<vmem>>, %arg11: memref<64x128xf32, #tpu.memory_space<vmem>>, %arg12: memref<64x128xf32, #tpu.memory_space<vmem>>, %arg13: memref<64x128xf32, #tpu.memory_space<vmem>>, %arg14: memref<64x128xf32, #tpu.memory_space<vmem>>, %arg15: memref<64x128xf32, #tpu.memory_space<vmem>>, %arg16: memref<10112x128xf32, #tpu.memory_space<vmem_shared>>, %arg17: memref<!tpu.dma_semaphore, #tpu.memory_space<semaphore_mem>>, %arg18: memref<!tpu.dma_semaphore, #tpu.memory_space<semaphore_mem>>, %arg19: memref<!tpu.dma_semaphore, #tpu.memory_space<semaphore_mem>>, %arg20: memref<!tpu.dma_semaphore, #tpu.memory_space<semaphore_mem>>, %arg21: memref<!tpu.dma_semaphore, #tpu.memory_space<semaphore_mem>>, %arg22: memref<!tpu.dma_semaphore, #tpu.memory_space<semaphore_mem>>, %arg23: memref<!tpu.dma_semaphore, #tpu.memory_space<semaphore_mem>>, %arg24: memref<!tpu.dma_semaphore, #tpu.memory_space<semaphore_mem>>, %arg25: memref<!tpu.dma_semaphore, #tpu.memory_space<semaphore_mem>>, %arg26: memref<!tpu.dma_semaphore, #tpu.memory_space<semaphore_mem>>) attributes {dimension_semantics = [#tpu.dimension_semantics<core_parallel>, #tpu.dimension_semantics<subcore_parallel>], iteration_bounds = array<i64: 2, 16>, scalar_prefetch = 0 : i64, scratch_operands = 21 : i64, tpu.core_type = #tpu.core_type<sc_vector_subcore>, window_params = [{transform_indices = #map}, {transform_indices = #map1}, {transform_indices = #map}, {transform_indices = #map1}]} {
    %mul3A = arith.constant 16 : i32
    %mul3A_0 = arith.muli %arg0, %mul3A : i32
    %add3A = arith.addi %mul3A_0, %arg1 : i32
    %mul3A_1 = arith.constant 632 : i32
    %mul3A_2 = arith.muli %arg1, %mul3A_1 : i32
    %mul3A_3 = arith.constant 160 : i32
    %mul3A_4 = arith.muli %add3A, %mul3A_3 : i32
    "tpu.region"() ({
      %run_scoped3A = tpu.sem_alloc : memref<!tpu.dma_semaphore, #tpu.memory_space<semaphore_mem>>
      %dma_start3A_127 = arith.constant 0 : i32
      %dma_start3A_128 = tpu.memref_slice %arg16[%mul3A_2, %dma_start3A_127] : memref<10112x128xf32, #tpu.memory_space<vmem_shared>> -> memref<632x128xf32, #tpu.memory_space<vmem_shared>>
      %dma_start3A_129 = arith.constant 0 : i32
      %dma_start3A_130 = tpu.memref_slice %arg4[%mul3A_2, %dma_start3A_129] : memref<10112x128xf32, #tpu.memory_space<hbm>> -> memref<632x128xf32, #tpu.memory_space<hbm>>
      tpu.enqueue_dma source(%dma_start3A_130 : memref<632x128xf32, #tpu.memory_space<hbm>>) target(%dma_start3A_128 : memref<632x128xf32, #tpu.memory_space<vmem_shared>>) target_semaphore(%run_scoped3A : memref<!tpu.dma_semaphore, #tpu.memory_space<semaphore_mem>>)
      %dma_wait3A_131 = arith.constant 0 : i32
      %dma_wait3A_132 = tpu.memref_slice %arg16[%mul3A_2, %dma_wait3A_131] : memref<10112x128xf32, #tpu.memory_space<vmem_shared>> -> memref<632x128xf32, #tpu.memory_space<vmem_shared>>
      %dma_wait3A_133 = arith.constant 0 : i32
      %dma_wait3A_134 = tpu.memref_slice %arg4[%mul3A_2, %dma_wait3A_133] : memref<10112x128xf32, #tpu.memory_space<hbm>> -> memref<632x128xf32, #tpu.memory_space<hbm>>
      tpu.wait_dma2 semaphore(%run_scoped3A : memref<!tpu.dma_semaphore, #tpu.memory_space<semaphore_mem>>) src(%dma_wait3A_134 : memref<632x128xf32, #tpu.memory_space<hbm>>) dst(%dma_wait3A_132 : memref<632x128xf32, #tpu.memory_space<vmem_shared>>)
      tpu.yield
    }) : () -> ()
    %barrier3A = arith.constant 0 : index
    tpu.barrier barrier_id(%barrier3A)
    %add3A_5 = arith.constant 0 : i32
    %add3A_6 = arith.addi %mul3A_4, %add3A_5 : i32
    %dma_start3A = arith.constant 0 : i32
    %dma_start3A_7 = arith.constant 0 : i32
    %dma_start3A_8 = tpu.memref_slice %arg3[%add3A_6, %dma_start3A, %dma_start3A_7] : memref<5120x2x64xi32, #tpu.memory_space<hbm>> -> memref<1x2x64xi32, #tpu.memory_space<hbm>>
    %dma_start3A_9 = tpu.memref_squeeze %dma_start3A_8 : memref<1x2x64xi32, #tpu.memory_space<hbm>> -> memref<2x64xi32, #tpu.memory_space<hbm>>
    %dma_start3A_10 = arith.constant 0 : i32
    %dma_start3A_11 = arith.constant 0 : i32
    %dma_start3A_12 = tpu.memref_slice %arg3[%add3A_6, %dma_start3A_10, %dma_start3A_11] : memref<5120x2x64xi32, #tpu.memory_space<hbm>> -> memref<1x2x64xi32, #tpu.memory_space<hbm>>
    %dma_start3A_13 = tpu.memref_squeeze %dma_start3A_12 : memref<1x2x64xi32, #tpu.memory_space<hbm>> -> memref<2x64xi32, #tpu.memory_space<hbm>>
    tpu.enqueue_dma source(%dma_start3A_13 : memref<2x64xi32, #tpu.memory_space<hbm>>) target(%arg6 : memref<2x64xi32, #tpu.memory_space<vmem>>) target_semaphore(%arg17 : memref<!tpu.dma_semaphore, #tpu.memory_space<semaphore_mem>>)
    %add3A_14 = arith.constant 1 : i32
    %add3A_15 = arith.addi %mul3A_4, %add3A_14 : i32
    %dma_start3A_16 = arith.constant 0 : i32
    %dma_start3A_17 = arith.constant 0 : i32
    %dma_start3A_18 = tpu.memref_slice %arg3[%add3A_15, %dma_start3A_16, %dma_start3A_17] : memref<5120x2x64xi32, #tpu.memory_space<hbm>> -> memref<1x2x64xi32, #tpu.memory_space<hbm>>
    %dma_start3A_19 = tpu.memref_squeeze %dma_start3A_18 : memref<1x2x64xi32, #tpu.memory_space<hbm>> -> memref<2x64xi32, #tpu.memory_space<hbm>>
    %dma_start3A_20 = arith.constant 0 : i32
    %dma_start3A_21 = arith.constant 0 : i32
    %dma_start3A_22 = tpu.memref_slice %arg3[%add3A_15, %dma_start3A_20, %dma_start3A_21] : memref<5120x2x64xi32, #tpu.memory_space<hbm>> -> memref<1x2x64xi32, #tpu.memory_space<hbm>>
    %dma_start3A_23 = tpu.memref_squeeze %dma_start3A_22 : memref<1x2x64xi32, #tpu.memory_space<hbm>> -> memref<2x64xi32, #tpu.memory_space<hbm>>
    tpu.enqueue_dma source(%dma_start3A_23 : memref<2x64xi32, #tpu.memory_space<hbm>>) target(%arg7 : memref<2x64xi32, #tpu.memory_space<vmem>>) target_semaphore(%arg18 : memref<!tpu.dma_semaphore, #tpu.memory_space<semaphore_mem>>)
    %add3A_24 = arith.constant 2 : i32
    %add3A_25 = arith.addi %mul3A_4, %add3A_24 : i32
    %dma_start3A_26 = arith.constant 0 : i32
    %dma_start3A_27 = arith.constant 0 : i32
    %dma_start3A_28 = tpu.memref_slice %arg3[%add3A_25, %dma_start3A_26, %dma_start3A_27] : memref<5120x2x64xi32, #tpu.memory_space<hbm>> -> memref<1x2x64xi32, #tpu.memory_space<hbm>>
    %dma_start3A_29 = tpu.memref_squeeze %dma_start3A_28 : memref<1x2x64xi32, #tpu.memory_space<hbm>> -> memref<2x64xi32, #tpu.memory_space<hbm>>
    %dma_start3A_30 = arith.constant 0 : i32
    %dma_start3A_31 = arith.constant 0 : i32
    %dma_start3A_32 = tpu.memref_slice %arg3[%add3A_25, %dma_start3A_30, %dma_start3A_31] : memref<5120x2x64xi32, #tpu.memory_space<hbm>> -> memref<1x2x64xi32, #tpu.memory_space<hbm>>
    %dma_start3A_33 = tpu.memref_squeeze %dma_start3A_32 : memref<1x2x64xi32, #tpu.memory_space<hbm>> -> memref<2x64xi32, #tpu.memory_space<hbm>>
    tpu.enqueue_dma source(%dma_start3A_33 : memref<2x64xi32, #tpu.memory_space<hbm>>) target(%arg8 : memref<2x64xi32, #tpu.memory_space<vmem>>) target_semaphore(%arg19 : memref<!tpu.dma_semaphore, #tpu.memory_space<semaphore_mem>>)
    %add3A_34 = arith.constant 3 : i32
    %add3A_35 = arith.addi %mul3A_4, %add3A_34 : i32
    %dma_start3A_36 = arith.constant 0 : i32
    %dma_start3A_37 = arith.constant 0 : i32
    %dma_start3A_38 = tpu.memref_slice %arg3[%add3A_35, %dma_start3A_36, %dma_start3A_37] : memref<5120x2x64xi32, #tpu.memory_space<hbm>> -> memref<1x2x64xi32, #tpu.memory_space<hbm>>
    %dma_start3A_39 = tpu.memref_squeeze %dma_start3A_38 : memref<1x2x64xi32, #tpu.memory_space<hbm>> -> memref<2x64xi32, #tpu.memory_space<hbm>>
    %dma_start3A_40 = arith.constant 0 : i32
    %dma_start3A_41 = arith.constant 0 : i32
    %dma_start3A_42 = tpu.memref_slice %arg3[%add3A_35, %dma_start3A_40, %dma_start3A_41] : memref<5120x2x64xi32, #tpu.memory_space<hbm>> -> memref<1x2x64xi32, #tpu.memory_space<hbm>>
    %dma_start3A_43 = tpu.memref_squeeze %dma_start3A_42 : memref<1x2x64xi32, #tpu.memory_space<hbm>> -> memref<2x64xi32, #tpu.memory_space<hbm>>
    tpu.enqueue_dma source(%dma_start3A_43 : memref<2x64xi32, #tpu.memory_space<hbm>>) target(%arg9 : memref<2x64xi32, #tpu.memory_space<vmem>>) target_semaphore(%arg20 : memref<!tpu.dma_semaphore, #tpu.memory_space<semaphore_mem>>)
    %add3A_44 = arith.constant 4 : i32
    %add3A_45 = arith.addi %mul3A_4, %add3A_44 : i32
    %dma_start3A_46 = arith.constant 0 : i32
    %dma_start3A_47 = arith.constant 0 : i32
    %dma_start3A_48 = tpu.memref_slice %arg3[%add3A_45, %dma_start3A_46, %dma_start3A_47] : memref<5120x2x64xi32, #tpu.memory_space<hbm>> -> memref<1x2x64xi32, #tpu.memory_space<hbm>>
    %dma_start3A_49 = tpu.memref_squeeze %dma_start3A_48 : memref<1x2x64xi32, #tpu.memory_space<hbm>> -> memref<2x64xi32, #tpu.memory_space<hbm>>
    %dma_start3A_50 = arith.constant 0 : i32
    %dma_start3A_51 = arith.constant 0 : i32
    %dma_start3A_52 = tpu.memref_slice %arg3[%add3A_45, %dma_start3A_50, %dma_start3A_51] : memref<5120x2x64xi32, #tpu.memory_space<hbm>> -> memref<1x2x64xi32, #tpu.memory_space<hbm>>
    %dma_start3A_53 = tpu.memref_squeeze %dma_start3A_52 : memref<1x2x64xi32, #tpu.memory_space<hbm>> -> memref<2x64xi32, #tpu.memory_space<hbm>>
    tpu.enqueue_dma source(%dma_start3A_53 : memref<2x64xi32, #tpu.memory_space<hbm>>) target(%arg10 : memref<2x64xi32, #tpu.memory_space<vmem>>) target_semaphore(%arg21 : memref<!tpu.dma_semaphore, #tpu.memory_space<semaphore_mem>>)
    %add3A_54 = arith.constant 0 : i32
    %add3A_55 = arith.addi %mul3A_4, %add3A_54 : i32
    %dma_wait3A = arith.constant 0 : i32
    %dma_wait3A_56 = arith.constant 0 : i32
    %dma_wait3A_57 = tpu.memref_slice %arg3[%add3A_55, %dma_wait3A, %dma_wait3A_56] : memref<5120x2x64xi32, #tpu.memory_space<hbm>> -> memref<1x2x64xi32, #tpu.memory_space<hbm>>
    %dma_wait3A_58 = tpu.memref_squeeze %dma_wait3A_57 : memref<1x2x64xi32, #tpu.memory_space<hbm>> -> memref<2x64xi32, #tpu.memory_space<hbm>>
    %dma_wait3A_59 = arith.constant 0 : i32
    %dma_wait3A_60 = arith.constant 0 : i32
    %dma_wait3A_61 = tpu.memref_slice %arg3[%add3A_55, %dma_wait3A_59, %dma_wait3A_60] : memref<5120x2x64xi32, #tpu.memory_space<hbm>> -> memref<1x2x64xi32, #tpu.memory_space<hbm>>
    %dma_wait3A_62 = tpu.memref_squeeze %dma_wait3A_61 : memref<1x2x64xi32, #tpu.memory_space<hbm>> -> memref<2x64xi32, #tpu.memory_space<hbm>>
    tpu.wait_dma2 semaphore(%arg17 : memref<!tpu.dma_semaphore, #tpu.memory_space<semaphore_mem>>) src(%dma_wait3A_62 : memref<2x64xi32, #tpu.memory_space<hbm>>) dst(%arg6 : memref<2x64xi32, #tpu.memory_space<vmem>>)
    %dma_start3A_63 = arith.constant 0 : i32
    %dma_start3A_64 = arith.constant 0 : i32
    %dma_start3A_65 = tpu.memref_slice %arg6[%dma_start3A_63, %dma_start3A_64] : memref<2x64xi32, #tpu.memory_space<vmem>> -> memref<1x64xi32, #tpu.memory_space<vmem>>
    %dma_start3A_66 = tpu.memref_squeeze %dma_start3A_65 : memref<1x64xi32, #tpu.memory_space<vmem>> -> memref<64xi32, #tpu.memory_space<vmem>>
    %dma_start3A_67 = arith.constant 0 : i32
    %dma_start3A_68 = arith.constant 0 : i32
    %dma_start3A_69 = tpu.memref_slice %arg2[%dma_start3A_67, %dma_start3A_68] : memref<10000x128xf32, #tpu.memory_space<hbm>> -> memref<10000x128xf32, #tpu.memory_space<hbm>>
    tpu.enqueue_indirect_dma source(%dma_start3A_69 : memref<10000x128xf32, #tpu.memory_space<hbm>>) target(%arg11 : memref<64x128xf32, #tpu.memory_space<vmem>>) offsets(%dma_start3A_66 : memref<64xi32, #tpu.memory_space<vmem>>) semaphore(%arg22 : memref<!tpu.dma_semaphore, #tpu.memory_space<semaphore_mem>>)
    %add3A_70 = arith.constant 1 : i32
    %add3A_71 = arith.addi %mul3A_4, %add3A_70 : i32
    %dma_wait3A_72 = arith.constant 0 : i32
    %dma_wait3A_73 = arith.constant 0 : i32
    %dma_wait3A_74 = tpu.memref_slice %arg3[%add3A_71, %dma_wait3A_72, %dma_wait3A_73] : memref<5120x2x64xi32, #tpu.memory_space<hbm>> -> memref<1x2x64xi32, #tpu.memory_space<hbm>>
    %dma_wait3A_75 = tpu.memref_squeeze %dma_wait3A_74 : memref<1x2x64xi32, #tpu.memory_space<hbm>> -> memref<2x64xi32, #tpu.memory_space<hbm>>
    %dma_wait3A_76 = arith.constant 0 : i32
    %dma_wait3A_77 = arith.constant 0 : i32
    %dma_wait3A_78 = tpu.memref_slice %arg3[%add3A_71, %dma_wait3A_76, %dma_wait3A_77] : memref<5120x2x64xi32, #tpu.memory_space<hbm>> -> memref<1x2x64xi32, #tpu.memory_space<hbm>>
    %dma_wait3A_79 = tpu.memref_squeeze %dma_wait3A_78 : memref<1x2x64xi32, #tpu.memory_space<hbm>> -> memref<2x64xi32, #tpu.memory_space<hbm>>
    tpu.wait_dma2 semaphore(%arg18 : memref<!tpu.dma_semaphore, #tpu.memory_space<semaphore_mem>>) src(%dma_wait3A_79 : memref<2x64xi32, #tpu.memory_space<hbm>>) dst(%arg7 : memref<2x64xi32, #tpu.memory_space<vmem>>)
    %dma_start3A_80 = arith.constant 0 : i32
    %dma_start3A_81 = arith.constant 0 : i32
    %dma_start3A_82 = tpu.memref_slice %arg7[%dma_start3A_80, %dma_start3A_81] : memref<2x64xi32, #tpu.memory_space<vmem>> -> memref<1x64xi32, #tpu.memory_space<vmem>>
    %dma_start3A_83 = tpu.memref_squeeze %dma_start3A_82 : memref<1x64xi32, #tpu.memory_space<vmem>> -> memref<64xi32, #tpu.memory_space<vmem>>
    %dma_start3A_84 = arith.constant 0 : i32
    %dma_start3A_85 = arith.constant 0 : i32
    %dma_start3A_86 = tpu.memref_slice %arg2[%dma_start3A_84, %dma_start3A_85] : memref<10000x128xf32, #tpu.memory_space<hbm>> -> memref<10000x128xf32, #tpu.memory_space<hbm>>
    tpu.enqueue_indirect_dma source(%dma_start3A_86 : memref<10000x128xf32, #tpu.memory_space<hbm>>) target(%arg12 : memref<64x128xf32, #tpu.memory_space<vmem>>) offsets(%dma_start3A_83 : memref<64xi32, #tpu.memory_space<vmem>>) semaphore(%arg23 : memref<!tpu.dma_semaphore, #tpu.memory_space<semaphore_mem>>)
    %add3A_87 = arith.constant 2 : i32
    %add3A_88 = arith.addi %mul3A_4, %add3A_87 : i32
    %dma_wait3A_89 = arith.constant 0 : i32
    %dma_wait3A_90 = arith.constant 0 : i32
    %dma_wait3A_91 = tpu.memref_slice %arg3[%add3A_88, %dma_wait3A_89, %dma_wait3A_90] : memref<5120x2x64xi32, #tpu.memory_space<hbm>> -> memref<1x2x64xi32, #tpu.memory_space<hbm>>
    %dma_wait3A_92 = tpu.memref_squeeze %dma_wait3A_91 : memref<1x2x64xi32, #tpu.memory_space<hbm>> -> memref<2x64xi32, #tpu.memory_space<hbm>>
    %dma_wait3A_93 = arith.constant 0 : i32
    %dma_wait3A_94 = arith.constant 0 : i32
    %dma_wait3A_95 = tpu.memref_slice %arg3[%add3A_88, %dma_wait3A_93, %dma_wait3A_94] : memref<5120x2x64xi32, #tpu.memory_space<hbm>> -> memref<1x2x64xi32, #tpu.memory_space<hbm>>
    %dma_wait3A_96 = tpu.memref_squeeze %dma_wait3A_95 : memref<1x2x64xi32, #tpu.memory_space<hbm>> -> memref<2x64xi32, #tpu.memory_space<hbm>>
    tpu.wait_dma2 semaphore(%arg19 : memref<!tpu.dma_semaphore, #tpu.memory_space<semaphore_mem>>) src(%dma_wait3A_96 : memref<2x64xi32, #tpu.memory_space<hbm>>) dst(%arg8 : memref<2x64xi32, #tpu.memory_space<vmem>>)
    %dma_start3A_97 = arith.constant 0 : i32
    %dma_start3A_98 = arith.constant 0 : i32
    %dma_start3A_99 = tpu.memref_slice %arg8[%dma_start3A_97, %dma_start3A_98] : memref<2x64xi32, #tpu.memory_space<vmem>> -> memref<1x64xi32, #tpu.memory_space<vmem>>
    %dma_start3A_100 = tpu.memref_squeeze %dma_start3A_99 : memref<1x64xi32, #tpu.memory_space<vmem>> -> memref<64xi32, #tpu.memory_space<vmem>>
    %dma_start3A_101 = arith.constant 0 : i32
    %dma_start3A_102 = arith.constant 0 : i32
    %dma_start3A_103 = tpu.memref_slice %arg2[%dma_start3A_101, %dma_start3A_102] : memref<10000x128xf32, #tpu.memory_space<hbm>> -> memref<10000x128xf32, #tpu.memory_space<hbm>>
    tpu.enqueue_indirect_dma source(%dma_start3A_103 : memref<10000x128xf32, #tpu.memory_space<hbm>>) target(%arg13 : memref<64x128xf32, #tpu.memory_space<vmem>>) offsets(%dma_start3A_100 : memref<64xi32, #tpu.memory_space<vmem>>) semaphore(%arg24 : memref<!tpu.dma_semaphore, #tpu.memory_space<semaphore_mem>>)
    %add3A_104 = arith.constant 3 : i32
    %add3A_105 = arith.addi %mul3A_4, %add3A_104 : i32
    %dma_wait3A_106 = arith.constant 0 : i32
    %dma_wait3A_107 = arith.constant 0 : i32
    %dma_wait3A_108 = tpu.memref_slice %arg3[%add3A_105, %dma_wait3A_106, %dma_wait3A_107] : memref<5120x2x64xi32, #tpu.memory_space<hbm>> -> memref<1x2x64xi32, #tpu.memory_space<hbm>>
    %dma_wait3A_109 = tpu.memref_squeeze %dma_wait3A_108 : memref<1x2x64xi32, #tpu.memory_space<hbm>> -> memref<2x64xi32, #tpu.memory_space<hbm>>
    %dma_wait3A_110 = arith.constant 0 : i32
    %dma_wait3A_111 = arith.constant 0 : i32
    %dma_wait3A_112 = tpu.memref_slice %arg3[%add3A_105, %dma_wait3A_110, %dma_wait3A_111] : memref<5120x2x64xi32, #tpu.memory_space<hbm>> -> memref<1x2x64xi32, #tpu.memory_space<hbm>>
    %dma_wait3A_113 = tpu.memref_squeeze %dma_wait3A_112 : memref<1x2x64xi32, #tpu.memory_space<hbm>> -> memref<2x64xi32, #tpu.memory_space<hbm>>
    tpu.wait_dma2 semaphore(%arg20 : memref<!tpu.dma_semaphore, #tpu.memory_space<semaphore_mem>>) src(%dma_wait3A_113 : memref<2x64xi32, #tpu.memory_space<hbm>>) dst(%arg9 : memref<2x64xi32, #tpu.memory_space<vmem>>)
    %dma_start3A_114 = arith.constant 0 : i32
    %dma_start3A_115 = arith.constant 0 : i32
    %dma_start3A_116 = tpu.memref_slice %arg9[%dma_start3A_114, %dma_start3A_115] : memref<2x64xi32, #tpu.memory_space<vmem>> -> memref<1x64xi32, #tpu.memory_space<vmem>>
    %dma_start3A_117 = tpu.memref_squeeze %dma_start3A_116 : memref<1x64xi32, #tpu.memory_space<vmem>> -> memref<64xi32, #tpu.memory_space<vmem>>
    %dma_start3A_118 = arith.constant 0 : i32
    %dma_start3A_119 = arith.constant 0 : i32
    %dma_start3A_120 = tpu.memref_slice %arg2[%dma_start3A_118, %dma_start3A_119] : memref<10000x128xf32, #tpu.memory_space<hbm>> -> memref<10000x128xf32, #tpu.memory_space<hbm>>
    tpu.enqueue_indirect_dma source(%dma_start3A_120 : memref<10000x128xf32, #tpu.memory_space<hbm>>) target(%arg14 : memref<64x128xf32, #tpu.memory_space<vmem>>) offsets(%dma_start3A_117 : memref<64xi32, #tpu.memory_space<vmem>>) semaphore(%arg25 : memref<!tpu.dma_semaphore, #tpu.memory_space<semaphore_mem>>)
    %scan3A = arith.constant 0 : i32
    %scan3A_121 = arith.constant 0 : i32
    %scan3A_122 = arith.constant 32 : i32
    %scan3A_123 = arith.addi %scan3A_121, %scan3A_122 : i32
    %scan3A_124 = arith.constant 1 : i32
    scf.for %scan3A_127 = %scan3A_121 to %scan3A_123 step %scan3A_124  : i32 {
      %mul3A_128 = arith.constant 5 : i32
      %mul3A_129 = arith.muli %scan3A_127, %mul3A_128 : i32
      %add3A_130 = arith.constant 0 : i32
      %add3A_131 = arith.addi %mul3A_129, %add3A_130 : i32
      %dma_wait3A_132 = arith.constant 0 : i32
      %dma_wait3A_133 = arith.constant 0 : i32
      %dma_wait3A_134 = tpu.memref_slice %arg6[%dma_wait3A_132, %dma_wait3A_133] : memref<2x64xi32, #tpu.memory_space<vmem>> -> memref<1x64xi32, #tpu.memory_space<vmem>>
      %dma_wait3A_135 = tpu.memref_squeeze %dma_wait3A_134 : memref<1x64xi32, #tpu.memory_space<vmem>> -> memref<64xi32, #tpu.memory_space<vmem>>
      %dma_wait3A_136 = arith.constant 0 : i32
      %dma_wait3A_137 = arith.constant 0 : i32
      %dma_wait3A_138 = tpu.memref_slice %arg2[%dma_wait3A_136, %dma_wait3A_137] : memref<10000x128xf32, #tpu.memory_space<hbm>> -> memref<10000x128xf32, #tpu.memory_space<hbm>>
      tpu.wait_indirect_dma semaphore(%arg22 : memref<!tpu.dma_semaphore, #tpu.memory_space<semaphore_mem>>) src(%dma_wait3A_138 : memref<10000x128xf32, #tpu.memory_space<hbm>>) dst(%arg11 : memref<64x128xf32, #tpu.memory_space<vmem>>)
      %run_scoped3A = arith.constant 1 : i32
      "tpu.region"() ({
        %run_scoped3A_263 = tpu.sem_alloc : memref<!tpu.dma_semaphore, #tpu.memory_space<semaphore_mem>>
        %dma_start3A_264 = arith.constant 0 : i32
        %dma_start3A_265 = tpu.memref_slice %arg6[%run_scoped3A, %dma_start3A_264] : memref<2x64xi32, #tpu.memory_space<vmem>> -> memref<1x64xi32, #tpu.memory_space<vmem>>
        %dma_start3A_266 = tpu.memref_squeeze %dma_start3A_265 : memref<1x64xi32, #tpu.memory_space<vmem>> -> memref<64xi32, #tpu.memory_space<vmem>>
        %dma_start3A_267 = arith.constant 0 : i32
        %dma_start3A_268 = arith.constant 0 : i32
        %dma_start3A_269 = tpu.memref_slice %arg16[%dma_start3A_267, %dma_start3A_268] : memref<10112x128xf32, #tpu.memory_space<vmem_shared>> -> memref<10112x128xf32, #tpu.memory_space<vmem_shared>>
        tpu.enqueue_indirect_dma source(%arg11 : memref<64x128xf32, #tpu.memory_space<vmem>>) target(%dma_start3A_269 : memref<10112x128xf32, #tpu.memory_space<vmem_shared>>) offsets(%dma_start3A_266 : memref<64xi32, #tpu.memory_space<vmem>>) semaphore(%run_scoped3A_263 : memref<!tpu.dma_semaphore, #tpu.memory_space<semaphore_mem>>) {add = true}
        %dma_wait3A_270 = arith.constant 0 : i32
        %dma_wait3A_271 = tpu.memref_slice %arg6[%run_scoped3A, %dma_wait3A_270] : memref<2x64xi32, #tpu.memory_space<vmem>> -> memref<1x64xi32, #tpu.memory_space<vmem>>
        %dma_wait3A_272 = tpu.memref_squeeze %dma_wait3A_271 : memref<1x64xi32, #tpu.memory_space<vmem>> -> memref<64xi32, #tpu.memory_space<vmem>>
        %dma_wait3A_273 = arith.constant 0 : i32
        %dma_wait3A_274 = arith.constant 0 : i32
        %dma_wait3A_275 = tpu.memref_slice %arg16[%dma_wait3A_273, %dma_wait3A_274] : memref<10112x128xf32, #tpu.memory_space<vmem_shared>> -> memref<10112x128xf32, #tpu.memory_space<vmem_shared>>
        tpu.wait_indirect_dma semaphore(%run_scoped3A_263 : memref<!tpu.dma_semaphore, #tpu.memory_space<semaphore_mem>>) src(%arg11 : memref<64x128xf32, #tpu.memory_space<vmem>>) dst(%dma_wait3A_275 : memref<10112x128xf32, #tpu.memory_space<vmem_shared>>)
        tpu.yield
      }) : () -> ()
      %add3A_139 = arith.constant 5 : i32
      %add3A_140 = arith.addi %add3A_131, %add3A_139 : i32
      %lt3A = arith.constant 160 : i32
      %lt3A_141 = arith.cmpi slt, %add3A_140, %lt3A : i32
      %convert_element_type3A = arith.extui %lt3A_141 : i1 to i32
      %cond3A = arith.constant 0 : i32
      %cond3A_142 = arith.cmpi ne, %convert_element_type3A, %cond3A : i32
      scf.if %cond3A_142 {
        %add3A_263 = arith.addi %mul3A_4, %add3A_131 : i32
        %add3A_264 = arith.constant 5 : i32
        %add3A_265 = arith.addi %add3A_263, %add3A_264 : i32
        %dma_start3A_266 = arith.constant 0 : i32
        %dma_start3A_267 = arith.constant 0 : i32
        %dma_start3A_268 = tpu.memref_slice %arg3[%add3A_265, %dma_start3A_266, %dma_start3A_267] : memref<5120x2x64xi32, #tpu.memory_space<hbm>> -> memref<1x2x64xi32, #tpu.memory_space<hbm>>
        %dma_start3A_269 = tpu.memref_squeeze %dma_start3A_268 : memref<1x2x64xi32, #tpu.memory_space<hbm>> -> memref<2x64xi32, #tpu.memory_space<hbm>>
        %dma_start3A_270 = arith.constant 0 : i32
        %dma_start3A_271 = arith.constant 0 : i32
        %dma_start3A_272 = tpu.memref_slice %arg3[%add3A_265, %dma_start3A_270, %dma_start3A_271] : memref<5120x2x64xi32, #tpu.memory_space<hbm>> -> memref<1x2x64xi32, #tpu.memory_space<hbm>>
        %dma_start3A_273 = tpu.memref_squeeze %dma_start3A_272 : memref<1x2x64xi32, #tpu.memory_space<hbm>> -> memref<2x64xi32, #tpu.memory_space<hbm>>
        tpu.enqueue_dma source(%dma_start3A_273 : memref<2x64xi32, #tpu.memory_space<hbm>>) target(%arg6 : memref<2x64xi32, #tpu.memory_space<vmem>>) target_semaphore(%arg17 : memref<!tpu.dma_semaphore, #tpu.memory_space<semaphore_mem>>)
      } else {
      }
      %add3A_143 = arith.constant 5 : i32
      %add3A_144 = arith.addi %add3A_131, %add3A_143 : i32
      %sub3A = arith.constant 1 : i32
      %sub3A_145 = arith.subi %add3A_144, %sub3A : i32
      %lt3A_146 = arith.constant 160 : i32
      %lt3A_147 = arith.cmpi slt, %sub3A_145, %lt3A_146 : i32
      %convert_element_type3A_148 = arith.extui %lt3A_147 : i1 to i32
      %cond3A_149 = arith.constant 0 : i32
      %cond3A_150 = arith.cmpi ne, %convert_element_type3A_148, %cond3A_149 : i32
      scf.if %cond3A_150 {
        %add3A_263 = arith.addi %mul3A_4, %add3A_131 : i32
        %add3A_264 = arith.constant 5 : i32
        %add3A_265 = arith.addi %add3A_263, %add3A_264 : i32
        %sub3A_266 = arith.constant 1 : i32
        %sub3A_267 = arith.subi %add3A_265, %sub3A_266 : i32
        %dma_wait3A_268 = arith.constant 0 : i32
        %dma_wait3A_269 = arith.constant 0 : i32
        %dma_wait3A_270 = tpu.memref_slice %arg3[%sub3A_267, %dma_wait3A_268, %dma_wait3A_269] : memref<5120x2x64xi32, #tpu.memory_space<hbm>> -> memref<1x2x64xi32, #tpu.memory_space<hbm>>
        %dma_wait3A_271 = tpu.memref_squeeze %dma_wait3A_270 : memref<1x2x64xi32, #tpu.memory_space<hbm>> -> memref<2x64xi32, #tpu.memory_space<hbm>>
        %dma_wait3A_272 = arith.constant 0 : i32
        %dma_wait3A_273 = arith.constant 0 : i32
        %dma_wait3A_274 = tpu.memref_slice %arg3[%sub3A_267, %dma_wait3A_272, %dma_wait3A_273] : memref<5120x2x64xi32, #tpu.memory_space<hbm>> -> memref<1x2x64xi32, #tpu.memory_space<hbm>>
        %dma_wait3A_275 = tpu.memref_squeeze %dma_wait3A_274 : memref<1x2x64xi32, #tpu.memory_space<hbm>> -> memref<2x64xi32, #tpu.memory_space<hbm>>
        tpu.wait_dma2 semaphore(%arg21 : memref<!tpu.dma_semaphore, #tpu.memory_space<semaphore_mem>>) src(%dma_wait3A_275 : memref<2x64xi32, #tpu.memory_space<hbm>>) dst(%arg10 : memref<2x64xi32, #tpu.memory_space<vmem>>)
        %dma_start3A_276 = arith.constant 0 : i32
        %dma_start3A_277 = arith.constant 0 : i32
        %dma_start3A_278 = tpu.memref_slice %arg10[%dma_start3A_276, %dma_start3A_277] : memref<2x64xi32, #tpu.memory_space<vmem>> -> memref<1x64xi32, #tpu.memory_space<vmem>>
        %dma_start3A_279 = tpu.memref_squeeze %dma_start3A_278 : memref<1x64xi32, #tpu.memory_space<vmem>> -> memref<64xi32, #tpu.memory_space<vmem>>
        %dma_start3A_280 = arith.constant 0 : i32
        %dma_start3A_281 = arith.constant 0 : i32
        %dma_start3A_282 = tpu.memref_slice %arg2[%dma_start3A_280, %dma_start3A_281] : memref<10000x128xf32, #tpu.memory_space<hbm>> -> memref<10000x128xf32, #tpu.memory_space<hbm>>
        tpu.enqueue_indirect_dma source(%dma_start3A_282 : memref<10000x128xf32, #tpu.memory_space<hbm>>) target(%arg15 : memref<64x128xf32, #tpu.memory_space<vmem>>) offsets(%dma_start3A_279 : memref<64xi32, #tpu.memory_space<vmem>>) semaphore(%arg26 : memref<!tpu.dma_semaphore, #tpu.memory_space<semaphore_mem>>)
      } else {
      }
      %mul3A_151 = arith.constant 5 : i32
      %mul3A_152 = arith.muli %scan3A_127, %mul3A_151 : i32
      %add3A_153 = arith.constant 1 : i32
      %add3A_154 = arith.addi %mul3A_152, %add3A_153 : i32
      %dma_wait3A_155 = arith.constant 0 : i32
      %dma_wait3A_156 = arith.constant 0 : i32
      %dma_wait3A_157 = tpu.memref_slice %arg7[%dma_wait3A_155, %dma_wait3A_156] : memref<2x64xi32, #tpu.memory_space<vmem>> -> memref<1x64xi32, #tpu.memory_space<vmem>>
      %dma_wait3A_158 = tpu.memref_squeeze %dma_wait3A_157 : memref<1x64xi32, #tpu.memory_space<vmem>> -> memref<64xi32, #tpu.memory_space<vmem>>
      %dma_wait3A_159 = arith.constant 0 : i32
      %dma_wait3A_160 = arith.constant 0 : i32
      %dma_wait3A_161 = tpu.memref_slice %arg2[%dma_wait3A_159, %dma_wait3A_160] : memref<10000x128xf32, #tpu.memory_space<hbm>> -> memref<10000x128xf32, #tpu.memory_space<hbm>>
      tpu.wait_indirect_dma semaphore(%arg23 : memref<!tpu.dma_semaphore, #tpu.memory_space<semaphore_mem>>) src(%dma_wait3A_161 : memref<10000x128xf32, #tpu.memory_space<hbm>>) dst(%arg12 : memref<64x128xf32, #tpu.memory_space<vmem>>)
      %run_scoped3A_162 = arith.constant 1 : i32
      "tpu.region"() ({
        %run_scoped3A_263 = tpu.sem_alloc : memref<!tpu.dma_semaphore, #tpu.memory_space<semaphore_mem>>
        %dma_start3A_264 = arith.constant 0 : i32
        %dma_start3A_265 = tpu.memref_slice %arg7[%run_scoped3A_162, %dma_start3A_264] : memref<2x64xi32, #tpu.memory_space<vmem>> -> memref<1x64xi32, #tpu.memory_space<vmem>>
        %dma_start3A_266 = tpu.memref_squeeze %dma_start3A_265 : memref<1x64xi32, #tpu.memory_space<vmem>> -> memref<64xi32, #tpu.memory_space<vmem>>
        %dma_start3A_267 = arith.constant 0 : i32
        %dma_start3A_268 = arith.constant 0 : i32
        %dma_start3A_269 = tpu.memref_slice %arg16[%dma_start3A_267, %dma_start3A_268] : memref<10112x128xf32, #tpu.memory_space<vmem_shared>> -> memref<10112x128xf32, #tpu.memory_space<vmem_shared>>
        tpu.enqueue_indirect_dma source(%arg12 : memref<64x128xf32, #tpu.memory_space<vmem>>) target(%dma_start3A_269 : memref<10112x128xf32, #tpu.memory_space<vmem_shared>>) offsets(%dma_start3A_266 : memref<64xi32, #tpu.memory_space<vmem>>) semaphore(%run_scoped3A_263 : memref<!tpu.dma_semaphore, #tpu.memory_space<semaphore_mem>>) {add = true}
        %dma_wait3A_270 = arith.constant 0 : i32
        %dma_wait3A_271 = tpu.memref_slice %arg7[%run_scoped3A_162, %dma_wait3A_270] : memref<2x64xi32, #tpu.memory_space<vmem>> -> memref<1x64xi32, #tpu.memory_space<vmem>>
        %dma_wait3A_272 = tpu.memref_squeeze %dma_wait3A_271 : memref<1x64xi32, #tpu.memory_space<vmem>> -> memref<64xi32, #tpu.memory_space<vmem>>
        %dma_wait3A_273 = arith.constant 0 : i32
        %dma_wait3A_274 = arith.constant 0 : i32
        %dma_wait3A_275 = tpu.memref_slice %arg16[%dma_wait3A_273, %dma_wait3A_274] : memref<10112x128xf32, #tpu.memory_space<vmem_shared>> -> memref<10112x128xf32, #tpu.memory_space<vmem_shared>>
        tpu.wait_indirect_dma semaphore(%run_scoped3A_263 : memref<!tpu.dma_semaphore, #tpu.memory_space<semaphore_mem>>) src(%arg12 : memref<64x128xf32, #tpu.memory_space<vmem>>) dst(%dma_wait3A_275 : memref<10112x128xf32, #tpu.memory_space<vmem_shared>>)
        tpu.yield
      }) : () -> ()
      %add3A_163 = arith.constant 5 : i32
      %add3A_164 = arith.addi %add3A_154, %add3A_163 : i32
      %lt3A_165 = arith.constant 160 : i32
      %lt3A_166 = arith.cmpi slt, %add3A_164, %lt3A_165 : i32
      %convert_element_type3A_167 = arith.extui %lt3A_166 : i1 to i32
      %cond3A_168 = arith.constant 0 : i32
      %cond3A_169 = arith.cmpi ne, %convert_element_type3A_167, %cond3A_168 : i32
      scf.if %cond3A_169 {
        %add3A_263 = arith.addi %mul3A_4, %add3A_154 : i32
        %add3A_264 = arith.constant 5 : i32
        %add3A_265 = arith.addi %add3A_263, %add3A_264 : i32
        %dma_start3A_266 = arith.constant 0 : i32
        %dma_start3A_267 = arith.constant 0 : i32
        %dma_start3A_268 = tpu.memref_slice %arg3[%add3A_265, %dma_start3A_266, %dma_start3A_267] : memref<5120x2x64xi32, #tpu.memory_space<hbm>> -> memref<1x2x64xi32, #tpu.memory_space<hbm>>
        %dma_start3A_269 = tpu.memref_squeeze %dma_start3A_268 : memref<1x2x64xi32, #tpu.memory_space<hbm>> -> memref<2x64xi32, #tpu.memory_space<hbm>>
        %dma_start3A_270 = arith.constant 0 : i32
        %dma_start3A_271 = arith.constant 0 : i32
        %dma_start3A_272 = tpu.memref_slice %arg3[%add3A_265, %dma_start3A_270, %dma_start3A_271] : memref<5120x2x64xi32, #tpu.memory_space<hbm>> -> memref<1x2x64xi32, #tpu.memory_space<hbm>>
        %dma_start3A_273 = tpu.memref_squeeze %dma_start3A_272 : memref<1x2x64xi32, #tpu.memory_space<hbm>> -> memref<2x64xi32, #tpu.memory_space<hbm>>
        tpu.enqueue_dma source(%dma_start3A_273 : memref<2x64xi32, #tpu.memory_space<hbm>>) target(%arg7 : memref<2x64xi32, #tpu.memory_space<vmem>>) target_semaphore(%arg18 : memref<!tpu.dma_semaphore, #tpu.memory_space<semaphore_mem>>)
      } else {
      }
      %add3A_170 = arith.constant 5 : i32
      %add3A_171 = arith.addi %add3A_154, %add3A_170 : i32
      %sub3A_172 = arith.constant 1 : i32
      %sub3A_173 = arith.subi %add3A_171, %sub3A_172 : i32
      %lt3A_174 = arith.constant 160 : i32
      %lt3A_175 = arith.cmpi slt, %sub3A_173, %lt3A_174 : i32
      %convert_element_type3A_176 = arith.extui %lt3A_175 : i1 to i32
      %cond3A_177 = arith.constant 0 : i32
      %cond3A_178 = arith.cmpi ne, %convert_element_type3A_176, %cond3A_177 : i32
      scf.if %cond3A_178 {
        %add3A_263 = arith.addi %mul3A_4, %add3A_154 : i32
        %add3A_264 = arith.constant 5 : i32
        %add3A_265 = arith.addi %add3A_263, %add3A_264 : i32
        %sub3A_266 = arith.constant 1 : i32
        %sub3A_267 = arith.subi %add3A_265, %sub3A_266 : i32
        %dma_wait3A_268 = arith.constant 0 : i32
        %dma_wait3A_269 = arith.constant 0 : i32
        %dma_wait3A_270 = tpu.memref_slice %arg3[%sub3A_267, %dma_wait3A_268, %dma_wait3A_269] : memref<5120x2x64xi32, #tpu.memory_space<hbm>> -> memref<1x2x64xi32, #tpu.memory_space<hbm>>
        %dma_wait3A_271 = tpu.memref_squeeze %dma_wait3A_270 : memref<1x2x64xi32, #tpu.memory_space<hbm>> -> memref<2x64xi32, #tpu.memory_space<hbm>>
        %dma_wait3A_272 = arith.constant 0 : i32
        %dma_wait3A_273 = arith.constant 0 : i32
        %dma_wait3A_274 = tpu.memref_slice %arg3[%sub3A_267, %dma_wait3A_272, %dma_wait3A_273] : memref<5120x2x64xi32, #tpu.memory_space<hbm>> -> memref<1x2x64xi32, #tpu.memory_space<hbm>>
        %dma_wait3A_275 = tpu.memref_squeeze %dma_wait3A_274 : memref<1x2x64xi32, #tpu.memory_space<hbm>> -> memref<2x64xi32, #tpu.memory_space<hbm>>
        tpu.wait_dma2 semaphore(%arg17 : memref<!tpu.dma_semaphore, #tpu.memory_space<semaphore_mem>>) src(%dma_wait3A_275 : memref<2x64xi32, #tpu.memory_space<hbm>>) dst(%arg6 : memref<2x64xi32, #tpu.memory_space<vmem>>)
        %dma_start3A_276 = arith.constant 0 : i32
        %dma_start3A_277 = arith.constant 0 : i32
        %dma_start3A_278 = tpu.memref_slice %arg6[%dma_start3A_276, %dma_start3A_277] : memref<2x64xi32, #tpu.memory_space<vmem>> -> memref<1x64xi32, #tpu.memory_space<vmem>>
        %dma_start3A_279 = tpu.memref_squeeze %dma_start3A_278 : memref<1x64xi32, #tpu.memory_space<vmem>> -> memref<64xi32, #tpu.memory_space<vmem>>
        %dma_start3A_280 = arith.constant 0 : i32
        %dma_start3A_281 = arith.constant 0 : i32
        %dma_start3A_282 = tpu.memref_slice %arg2[%dma_start3A_280, %dma_start3A_281] : memref<10000x128xf32, #tpu.memory_space<hbm>> -> memref<10000x128xf32, #tpu.memory_space<hbm>>
        tpu.enqueue_indirect_dma source(%dma_start3A_282 : memref<10000x128xf32, #tpu.memory_space<hbm>>) target(%arg11 : memref<64x128xf32, #tpu.memory_space<vmem>>) offsets(%dma_start3A_279 : memref<64xi32, #tpu.memory_space<vmem>>) semaphore(%arg22 : memref<!tpu.dma_semaphore, #tpu.memory_space<semaphore_mem>>)
      } else {
      }
      %mul3A_179 = arith.constant 5 : i32
      %mul3A_180 = arith.muli %scan3A_127, %mul3A_179 : i32
      %add3A_181 = arith.constant 2 : i32
      %add3A_182 = arith.addi %mul3A_180, %add3A_181 : i32
      %dma_wait3A_183 = arith.constant 0 : i32
      %dma_wait3A_184 = arith.constant 0 : i32
      %dma_wait3A_185 = tpu.memref_slice %arg8[%dma_wait3A_183, %dma_wait3A_184] : memref<2x64xi32, #tpu.memory_space<vmem>> -> memref<1x64xi32, #tpu.memory_space<vmem>>
      %dma_wait3A_186 = tpu.memref_squeeze %dma_wait3A_185 : memref<1x64xi32, #tpu.memory_space<vmem>> -> memref<64xi32, #tpu.memory_space<vmem>>
      %dma_wait3A_187 = arith.constant 0 : i32
      %dma_wait3A_188 = arith.constant 0 : i32
      %dma_wait3A_189 = tpu.memref_slice %arg2[%dma_wait3A_187, %dma_wait3A_188] : memref<10000x128xf32, #tpu.memory_space<hbm>> -> memref<10000x128xf32, #tpu.memory_space<hbm>>
      tpu.wait_indirect_dma semaphore(%arg24 : memref<!tpu.dma_semaphore, #tpu.memory_space<semaphore_mem>>) src(%dma_wait3A_189 : memref<10000x128xf32, #tpu.memory_space<hbm>>) dst(%arg13 : memref<64x128xf32, #tpu.memory_space<vmem>>)
      %run_scoped3A_190 = arith.constant 1 : i32
      "tpu.region"() ({
        %run_scoped3A_263 = tpu.sem_alloc : memref<!tpu.dma_semaphore, #tpu.memory_space<semaphore_mem>>
        %dma_start3A_264 = arith.constant 0 : i32
        %dma_start3A_265 = tpu.memref_slice %arg8[%run_scoped3A_190, %dma_start3A_264] : memref<2x64xi32, #tpu.memory_space<vmem>> -> memref<1x64xi32, #tpu.memory_space<vmem>>
        %dma_start3A_266 = tpu.memref_squeeze %dma_start3A_265 : memref<1x64xi32, #tpu.memory_space<vmem>> -> memref<64xi32, #tpu.memory_space<vmem>>
        %dma_start3A_267 = arith.constant 0 : i32
        %dma_start3A_268 = arith.constant 0 : i32
        %dma_start3A_269 = tpu.memref_slice %arg16[%dma_start3A_267, %dma_start3A_268] : memref<10112x128xf32, #tpu.memory_space<vmem_shared>> -> memref<10112x128xf32, #tpu.memory_space<vmem_shared>>
        tpu.enqueue_indirect_dma source(%arg13 : memref<64x128xf32, #tpu.memory_space<vmem>>) target(%dma_start3A_269 : memref<10112x128xf32, #tpu.memory_space<vmem_shared>>) offsets(%dma_start3A_266 : memref<64xi32, #tpu.memory_space<vmem>>) semaphore(%run_scoped3A_263 : memref<!tpu.dma_semaphore, #tpu.memory_space<semaphore_mem>>) {add = true}
        %dma_wait3A_270 = arith.constant 0 : i32
        %dma_wait3A_271 = tpu.memref_slice %arg8[%run_scoped3A_190, %dma_wait3A_270] : memref<2x64xi32, #tpu.memory_space<vmem>> -> memref<1x64xi32, #tpu.memory_space<vmem>>
        %dma_wait3A_272 = tpu.memref_squeeze %dma_wait3A_271 : memref<1x64xi32, #tpu.memory_space<vmem>> -> memref<64xi32, #tpu.memory_space<vmem>>
        %dma_wait3A_273 = arith.constant 0 : i32
        %dma_wait3A_274 = arith.constant 0 : i32
        %dma_wait3A_275 = tpu.memref_slice %arg16[%dma_wait3A_273, %dma_wait3A_274] : memref<10112x128xf32, #tpu.memory_space<vmem_shared>> -> memref<10112x128xf32, #tpu.memory_space<vmem_shared>>
        tpu.wait_indirect_dma semaphore(%run_scoped3A_263 : memref<!tpu.dma_semaphore, #tpu.memory_space<semaphore_mem>>) src(%arg13 : memref<64x128xf32, #tpu.memory_space<vmem>>) dst(%dma_wait3A_275 : memref<10112x128xf32, #tpu.memory_space<vmem_shared>>)
        tpu.yield
      }) : () -> ()
      %add3A_191 = arith.constant 5 : i32
      %add3A_192 = arith.addi %add3A_182, %add3A_191 : i32
      %lt3A_193 = arith.constant 160 : i32
      %lt3A_194 = arith.cmpi slt, %add3A_192, %lt3A_193 : i32
      %convert_element_type3A_195 = arith.extui %lt3A_194 : i1 to i32
      %cond3A_196 = arith.constant 0 : i32
      %cond3A_197 = arith.cmpi ne, %convert_element_type3A_195, %cond3A_196 : i32
      scf.if %cond3A_197 {
        %add3A_263 = arith.addi %mul3A_4, %add3A_182 : i32
        %add3A_264 = arith.constant 5 : i32
        %add3A_265 = arith.addi %add3A_263, %add3A_264 : i32
        %dma_start3A_266 = arith.constant 0 : i32
        %dma_start3A_267 = arith.constant 0 : i32
        %dma_start3A_268 = tpu.memref_slice %arg3[%add3A_265, %dma_start3A_266, %dma_start3A_267] : memref<5120x2x64xi32, #tpu.memory_space<hbm>> -> memref<1x2x64xi32, #tpu.memory_space<hbm>>
        %dma_start3A_269 = tpu.memref_squeeze %dma_start3A_268 : memref<1x2x64xi32, #tpu.memory_space<hbm>> -> memref<2x64xi32, #tpu.memory_space<hbm>>
        %dma_start3A_270 = arith.constant 0 : i32
        %dma_start3A_271 = arith.constant 0 : i32
        %dma_start3A_272 = tpu.memref_slice %arg3[%add3A_265, %dma_start3A_270, %dma_start3A_271] : memref<5120x2x64xi32, #tpu.memory_space<hbm>> -> memref<1x2x64xi32, #tpu.memory_space<hbm>>
        %dma_start3A_273 = tpu.memref_squeeze %dma_start3A_272 : memref<1x2x64xi32, #tpu.memory_space<hbm>> -> memref<2x64xi32, #tpu.memory_space<hbm>>
        tpu.enqueue_dma source(%dma_start3A_273 : memref<2x64xi32, #tpu.memory_space<hbm>>) target(%arg8 : memref<2x64xi32, #tpu.memory_space<vmem>>) target_semaphore(%arg19 : memref<!tpu.dma_semaphore, #tpu.memory_space<semaphore_mem>>)
      } else {
      }
      %add3A_198 = arith.constant 5 : i32
      %add3A_199 = arith.addi %add3A_182, %add3A_198 : i32
      %sub3A_200 = arith.constant 1 : i32
      %sub3A_201 = arith.subi %add3A_199, %sub3A_200 : i32
      %lt3A_202 = arith.constant 160 : i32
      %lt3A_203 = arith.cmpi slt, %sub3A_201, %lt3A_202 : i32
      %convert_element_type3A_204 = arith.extui %lt3A_203 : i1 to i32
      %cond3A_205 = arith.constant 0 : i32
      %cond3A_206 = arith.cmpi ne, %convert_element_type3A_204, %cond3A_205 : i32
      scf.if %cond3A_206 {
        %add3A_263 = arith.addi %mul3A_4, %add3A_182 : i32
        %add3A_264 = arith.constant 5 : i32
        %add3A_265 = arith.addi %add3A_263, %add3A_264 : i32
        %sub3A_266 = arith.constant 1 : i32
        %sub3A_267 = arith.subi %add3A_265, %sub3A_266 : i32
        %dma_wait3A_268 = arith.constant 0 : i32
        %dma_wait3A_269 = arith.constant 0 : i32
        %dma_wait3A_270 = tpu.memref_slice %arg3[%sub3A_267, %dma_wait3A_268, %dma_wait3A_269] : memref<5120x2x64xi32, #tpu.memory_space<hbm>> -> memref<1x2x64xi32, #tpu.memory_space<hbm>>
        %dma_wait3A_271 = tpu.memref_squeeze %dma_wait3A_270 : memref<1x2x64xi32, #tpu.memory_space<hbm>> -> memref<2x64xi32, #tpu.memory_space<hbm>>
        %dma_wait3A_272 = arith.constant 0 : i32
        %dma_wait3A_273 = arith.constant 0 : i32
        %dma_wait3A_274 = tpu.memref_slice %arg3[%sub3A_267, %dma_wait3A_272, %dma_wait3A_273] : memref<5120x2x64xi32, #tpu.memory_space<hbm>> -> memref<1x2x64xi32, #tpu.memory_space<hbm>>
        %dma_wait3A_275 = tpu.memref_squeeze %dma_wait3A_274 : memref<1x2x64xi32, #tpu.memory_space<hbm>> -> memref<2x64xi32, #tpu.memory_space<hbm>>
        tpu.wait_dma2 semaphore(%arg18 : memref<!tpu.dma_semaphore, #tpu.memory_space<semaphore_mem>>) src(%dma_wait3A_275 : memref<2x64xi32, #tpu.memory_space<hbm>>) dst(%arg7 : memref<2x64xi32, #tpu.memory_space<vmem>>)
        %dma_start3A_276 = arith.constant 0 : i32
        %dma_start3A_277 = arith.constant 0 : i32
        %dma_start3A_278 = tpu.memref_slice %arg7[%dma_start3A_276, %dma_start3A_277] : memref<2x64xi32, #tpu.memory_space<vmem>> -> memref<1x64xi32, #tpu.memory_space<vmem>>
        %dma_start3A_279 = tpu.memref_squeeze %dma_start3A_278 : memref<1x64xi32, #tpu.memory_space<vmem>> -> memref<64xi32, #tpu.memory_space<vmem>>
        %dma_start3A_280 = arith.constant 0 : i32
        %dma_start3A_281 = arith.constant 0 : i32
        %dma_start3A_282 = tpu.memref_slice %arg2[%dma_start3A_280, %dma_start3A_281] : memref<10000x128xf32, #tpu.memory_space<hbm>> -> memref<10000x128xf32, #tpu.memory_space<hbm>>
        tpu.enqueue_indirect_dma source(%dma_start3A_282 : memref<10000x128xf32, #tpu.memory_space<hbm>>) target(%arg12 : memref<64x128xf32, #tpu.memory_space<vmem>>) offsets(%dma_start3A_279 : memref<64xi32, #tpu.memory_space<vmem>>) semaphore(%arg23 : memref<!tpu.dma_semaphore, #tpu.memory_space<semaphore_mem>>)
      } else {
      }
      %mul3A_207 = arith.constant 5 : i32
      %mul3A_208 = arith.muli %scan3A_127, %mul3A_207 : i32
      %add3A_209 = arith.constant 3 : i32
      %add3A_210 = arith.addi %mul3A_208, %add3A_209 : i32
      %dma_wait3A_211 = arith.constant 0 : i32
      %dma_wait3A_212 = arith.constant 0 : i32
      %dma_wait3A_213 = tpu.memref_slice %arg9[%dma_wait3A_211, %dma_wait3A_212] : memref<2x64xi32, #tpu.memory_space<vmem>> -> memref<1x64xi32, #tpu.memory_space<vmem>>
      %dma_wait3A_214 = tpu.memref_squeeze %dma_wait3A_213 : memref<1x64xi32, #tpu.memory_space<vmem>> -> memref<64xi32, #tpu.memory_space<vmem>>
      %dma_wait3A_215 = arith.constant 0 : i32
      %dma_wait3A_216 = arith.constant 0 : i32
      %dma_wait3A_217 = tpu.memref_slice %arg2[%dma_wait3A_215, %dma_wait3A_216] : memref<10000x128xf32, #tpu.memory_space<hbm>> -> memref<10000x128xf32, #tpu.memory_space<hbm>>
      tpu.wait_indirect_dma semaphore(%arg25 : memref<!tpu.dma_semaphore, #tpu.memory_space<semaphore_mem>>) src(%dma_wait3A_217 : memref<10000x128xf32, #tpu.memory_space<hbm>>) dst(%arg14 : memref<64x128xf32, #tpu.memory_space<vmem>>)
      %run_scoped3A_218 = arith.constant 1 : i32
      "tpu.region"() ({
        %run_scoped3A_263 = tpu.sem_alloc : memref<!tpu.dma_semaphore, #tpu.memory_space<semaphore_mem>>
        %dma_start3A_264 = arith.constant 0 : i32
        %dma_start3A_265 = tpu.memref_slice %arg9[%run_scoped3A_218, %dma_start3A_264] : memref<2x64xi32, #tpu.memory_space<vmem>> -> memref<1x64xi32, #tpu.memory_space<vmem>>
        %dma_start3A_266 = tpu.memref_squeeze %dma_start3A_265 : memref<1x64xi32, #tpu.memory_space<vmem>> -> memref<64xi32, #tpu.memory_space<vmem>>
        %dma_start3A_267 = arith.constant 0 : i32
        %dma_start3A_268 = arith.constant 0 : i32
        %dma_start3A_269 = tpu.memref_slice %arg16[%dma_start3A_267, %dma_start3A_268] : memref<10112x128xf32, #tpu.memory_space<vmem_shared>> -> memref<10112x128xf32, #tpu.memory_space<vmem_shared>>
        tpu.enqueue_indirect_dma source(%arg14 : memref<64x128xf32, #tpu.memory_space<vmem>>) target(%dma_start3A_269 : memref<10112x128xf32, #tpu.memory_space<vmem_shared>>) offsets(%dma_start3A_266 : memref<64xi32, #tpu.memory_space<vmem>>) semaphore(%run_scoped3A_263 : memref<!tpu.dma_semaphore, #tpu.memory_space<semaphore_mem>>) {add = true}
        %dma_wait3A_270 = arith.constant 0 : i32
        %dma_wait3A_271 = tpu.memref_slice %arg9[%run_scoped3A_218, %dma_wait3A_270] : memref<2x64xi32, #tpu.memory_space<vmem>> -> memref<1x64xi32, #tpu.memory_space<vmem>>
        %dma_wait3A_272 = tpu.memref_squeeze %dma_wait3A_271 : memref<1x64xi32, #tpu.memory_space<vmem>> -> memref<64xi32, #tpu.memory_space<vmem>>
        %dma_wait3A_273 = arith.constant 0 : i32
        %dma_wait3A_274 = arith.constant 0 : i32
        %dma_wait3A_275 = tpu.memref_slice %arg16[%dma_wait3A_273, %dma_wait3A_274] : memref<10112x128xf32, #tpu.memory_space<vmem_shared>> -> memref<10112x128xf32, #tpu.memory_space<vmem_shared>>
        tpu.wait_indirect_dma semaphore(%run_scoped3A_263 : memref<!tpu.dma_semaphore, #tpu.memory_space<semaphore_mem>>) src(%arg14 : memref<64x128xf32, #tpu.memory_space<vmem>>) dst(%dma_wait3A_275 : memref<10112x128xf32, #tpu.memory_space<vmem_shared>>)
        tpu.yield
      }) : () -> ()
      %add3A_219 = arith.constant 5 : i32
      %add3A_220 = arith.addi %add3A_210, %add3A_219 : i32
      %lt3A_221 = arith.constant 160 : i32
      %lt3A_222 = arith.cmpi slt, %add3A_220, %lt3A_221 : i32
      %convert_element_type3A_223 = arith.extui %lt3A_222 : i1 to i32
      %cond3A_224 = arith.constant 0 : i32
      %cond3A_225 = arith.cmpi ne, %convert_element_type3A_223, %cond3A_224 : i32
      scf.if %cond3A_225 {
        %add3A_263 = arith.addi %mul3A_4, %add3A_210 : i32
        %add3A_264 = arith.constant 5 : i32
        %add3A_265 = arith.addi %add3A_263, %add3A_264 : i32
        %dma_start3A_266 = arith.constant 0 : i32
        %dma_start3A_267 = arith.constant 0 : i32
        %dma_start3A_268 = tpu.memref_slice %arg3[%add3A_265, %dma_start3A_266, %dma_start3A_267] : memref<5120x2x64xi32, #tpu.memory_space<hbm>> -> memref<1x2x64xi32, #tpu.memory_space<hbm>>
        %dma_start3A_269 = tpu.memref_squeeze %dma_start3A_268 : memref<1x2x64xi32, #tpu.memory_space<hbm>> -> memref<2x64xi32, #tpu.memory_space<hbm>>
        %dma_start3A_270 = arith.constant 0 : i32
        %dma_start3A_271 = arith.constant 0 : i32
        %dma_start3A_272 = tpu.memref_slice %arg3[%add3A_265, %dma_start3A_270, %dma_start3A_271] : memref<5120x2x64xi32, #tpu.memory_space<hbm>> -> memref<1x2x64xi32, #tpu.memory_space<hbm>>
        %dma_start3A_273 = tpu.memref_squeeze %dma_start3A_272 : memref<1x2x64xi32, #tpu.memory_space<hbm>> -> memref<2x64xi32, #tpu.memory_space<hbm>>
        tpu.enqueue_dma source(%dma_start3A_273 : memref<2x64xi32, #tpu.memory_space<hbm>>) target(%arg9 : memref<2x64xi32, #tpu.memory_space<vmem>>) target_semaphore(%arg20 : memref<!tpu.dma_semaphore, #tpu.memory_space<semaphore_mem>>)
      } else {
      }
      %add3A_226 = arith.constant 5 : i32
      %add3A_227 = arith.addi %add3A_210, %add3A_226 : i32
      %sub3A_228 = arith.constant 1 : i32
      %sub3A_229 = arith.subi %add3A_227, %sub3A_228 : i32
      %lt3A_230 = arith.constant 160 : i32
      %lt3A_231 = arith.cmpi slt, %sub3A_229, %lt3A_230 : i32
      %convert_element_type3A_232 = arith.extui %lt3A_231 : i1 to i32
      %cond3A_233 = arith.constant 0 : i32
      %cond3A_234 = arith.cmpi ne, %convert_element_type3A_232, %cond3A_233 : i32
      scf.if %cond3A_234 {
        %add3A_263 = arith.addi %mul3A_4, %add3A_210 : i32
        %add3A_264 = arith.constant 5 : i32
        %add3A_265 = arith.addi %add3A_263, %add3A_264 : i32
        %sub3A_266 = arith.constant 1 : i32
        %sub3A_267 = arith.subi %add3A_265, %sub3A_266 : i32
        %dma_wait3A_268 = arith.constant 0 : i32
        %dma_wait3A_269 = arith.constant 0 : i32
        %dma_wait3A_270 = tpu.memref_slice %arg3[%sub3A_267, %dma_wait3A_268, %dma_wait3A_269] : memref<5120x2x64xi32, #tpu.memory_space<hbm>> -> memref<1x2x64xi32, #tpu.memory_space<hbm>>
        %dma_wait3A_271 = tpu.memref_squeeze %dma_wait3A_270 : memref<1x2x64xi32, #tpu.memory_space<hbm>> -> memref<2x64xi32, #tpu.memory_space<hbm>>
        %dma_wait3A_272 = arith.constant 0 : i32
        %dma_wait3A_273 = arith.constant 0 : i32
        %dma_wait3A_274 = tpu.memref_slice %arg3[%sub3A_267, %dma_wait3A_272, %dma_wait3A_273] : memref<5120x2x64xi32, #tpu.memory_space<hbm>> -> memref<1x2x64xi32, #tpu.memory_space<hbm>>
        %dma_wait3A_275 = tpu.memref_squeeze %dma_wait3A_274 : memref<1x2x64xi32, #tpu.memory_space<hbm>> -> memref<2x64xi32, #tpu.memory_space<hbm>>
        tpu.wait_dma2 semaphore(%arg19 : memref<!tpu.dma_semaphore, #tpu.memory_space<semaphore_mem>>) src(%dma_wait3A_275 : memref<2x64xi32, #tpu.memory_space<hbm>>) dst(%arg8 : memref<2x64xi32, #tpu.memory_space<vmem>>)
        %dma_start3A_276 = arith.constant 0 : i32
        %dma_start3A_277 = arith.constant 0 : i32
        %dma_start3A_278 = tpu.memref_slice %arg8[%dma_start3A_276, %dma_start3A_277] : memref<2x64xi32, #tpu.memory_space<vmem>> -> memref<1x64xi32, #tpu.memory_space<vmem>>
        %dma_start3A_279 = tpu.memref_squeeze %dma_start3A_278 : memref<1x64xi32, #tpu.memory_space<vmem>> -> memref<64xi32, #tpu.memory_space<vmem>>
        %dma_start3A_280 = arith.constant 0 : i32
        %dma_start3A_281 = arith.constant 0 : i32
        %dma_start3A_282 = tpu.memref_slice %arg2[%dma_start3A_280, %dma_start3A_281] : memref<10000x128xf32, #tpu.memory_space<hbm>> -> memref<10000x128xf32, #tpu.memory_space<hbm>>
        tpu.enqueue_indirect_dma source(%dma_start3A_282 : memref<10000x128xf32, #tpu.memory_space<hbm>>) target(%arg13 : memref<64x128xf32, #tpu.memory_space<vmem>>) offsets(%dma_start3A_279 : memref<64xi32, #tpu.memory_space<vmem>>) semaphore(%arg24 : memref<!tpu.dma_semaphore, #tpu.memory_space<semaphore_mem>>)
      } else {
      }
      %mul3A_235 = arith.constant 5 : i32
      %mul3A_236 = arith.muli %scan3A_127, %mul3A_235 : i32
      %add3A_237 = arith.constant 4 : i32
      %add3A_238 = arith.addi %mul3A_236, %add3A_237 : i32
      %dma_wait3A_239 = arith.constant 0 : i32
      %dma_wait3A_240 = arith.constant 0 : i32
      %dma_wait3A_241 = tpu.memref_slice %arg10[%dma_wait3A_239, %dma_wait3A_240] : memref<2x64xi32, #tpu.memory_space<vmem>> -> memref<1x64xi32, #tpu.memory_space<vmem>>
      %dma_wait3A_242 = tpu.memref_squeeze %dma_wait3A_241 : memref<1x64xi32, #tpu.memory_space<vmem>> -> memref<64xi32, #tpu.memory_space<vmem>>
      %dma_wait3A_243 = arith.constant 0 : i32
      %dma_wait3A_244 = arith.constant 0 : i32
      %dma_wait3A_245 = tpu.memref_slice %arg2[%dma_wait3A_243, %dma_wait3A_244] : memref<10000x128xf32, #tpu.memory_space<hbm>> -> memref<10000x128xf32, #tpu.memory_space<hbm>>
      tpu.wait_indirect_dma semaphore(%arg26 : memref<!tpu.dma_semaphore, #tpu.memory_space<semaphore_mem>>) src(%dma_wait3A_245 : memref<10000x128xf32, #tpu.memory_space<hbm>>) dst(%arg15 : memref<64x128xf32, #tpu.memory_space<vmem>>)
      %run_scoped3A_246 = arith.constant 1 : i32
      "tpu.region"() ({
        %run_scoped3A_263 = tpu.sem_alloc : memref<!tpu.dma_semaphore, #tpu.memory_space<semaphore_mem>>
        %dma_start3A_264 = arith.constant 0 : i32
        %dma_start3A_265 = tpu.memref_slice %arg10[%run_scoped3A_246, %dma_start3A_264] : memref<2x64xi32, #tpu.memory_space<vmem>> -> memref<1x64xi32, #tpu.memory_space<vmem>>
        %dma_start3A_266 = tpu.memref_squeeze %dma_start3A_265 : memref<1x64xi32, #tpu.memory_space<vmem>> -> memref<64xi32, #tpu.memory_space<vmem>>
        %dma_start3A_267 = arith.constant 0 : i32
        %dma_start3A_268 = arith.constant 0 : i32
        %dma_start3A_269 = tpu.memref_slice %arg16[%dma_start3A_267, %dma_start3A_268] : memref<10112x128xf32, #tpu.memory_space<vmem_shared>> -> memref<10112x128xf32, #tpu.memory_space<vmem_shared>>
        tpu.enqueue_indirect_dma source(%arg15 : memref<64x128xf32, #tpu.memory_space<vmem>>) target(%dma_start3A_269 : memref<10112x128xf32, #tpu.memory_space<vmem_shared>>) offsets(%dma_start3A_266 : memref<64xi32, #tpu.memory_space<vmem>>) semaphore(%run_scoped3A_263 : memref<!tpu.dma_semaphore, #tpu.memory_space<semaphore_mem>>) {add = true}
        %dma_wait3A_270 = arith.constant 0 : i32
        %dma_wait3A_271 = tpu.memref_slice %arg10[%run_scoped3A_246, %dma_wait3A_270] : memref<2x64xi32, #tpu.memory_space<vmem>> -> memref<1x64xi32, #tpu.memory_space<vmem>>
        %dma_wait3A_272 = tpu.memref_squeeze %dma_wait3A_271 : memref<1x64xi32, #tpu.memory_space<vmem>> -> memref<64xi32, #tpu.memory_space<vmem>>
        %dma_wait3A_273 = arith.constant 0 : i32
        %dma_wait3A_274 = arith.constant 0 : i32
        %dma_wait3A_275 = tpu.memref_slice %arg16[%dma_wait3A_273, %dma_wait3A_274] : memref<10112x128xf32, #tpu.memory_space<vmem_shared>> -> memref<10112x128xf32, #tpu.memory_space<vmem_shared>>
        tpu.wait_indirect_dma semaphore(%run_scoped3A_263 : memref<!tpu.dma_semaphore, #tpu.memory_space<semaphore_mem>>) src(%arg15 : memref<64x128xf32, #tpu.memory_space<vmem>>) dst(%dma_wait3A_275 : memref<10112x128xf32, #tpu.memory_space<vmem_shared>>)
        tpu.yield
      }) : () -> ()
      %add3A_247 = arith.constant 5 : i32
      %add3A_248 = arith.addi %add3A_238, %add3A_247 : i32
      %lt3A_249 = arith.constant 160 : i32
      %lt3A_250 = arith.cmpi slt, %add3A_248, %lt3A_249 : i32
      %convert_element_type3A_251 = arith.extui %lt3A_250 : i1 to i32
      %cond3A_252 = arith.constant 0 : i32
      %cond3A_253 = arith.cmpi ne, %convert_element_type3A_251, %cond3A_252 : i32
      scf.if %cond3A_253 {
        %add3A_263 = arith.addi %mul3A_4, %add3A_238 : i32
        %add3A_264 = arith.constant 5 : i32
        %add3A_265 = arith.addi %add3A_263, %add3A_264 : i32
        %dma_start3A_266 = arith.constant 0 : i32
        %dma_start3A_267 = arith.constant 0 : i32
        %dma_start3A_268 = tpu.memref_slice %arg3[%add3A_265, %dma_start3A_266, %dma_start3A_267] : memref<5120x2x64xi32, #tpu.memory_space<hbm>> -> memref<1x2x64xi32, #tpu.memory_space<hbm>>
        %dma_start3A_269 = tpu.memref_squeeze %dma_start3A_268 : memref<1x2x64xi32, #tpu.memory_space<hbm>> -> memref<2x64xi32, #tpu.memory_space<hbm>>
        %dma_start3A_270 = arith.constant 0 : i32
        %dma_start3A_271 = arith.constant 0 : i32
        %dma_start3A_272 = tpu.memref_slice %arg3[%add3A_265, %dma_start3A_270, %dma_start3A_271] : memref<5120x2x64xi32, #tpu.memory_space<hbm>> -> memref<1x2x64xi32, #tpu.memory_space<hbm>>
        %dma_start3A_273 = tpu.memref_squeeze %dma_start3A_272 : memref<1x2x64xi32, #tpu.memory_space<hbm>> -> memref<2x64xi32, #tpu.memory_space<hbm>>
        tpu.enqueue_dma source(%dma_start3A_273 : memref<2x64xi32, #tpu.memory_space<hbm>>) target(%arg10 : memref<2x64xi32, #tpu.memory_space<vmem>>) target_semaphore(%arg21 : memref<!tpu.dma_semaphore, #tpu.memory_space<semaphore_mem>>)
      } else {
      }
      %add3A_254 = arith.constant 5 : i32
      %add3A_255 = arith.addi %add3A_238, %add3A_254 : i32
      %sub3A_256 = arith.constant 1 : i32
      %sub3A_257 = arith.subi %add3A_255, %sub3A_256 : i32
      %lt3A_258 = arith.constant 160 : i32
      %lt3A_259 = arith.cmpi slt, %sub3A_257, %lt3A_258 : i32
      %convert_element_type3A_260 = arith.extui %lt3A_259 : i1 to i32
      %cond3A_261 = arith.constant 0 : i32
      %cond3A_262 = arith.cmpi ne, %convert_element_type3A_260, %cond3A_261 : i32
      scf.if %cond3A_262 {
        %add3A_263 = arith.addi %mul3A_4, %add3A_238 : i32
        %add3A_264 = arith.constant 5 : i32
        %add3A_265 = arith.addi %add3A_263, %add3A_264 : i32
        %sub3A_266 = arith.constant 1 : i32
        %sub3A_267 = arith.subi %add3A_265, %sub3A_266 : i32
        %dma_wait3A_268 = arith.constant 0 : i32
        %dma_wait3A_269 = arith.constant 0 : i32
        %dma_wait3A_270 = tpu.memref_slice %arg3[%sub3A_267, %dma_wait3A_268, %dma_wait3A_269] : memref<5120x2x64xi32, #tpu.memory_space<hbm>> -> memref<1x2x64xi32, #tpu.memory_space<hbm>>
        %dma_wait3A_271 = tpu.memref_squeeze %dma_wait3A_270 : memref<1x2x64xi32, #tpu.memory_space<hbm>> -> memref<2x64xi32, #tpu.memory_space<hbm>>
        %dma_wait3A_272 = arith.constant 0 : i32
        %dma_wait3A_273 = arith.constant 0 : i32
        %dma_wait3A_274 = tpu.memref_slice %arg3[%sub3A_267, %dma_wait3A_272, %dma_wait3A_273] : memref<5120x2x64xi32, #tpu.memory_space<hbm>> -> memref<1x2x64xi32, #tpu.memory_space<hbm>>
        %dma_wait3A_275 = tpu.memref_squeeze %dma_wait3A_274 : memref<1x2x64xi32, #tpu.memory_space<hbm>> -> memref<2x64xi32, #tpu.memory_space<hbm>>
        tpu.wait_dma2 semaphore(%arg20 : memref<!tpu.dma_semaphore, #tpu.memory_space<semaphore_mem>>) src(%dma_wait3A_275 : memref<2x64xi32, #tpu.memory_space<hbm>>) dst(%arg9 : memref<2x64xi32, #tpu.memory_space<vmem>>)
        %dma_start3A_276 = arith.constant 0 : i32
        %dma_start3A_277 = arith.constant 0 : i32
        %dma_start3A_278 = tpu.memref_slice %arg9[%dma_start3A_276, %dma_start3A_277] : memref<2x64xi32, #tpu.memory_space<vmem>> -> memref<1x64xi32, #tpu.memory_space<vmem>>
        %dma_start3A_279 = tpu.memref_squeeze %dma_start3A_278 : memref<1x64xi32, #tpu.memory_space<vmem>> -> memref<64xi32, #tpu.memory_space<vmem>>
        %dma_start3A_280 = arith.constant 0 : i32
        %dma_start3A_281 = arith.constant 0 : i32
        %dma_start3A_282 = tpu.memref_slice %arg2[%dma_start3A_280, %dma_start3A_281] : memref<10000x128xf32, #tpu.memory_space<hbm>> -> memref<10000x128xf32, #tpu.memory_space<hbm>>
        tpu.enqueue_indirect_dma source(%dma_start3A_282 : memref<10000x128xf32, #tpu.memory_space<hbm>>) target(%arg14 : memref<64x128xf32, #tpu.memory_space<vmem>>) offsets(%dma_start3A_279 : memref<64xi32, #tpu.memory_space<vmem>>) semaphore(%arg25 : memref<!tpu.dma_semaphore, #tpu.memory_space<semaphore_mem>>)
      } else {
      }
    }
    %scan3A_125 = arith.constant 32 : i32
    %barrier3A_126 = arith.constant 0 : index
    tpu.barrier barrier_id(%barrier3A_126)
    "tpu.region"() ({
      %run_scoped3A = tpu.sem_alloc : memref<!tpu.dma_semaphore, #tpu.memory_space<semaphore_mem>>
      %dma_start3A_127 = arith.constant 0 : i32
      %dma_start3A_128 = tpu.memref_slice %arg5[%arg0, %mul3A_2, %dma_start3A_127] : memref<2x10112x128xf32, #tpu.memory_space<hbm>> -> memref<1x632x128xf32, #tpu.memory_space<hbm>>
      %dma_start3A_129 = tpu.memref_squeeze %dma_start3A_128 : memref<1x632x128xf32, #tpu.memory_space<hbm>> -> memref<632x128xf32, #tpu.memory_space<hbm>>
      %dma_start3A_130 = arith.constant 0 : i32
      %dma_start3A_131 = tpu.memref_slice %arg16[%mul3A_2, %dma_start3A_130] : memref<10112x128xf32, #tpu.memory_space<vmem_shared>> -> memref<632x128xf32, #tpu.memory_space<vmem_shared>>
      tpu.enqueue_dma source(%dma_start3A_131 : memref<632x128xf32, #tpu.memory_space<vmem_shared>>) target(%dma_start3A_129 : memref<632x128xf32, #tpu.memory_space<hbm>>) target_semaphore(%run_scoped3A : memref<!tpu.dma_semaphore, #tpu.memory_space<semaphore_mem>>)
      %dma_wait3A_132 = arith.constant 0 : i32
      %dma_wait3A_133 = tpu.memref_slice %arg5[%arg0, %mul3A_2, %dma_wait3A_132] : memref<2x10112x128xf32, #tpu.memory_space<hbm>> -> memref<1x632x128xf32, #tpu.memory_space<hbm>>
      %dma_wait3A_134 = tpu.memref_squeeze %dma_wait3A_133 : memref<1x632x128xf32, #tpu.memory_space<hbm>> -> memref<632x128xf32, #tpu.memory_space<hbm>>
      %dma_wait3A_135 = arith.constant 0 : i32
      %dma_wait3A_136 = tpu.memref_slice %arg16[%mul3A_2, %dma_wait3A_135] : memref<10112x128xf32, #tpu.memory_space<vmem_shared>> -> memref<632x128xf32, #tpu.memory_space<vmem_shared>>
      tpu.wait_dma2 semaphore(%run_scoped3A : memref<!tpu.dma_semaphore, #tpu.memory_space<semaphore_mem>>) src(%dma_wait3A_136 : memref<632x128xf32, #tpu.memory_space<vmem_shared>>) dst(%dma_wait3A_134 : memref<632x128xf32, #tpu.memory_space<hbm>>)
      tpu.yield
    }) : () -> ()
    return
  }
}

#map = affine_map<(d0, d1) -> (0, 0)>
#map1 = affine_map<(d0, d1) -> (0, 0, 0)>
module attributes {stable_mosaic.version = 14 : i64} {
  func.func @_sc_spmm_body(%arg0: i32, %arg1: i32, %arg2: memref<10000x128xf32, #tpu.memory_space<hbm>>, %arg3: memref<5120x2x64xi32, #tpu.memory_space<hbm>>, %arg4: memref<10112x128xf32, #tpu.memory_space<hbm>>, %arg5: memref<2x10112x128xf32, #tpu.memory_space<hbm>>, %arg6: memref<2x64xi32, #tpu.memory_space<vmem>>, %arg7: memref<2x64xi32, #tpu.memory_space<vmem>>, %arg8: memref<2x64xi32, #tpu.memory_space<vmem>>, %arg9: memref<2x64xi32, #tpu.memory_space<vmem>>, %arg10: memref<2x64xi32, #tpu.memory_space<vmem>>, %arg11: memref<64x128xf32, #tpu.memory_space<vmem>>, %arg12: memref<64x128xf32, #tpu.memory_space<vmem>>, %arg13: memref<64x128xf32, #tpu.memory_space<vmem>>, %arg14: memref<64x128xf32, #tpu.memory_space<vmem>>, %arg15: memref<64x128xf32, #tpu.memory_space<vmem>>, %arg16: memref<10112x128xf32, #tpu.memory_space<vmem_shared>>, %arg17: memref<!tpu.dma_semaphore, #tpu.memory_space<semaphore_mem>>, %arg18: memref<!tpu.dma_semaphore, #tpu.memory_space<semaphore_mem>>, %arg19: memref<!tpu.dma_semaphore, #tpu.memory_space<semaphore_mem>>, %arg20: memref<!tpu.dma_semaphore, #tpu.memory_space<semaphore_mem>>, %arg21: memref<!tpu.dma_semaphore, #tpu.memory_space<semaphore_mem>>, %arg22: memref<!tpu.dma_semaphore, #tpu.memory_space<semaphore_mem>>, %arg23: memref<!tpu.dma_semaphore, #tpu.memory_space<semaphore_mem>>, %arg24: memref<!tpu.dma_semaphore, #tpu.memory_space<semaphore_mem>>, %arg25: memref<!tpu.dma_semaphore, #tpu.memory_space<semaphore_mem>>, %arg26: memref<!tpu.dma_semaphore, #tpu.memory_space<semaphore_mem>>) attributes {dimension_semantics = [#tpu.dimension_semantics<core_parallel>, #tpu.dimension_semantics<subcore_parallel>], iteration_bounds = array<i64: 2, 16>, scalar_prefetch = 0 : i64, scratch_operands = 21 : i64, tpu.core_type = #tpu.core_type<sc_vector_subcore>, window_params = [{transform_indices = #map}, {transform_indices = #map1}, {transform_indices = #map}, {transform_indices = #map1}]} {
    %mul3A = arith.constant 16 : i32
    %mul3A_0 = arith.muli %arg0, %mul3A : i32
    %add3A = arith.addi %mul3A_0, %arg1 : i32
    %mul3A_1 = arith.constant 632 : i32
    %mul3A_2 = arith.muli %arg1, %mul3A_1 : i32
    %mul3A_3 = arith.constant 160 : i32
    %mul3A_4 = arith.muli %add3A, %mul3A_3 : i32
    "tpu.region"() ({
      %run_scoped3A = tpu.sem_alloc : memref<!tpu.dma_semaphore, #tpu.memory_space<semaphore_mem>>
      %dma_start3A_127 = arith.constant 0 : i32
      %dma_start3A_128 = tpu.memref_slice %arg16[%mul3A_2, %dma_start3A_127] : memref<10112x128xf32, #tpu.memory_space<vmem_shared>> -> memref<632x128xf32, #tpu.memory_space<vmem_shared>>
      %dma_start3A_129 = arith.constant 0 : i32
      %dma_start3A_130 = tpu.memref_slice %arg4[%mul3A_2, %dma_start3A_129] : memref<10112x128xf32, #tpu.memory_space<hbm>> -> memref<632x128xf32, #tpu.memory_space<hbm>>
      tpu.enqueue_dma source(%dma_start3A_130 : memref<632x128xf32, #tpu.memory_space<hbm>>) target(%dma_start3A_128 : memref<632x128xf32, #tpu.memory_space<vmem_shared>>) target_semaphore(%run_scoped3A : memref<!tpu.dma_semaphore, #tpu.memory_space<semaphore_mem>>)
      %dma_wait3A_131 = arith.constant 0 : i32
      %dma_wait3A_132 = tpu.memref_slice %arg16[%mul3A_2, %dma_wait3A_131] : memref<10112x128xf32, #tpu.memory_space<vmem_shared>> -> memref<632x128xf32, #tpu.memory_space<vmem_shared>>
      %dma_wait3A_133 = arith.constant 0 : i32
      %dma_wait3A_134 = tpu.memref_slice %arg4[%mul3A_2, %dma_wait3A_133] : memref<10112x128xf32, #tpu.memory_space<hbm>> -> memref<632x128xf32, #tpu.memory_space<hbm>>
      tpu.wait_dma2 semaphore(%run_scoped3A : memref<!tpu.dma_semaphore, #tpu.memory_space<semaphore_mem>>) src(%dma_wait3A_134 : memref<632x128xf32, #tpu.memory_space<hbm>>) dst(%dma_wait3A_132 : memref<632x128xf32, #tpu.memory_space<vmem_shared>>)
      tpu.yield
    }) : () -> ()
    %barrier3A = arith.constant 0 : index
    tpu.barrier barrier_id(%barrier3A)
    %add3A_5 = arith.constant 0 : i32
    %add3A_6 = arith.addi %mul3A_4, %add3A_5 : i32
    %dma_start3A = arith.constant 0 : i32
    %dma_start3A_7 = arith.constant 0 : i32
    %dma_start3A_8 = tpu.memref_slice %arg3[%add3A_6, %dma_start3A, %dma_start3A_7] : memref<5120x2x64xi32, #tpu.memory_space<hbm>> -> memref<1x2x64xi32, #tpu.memory_space<hbm>>
    %dma_start3A_9 = tpu.memref_squeeze %dma_start3A_8 : memref<1x2x64xi32, #tpu.memory_space<hbm>> -> memref<2x64xi32, #tpu.memory_space<hbm>>
    %dma_start3A_10 = arith.constant 0 : i32
    %dma_start3A_11 = arith.constant 0 : i32
    %dma_start3A_12 = tpu.memref_slice %arg3[%add3A_6, %dma_start3A_10, %dma_start3A_11] : memref<5120x2x64xi32, #tpu.memory_space<hbm>> -> memref<1x2x64xi32, #tpu.memory_space<hbm>>
    %dma_start3A_13 = tpu.memref_squeeze %dma_start3A_12 : memref<1x2x64xi32, #tpu.memory_space<hbm>> -> memref<2x64xi32, #tpu.memory_space<hbm>>
    tpu.enqueue_dma source(%dma_start3A_13 : memref<2x64xi32, #tpu.memory_space<hbm>>) target(%arg6 : memref<2x64xi32, #tpu.memory_space<vmem>>) target_semaphore(%arg17 : memref<!tpu.dma_semaphore, #tpu.memory_space<semaphore_mem>>)
    %add3A_14 = arith.constant 1 : i32
    %add3A_15 = arith.addi %mul3A_4, %add3A_14 : i32
    %dma_start3A_16 = arith.constant 0 : i32
    %dma_start3A_17 = arith.constant 0 : i32
    %dma_start3A_18 = tpu.memref_slice %arg3[%add3A_15, %dma_start3A_16, %dma_start3A_17] : memref<5120x2x64xi32, #tpu.memory_space<hbm>> -> memref<1x2x64xi32, #tpu.memory_space<hbm>>
    %dma_start3A_19 = tpu.memref_squeeze %dma_start3A_18 : memref<1x2x64xi32, #tpu.memory_space<hbm>> -> memref<2x64xi32, #tpu.memory_space<hbm>>
    %dma_start3A_20 = arith.constant 0 : i32
    %dma_start3A_21 = arith.constant 0 : i32
    %dma_start3A_22 = tpu.memref_slice %arg3[%add3A_15, %dma_start3A_20, %dma_start3A_21] : memref<5120x2x64xi32, #tpu.memory_space<hbm>> -> memref<1x2x64xi32, #tpu.memory_space<hbm>>
    %dma_start3A_23 = tpu.memref_squeeze %dma_start3A_22 : memref<1x2x64xi32, #tpu.memory_space<hbm>> -> memref<2x64xi32, #tpu.memory_space<hbm>>
    tpu.enqueue_dma source(%dma_start3A_23 : memref<2x64xi32, #tpu.memory_space<hbm>>) target(%arg7 : memref<2x64xi32, #tpu.memory_space<vmem>>) target_semaphore(%arg18 : memref<!tpu.dma_semaphore, #tpu.memory_space<semaphore_mem>>)
    %add3A_24 = arith.constant 2 : i32
    %add3A_25 = arith.addi %mul3A_4, %add3A_24 : i32
    %dma_start3A_26 = arith.constant 0 : i32
    %dma_start3A_27 = arith.constant 0 : i32
    %dma_start3A_28 = tpu.memref_slice %arg3[%add3A_25, %dma_start3A_26, %dma_start3A_27] : memref<5120x2x64xi32, #tpu.memory_space<hbm>> -> memref<1x2x64xi32, #tpu.memory_space<hbm>>
    %dma_start3A_29 = tpu.memref_squeeze %dma_start3A_28 : memref<1x2x64xi32, #tpu.memory_space<hbm>> -> memref<2x64xi32, #tpu.memory_space<hbm>>
    %dma_start3A_30 = arith.constant 0 : i32
    %dma_start3A_31 = arith.constant 0 : i32
    %dma_start3A_32 = tpu.memref_slice %arg3[%add3A_25, %dma_start3A_30, %dma_start3A_31] : memref<5120x2x64xi32, #tpu.memory_space<hbm>> -> memref<1x2x64xi32, #tpu.memory_space<hbm>>
    %dma_start3A_33 = tpu.memref_squeeze %dma_start3A_32 : memref<1x2x64xi32, #tpu.memory_space<hbm>> -> memref<2x64xi32, #tpu.memory_space<hbm>>
    tpu.enqueue_dma source(%dma_start3A_33 : memref<2x64xi32, #tpu.memory_space<hbm>>) target(%arg8 : memref<2x64xi32, #tpu.memory_space<vmem>>) target_semaphore(%arg19 : memref<!tpu.dma_semaphore, #tpu.memory_space<semaphore_mem>>)
    %add3A_34 = arith.constant 3 : i32
    %add3A_35 = arith.addi %mul3A_4, %add3A_34 : i32
    %dma_start3A_36 = arith.constant 0 : i32
    %dma_start3A_37 = arith.constant 0 : i32
    %dma_start3A_38 = tpu.memref_slice %arg3[%add3A_35, %dma_start3A_36, %dma_start3A_37] : memref<5120x2x64xi32, #tpu.memory_space<hbm>> -> memref<1x2x64xi32, #tpu.memory_space<hbm>>
    %dma_start3A_39 = tpu.memref_squeeze %dma_start3A_38 : memref<1x2x64xi32, #tpu.memory_space<hbm>> -> memref<2x64xi32, #tpu.memory_space<hbm>>
    %dma_start3A_40 = arith.constant 0 : i32
    %dma_start3A_41 = arith.constant 0 : i32
    %dma_start3A_42 = tpu.memref_slice %arg3[%add3A_35, %dma_start3A_40, %dma_start3A_41] : memref<5120x2x64xi32, #tpu.memory_space<hbm>> -> memref<1x2x64xi32, #tpu.memory_space<hbm>>
    %dma_start3A_43 = tpu.memref_squeeze %dma_start3A_42 : memref<1x2x64xi32, #tpu.memory_space<hbm>> -> memref<2x64xi32, #tpu.memory_space<hbm>>
    tpu.enqueue_dma source(%dma_start3A_43 : memref<2x64xi32, #tpu.memory_space<hbm>>) target(%arg9 : memref<2x64xi32, #tpu.memory_space<vmem>>) target_semaphore(%arg20 : memref<!tpu.dma_semaphore, #tpu.memory_space<semaphore_mem>>)
    %add3A_44 = arith.constant 4 : i32
    %add3A_45 = arith.addi %mul3A_4, %add3A_44 : i32
    %dma_start3A_46 = arith.constant 0 : i32
    %dma_start3A_47 = arith.constant 0 : i32
    %dma_start3A_48 = tpu.memref_slice %arg3[%add3A_45, %dma_start3A_46, %dma_start3A_47] : memref<5120x2x64xi32, #tpu.memory_space<hbm>> -> memref<1x2x64xi32, #tpu.memory_space<hbm>>
    %dma_start3A_49 = tpu.memref_squeeze %dma_start3A_48 : memref<1x2x64xi32, #tpu.memory_space<hbm>> -> memref<2x64xi32, #tpu.memory_space<hbm>>
    %dma_start3A_50 = arith.constant 0 : i32
    %dma_start3A_51 = arith.constant 0 : i32
    %dma_start3A_52 = tpu.memref_slice %arg3[%add3A_45, %dma_start3A_50, %dma_start3A_51] : memref<5120x2x64xi32, #tpu.memory_space<hbm>> -> memref<1x2x64xi32, #tpu.memory_space<hbm>>
    %dma_start3A_53 = tpu.memref_squeeze %dma_start3A_52 : memref<1x2x64xi32, #tpu.memory_space<hbm>> -> memref<2x64xi32, #tpu.memory_space<hbm>>
    tpu.enqueue_dma source(%dma_start3A_53 : memref<2x64xi32, #tpu.memory_space<hbm>>) target(%arg10 : memref<2x64xi32, #tpu.memory_space<vmem>>) target_semaphore(%arg21 : memref<!tpu.dma_semaphore, #tpu.memory_space<semaphore_mem>>)
    %add3A_54 = arith.constant 0 : i32
    %add3A_55 = arith.addi %mul3A_4, %add3A_54 : i32
    %dma_wait3A = arith.constant 0 : i32
    %dma_wait3A_56 = arith.constant 0 : i32
    %dma_wait3A_57 = tpu.memref_slice %arg3[%add3A_55, %dma_wait3A, %dma_wait3A_56] : memref<5120x2x64xi32, #tpu.memory_space<hbm>> -> memref<1x2x64xi32, #tpu.memory_space<hbm>>
    %dma_wait3A_58 = tpu.memref_squeeze %dma_wait3A_57 : memref<1x2x64xi32, #tpu.memory_space<hbm>> -> memref<2x64xi32, #tpu.memory_space<hbm>>
    %dma_wait3A_59 = arith.constant 0 : i32
    %dma_wait3A_60 = arith.constant 0 : i32
    %dma_wait3A_61 = tpu.memref_slice %arg3[%add3A_55, %dma_wait3A_59, %dma_wait3A_60] : memref<5120x2x64xi32, #tpu.memory_space<hbm>> -> memref<1x2x64xi32, #tpu.memory_space<hbm>>
    %dma_wait3A_62 = tpu.memref_squeeze %dma_wait3A_61 : memref<1x2x64xi32, #tpu.memory_space<hbm>> -> memref<2x64xi32, #tpu.memory_space<hbm>>
    tpu.wait_dma2 semaphore(%arg17 : memref<!tpu.dma_semaphore, #tpu.memory_space<semaphore_mem>>) src(%dma_wait3A_62 : memref<2x64xi32, #tpu.memory_space<hbm>>) dst(%arg6 : memref<2x64xi32, #tpu.memory_space<vmem>>)
    %dma_start3A_63 = arith.constant 0 : i32
    %dma_start3A_64 = arith.constant 0 : i32
    %dma_start3A_65 = tpu.memref_slice %arg6[%dma_start3A_63, %dma_start3A_64] : memref<2x64xi32, #tpu.memory_space<vmem>> -> memref<1x64xi32, #tpu.memory_space<vmem>>
    %dma_start3A_66 = tpu.memref_squeeze %dma_start3A_65 : memref<1x64xi32, #tpu.memory_space<vmem>> -> memref<64xi32, #tpu.memory_space<vmem>>
    %dma_start3A_67 = arith.constant 0 : i32
    %dma_start3A_68 = arith.constant 0 : i32
    %dma_start3A_69 = tpu.memref_slice %arg2[%dma_start3A_67, %dma_start3A_68] : memref<10000x128xf32, #tpu.memory_space<hbm>> -> memref<10000x128xf32, #tpu.memory_space<hbm>>
    tpu.enqueue_indirect_dma source(%dma_start3A_69 : memref<10000x128xf32, #tpu.memory_space<hbm>>) target(%arg11 : memref<64x128xf32, #tpu.memory_space<vmem>>) offsets(%dma_start3A_66 : memref<64xi32, #tpu.memory_space<vmem>>) semaphore(%arg22 : memref<!tpu.dma_semaphore, #tpu.memory_space<semaphore_mem>>)
    %add3A_70 = arith.constant 1 : i32
    %add3A_71 = arith.addi %mul3A_4, %add3A_70 : i32
    %dma_wait3A_72 = arith.constant 0 : i32
    %dma_wait3A_73 = arith.constant 0 : i32
    %dma_wait3A_74 = tpu.memref_slice %arg3[%add3A_71, %dma_wait3A_72, %dma_wait3A_73] : memref<5120x2x64xi32, #tpu.memory_space<hbm>> -> memref<1x2x64xi32, #tpu.memory_space<hbm>>
    %dma_wait3A_75 = tpu.memref_squeeze %dma_wait3A_74 : memref<1x2x64xi32, #tpu.memory_space<hbm>> -> memref<2x64xi32, #tpu.memory_space<hbm>>
    %dma_wait3A_76 = arith.constant 0 : i32
    %dma_wait3A_77 = arith.constant 0 : i32
    %dma_wait3A_78 = tpu.memref_slice %arg3[%add3A_71, %dma_wait3A_76, %dma_wait3A_77] : memref<5120x2x64xi32, #tpu.memory_space<hbm>> -> memref<1x2x64xi32, #tpu.memory_space<hbm>>
    %dma_wait3A_79 = tpu.memref_squeeze %dma_wait3A_78 : memref<1x2x64xi32, #tpu.memory_space<hbm>> -> memref<2x64xi32, #tpu.memory_space<hbm>>
    tpu.wait_dma2 semaphore(%arg18 : memref<!tpu.dma_semaphore, #tpu.memory_space<semaphore_mem>>) src(%dma_wait3A_79 : memref<2x64xi32, #tpu.memory_space<hbm>>) dst(%arg7 : memref<2x64xi32, #tpu.memory_space<vmem>>)
    %dma_start3A_80 = arith.constant 0 : i32
    %dma_start3A_81 = arith.constant 0 : i32
    %dma_start3A_82 = tpu.memref_slice %arg7[%dma_start3A_80, %dma_start3A_81] : memref<2x64xi32, #tpu.memory_space<vmem>> -> memref<1x64xi32, #tpu.memory_space<vmem>>
    %dma_start3A_83 = tpu.memref_squeeze %dma_start3A_82 : memref<1x64xi32, #tpu.memory_space<vmem>> -> memref<64xi32, #tpu.memory_space<vmem>>
    %dma_start3A_84 = arith.constant 0 : i32
    %dma_start3A_85 = arith.constant 0 : i32
    %dma_start3A_86 = tpu.memref_slice %arg2[%dma_start3A_84, %dma_start3A_85] : memref<10000x128xf32, #tpu.memory_space<hbm>> -> memref<10000x128xf32, #tpu.memory_space<hbm>>
    tpu.enqueue_indirect_dma source(%dma_start3A_86 : memref<10000x128xf32, #tpu.memory_space<hbm>>) target(%arg12 : memref<64x128xf32, #tpu.memory_space<vmem>>) offsets(%dma_start3A_83 : memref<64xi32, #tpu.memory_space<vmem>>) semaphore(%arg23 : memref<!tpu.dma_semaphore, #tpu.memory_space<semaphore_mem>>)
    %add3A_87 = arith.constant 2 : i32
    %add3A_88 = arith.addi %mul3A_4, %add3A_87 : i32
    %dma_wait3A_89 = arith.constant 0 : i32
    %dma_wait3A_90 = arith.constant 0 : i32
    %dma_wait3A_91 = tpu.memref_slice %arg3[%add3A_88, %dma_wait3A_89, %dma_wait3A_90] : memref<5120x2x64xi32, #tpu.memory_space<hbm>> -> memref<1x2x64xi32, #tpu.memory_space<hbm>>
    %dma_wait3A_92 = tpu.memref_squeeze %dma_wait3A_91 : memref<1x2x64xi32, #tpu.memory_space<hbm>> -> memref<2x64xi32, #tpu.memory_space<hbm>>
    %dma_wait3A_93 = arith.constant 0 : i32
    %dma_wait3A_94 = arith.constant 0 : i32
    %dma_wait3A_95 = tpu.memref_slice %arg3[%add3A_88, %dma_wait3A_93, %dma_wait3A_94] : memref<5120x2x64xi32, #tpu.memory_space<hbm>> -> memref<1x2x64xi32, #tpu.memory_space<hbm>>
    %dma_wait3A_96 = tpu.memref_squeeze %dma_wait3A_95 : memref<1x2x64xi32, #tpu.memory_space<hbm>> -> memref<2x64xi32, #tpu.memory_space<hbm>>
    tpu.wait_dma2 semaphore(%arg19 : memref<!tpu.dma_semaphore, #tpu.memory_space<semaphore_mem>>) src(%dma_wait3A_96 : memref<2x64xi32, #tpu.memory_space<hbm>>) dst(%arg8 : memref<2x64xi32, #tpu.memory_space<vmem>>)
    %dma_start3A_97 = arith.constant 0 : i32
    %dma_start3A_98 = arith.constant 0 : i32
    %dma_start3A_99 = tpu.memref_slice %arg8[%dma_start3A_97, %dma_start3A_98] : memref<2x64xi32, #tpu.memory_space<vmem>> -> memref<1x64xi32, #tpu.memory_space<vmem>>
    %dma_start3A_100 = tpu.memref_squeeze %dma_start3A_99 : memref<1x64xi32, #tpu.memory_space<vmem>> -> memref<64xi32, #tpu.memory_space<vmem>>
    %dma_start3A_101 = arith.constant 0 : i32
    %dma_start3A_102 = arith.constant 0 : i32
    %dma_start3A_103 = tpu.memref_slice %arg2[%dma_start3A_101, %dma_start3A_102] : memref<10000x128xf32, #tpu.memory_space<hbm>> -> memref<10000x128xf32, #tpu.memory_space<hbm>>
    tpu.enqueue_indirect_dma source(%dma_start3A_103 : memref<10000x128xf32, #tpu.memory_space<hbm>>) target(%arg13 : memref<64x128xf32, #tpu.memory_space<vmem>>) offsets(%dma_start3A_100 : memref<64xi32, #tpu.memory_space<vmem>>) semaphore(%arg24 : memref<!tpu.dma_semaphore, #tpu.memory_space<semaphore_mem>>)
    %add3A_104 = arith.constant 3 : i32
    %add3A_105 = arith.addi %mul3A_4, %add3A_104 : i32
    %dma_wait3A_106 = arith.constant 0 : i32
    %dma_wait3A_107 = arith.constant 0 : i32
    %dma_wait3A_108 = tpu.memref_slice %arg3[%add3A_105, %dma_wait3A_106, %dma_wait3A_107] : memref<5120x2x64xi32, #tpu.memory_space<hbm>> -> memref<1x2x64xi32, #tpu.memory_space<hbm>>
    %dma_wait3A_109 = tpu.memref_squeeze %dma_wait3A_108 : memref<1x2x64xi32, #tpu.memory_space<hbm>> -> memref<2x64xi32, #tpu.memory_space<hbm>>
    %dma_wait3A_110 = arith.constant 0 : i32
    %dma_wait3A_111 = arith.constant 0 : i32
    %dma_wait3A_112 = tpu.memref_slice %arg3[%add3A_105, %dma_wait3A_110, %dma_wait3A_111] : memref<5120x2x64xi32, #tpu.memory_space<hbm>> -> memref<1x2x64xi32, #tpu.memory_space<hbm>>
    %dma_wait3A_113 = tpu.memref_squeeze %dma_wait3A_112 : memref<1x2x64xi32, #tpu.memory_space<hbm>> -> memref<2x64xi32, #tpu.memory_space<hbm>>
    tpu.wait_dma2 semaphore(%arg20 : memref<!tpu.dma_semaphore, #tpu.memory_space<semaphore_mem>>) src(%dma_wait3A_113 : memref<2x64xi32, #tpu.memory_space<hbm>>) dst(%arg9 : memref<2x64xi32, #tpu.memory_space<vmem>>)
    %dma_start3A_114 = arith.constant 0 : i32
    %dma_start3A_115 = arith.constant 0 : i32
    %dma_start3A_116 = tpu.memref_slice %arg9[%dma_start3A_114, %dma_start3A_115] : memref<2x64xi32, #tpu.memory_space<vmem>> -> memref<1x64xi32, #tpu.memory_space<vmem>>
    %dma_start3A_117 = tpu.memref_squeeze %dma_start3A_116 : memref<1x64xi32, #tpu.memory_space<vmem>> -> memref<64xi32, #tpu.memory_space<vmem>>
    %dma_start3A_118 = arith.constant 0 : i32
    %dma_start3A_119 = arith.constant 0 : i32
    %dma_start3A_120 = tpu.memref_slice %arg2[%dma_start3A_118, %dma_start3A_119] : memref<10000x128xf32, #tpu.memory_space<hbm>> -> memref<10000x128xf32, #tpu.memory_space<hbm>>
    tpu.enqueue_indirect_dma source(%dma_start3A_120 : memref<10000x128xf32, #tpu.memory_space<hbm>>) target(%arg14 : memref<64x128xf32, #tpu.memory_space<vmem>>) offsets(%dma_start3A_117 : memref<64xi32, #tpu.memory_space<vmem>>) semaphore(%arg25 : memref<!tpu.dma_semaphore, #tpu.memory_space<semaphore_mem>>)
    %scan3A = arith.constant 0 : i32
    %scan3A_121 = arith.constant 0 : i32
    %scan3A_122 = arith.constant 32 : i32
    %scan3A_123 = arith.addi %scan3A_121, %scan3A_122 : i32
    %scan3A_124 = arith.constant 1 : i32
    scf.for %scan3A_127 = %scan3A_121 to %scan3A_123 step %scan3A_124  : i32 {
      %mul3A_128 = arith.constant 5 : i32
      %mul3A_129 = arith.muli %scan3A_127, %mul3A_128 : i32
      %add3A_130 = arith.constant 0 : i32
      %add3A_131 = arith.addi %mul3A_129, %add3A_130 : i32
      %dma_wait3A_132 = arith.constant 0 : i32
      %dma_wait3A_133 = arith.constant 0 : i32
      %dma_wait3A_134 = tpu.memref_slice %arg6[%dma_wait3A_132, %dma_wait3A_133] : memref<2x64xi32, #tpu.memory_space<vmem>> -> memref<1x64xi32, #tpu.memory_space<vmem>>
      %dma_wait3A_135 = tpu.memref_squeeze %dma_wait3A_134 : memref<1x64xi32, #tpu.memory_space<vmem>> -> memref<64xi32, #tpu.memory_space<vmem>>
      %dma_wait3A_136 = arith.constant 0 : i32
      %dma_wait3A_137 = arith.constant 0 : i32
      %dma_wait3A_138 = tpu.memref_slice %arg2[%dma_wait3A_136, %dma_wait3A_137] : memref<10000x128xf32, #tpu.memory_space<hbm>> -> memref<10000x128xf32, #tpu.memory_space<hbm>>
      tpu.wait_indirect_dma semaphore(%arg22 : memref<!tpu.dma_semaphore, #tpu.memory_space<semaphore_mem>>) src(%dma_wait3A_138 : memref<10000x128xf32, #tpu.memory_space<hbm>>) dst(%arg11 : memref<64x128xf32, #tpu.memory_space<vmem>>)
      %run_scoped3A = arith.constant 1 : i32
      "tpu.region"() ({
        %run_scoped3A_263 = tpu.sem_alloc : memref<!tpu.dma_semaphore, #tpu.memory_space<semaphore_mem>>
        %dma_start3A_264 = arith.constant 0 : i32
        %dma_start3A_265 = tpu.memref_slice %arg6[%run_scoped3A, %dma_start3A_264] : memref<2x64xi32, #tpu.memory_space<vmem>> -> memref<1x64xi32, #tpu.memory_space<vmem>>
        %dma_start3A_266 = tpu.memref_squeeze %dma_start3A_265 : memref<1x64xi32, #tpu.memory_space<vmem>> -> memref<64xi32, #tpu.memory_space<vmem>>
        %dma_start3A_267 = arith.constant 0 : i32
        %dma_start3A_268 = arith.constant 0 : i32
        %dma_start3A_269 = tpu.memref_slice %arg16[%dma_start3A_267, %dma_start3A_268] : memref<10112x128xf32, #tpu.memory_space<vmem_shared>> -> memref<10112x128xf32, #tpu.memory_space<vmem_shared>>
        tpu.enqueue_indirect_dma source(%arg11 : memref<64x128xf32, #tpu.memory_space<vmem>>) target(%dma_start3A_269 : memref<10112x128xf32, #tpu.memory_space<vmem_shared>>) offsets(%dma_start3A_266 : memref<64xi32, #tpu.memory_space<vmem>>) semaphore(%run_scoped3A_263 : memref<!tpu.dma_semaphore, #tpu.memory_space<semaphore_mem>>) {add = true}
        %dma_wait3A_270 = arith.constant 0 : i32
        %dma_wait3A_271 = tpu.memref_slice %arg6[%run_scoped3A, %dma_wait3A_270] : memref<2x64xi32, #tpu.memory_space<vmem>> -> memref<1x64xi32, #tpu.memory_space<vmem>>
        %dma_wait3A_272 = tpu.memref_squeeze %dma_wait3A_271 : memref<1x64xi32, #tpu.memory_space<vmem>> -> memref<64xi32, #tpu.memory_space<vmem>>
        %dma_wait3A_273 = arith.constant 0 : i32
        %dma_wait3A_274 = arith.constant 0 : i32
        %dma_wait3A_275 = tpu.memref_slice %arg16[%dma_wait3A_273, %dma_wait3A_274] : memref<10112x128xf32, #tpu.memory_space<vmem_shared>> -> memref<10112x128xf32, #tpu.memory_space<vmem_shared>>
        tpu.wait_indirect_dma semaphore(%run_scoped3A_263 : memref<!tpu.dma_semaphore, #tpu.memory_space<semaphore_mem>>) src(%arg11 : memref<64x128xf32, #tpu.memory_space<vmem>>) dst(%dma_wait3A_275 : memref<10112x128xf32, #tpu.memory_space<vmem_shared>>)
        tpu.yield
      }) : () -> ()
      %add3A_139 = arith.constant 5 : i32
      %add3A_140 = arith.addi %add3A_131, %add3A_139 : i32
      %lt3A = arith.constant 160 : i32
      %lt3A_141 = arith.cmpi slt, %add3A_140, %lt3A : i32
      %convert_element_type3A = arith.extui %lt3A_141 : i1 to i32
      %cond3A = arith.constant 0 : i32
      %cond3A_142 = arith.cmpi ne, %convert_element_type3A, %cond3A : i32
      scf.if %cond3A_142 {
        %add3A_263 = arith.addi %mul3A_4, %add3A_131 : i32
        %add3A_264 = arith.constant 5 : i32
        %add3A_265 = arith.addi %add3A_263, %add3A_264 : i32
        %dma_start3A_266 = arith.constant 0 : i32
        %dma_start3A_267 = arith.constant 0 : i32
        %dma_start3A_268 = tpu.memref_slice %arg3[%add3A_265, %dma_start3A_266, %dma_start3A_267] : memref<5120x2x64xi32, #tpu.memory_space<hbm>> -> memref<1x2x64xi32, #tpu.memory_space<hbm>>
        %dma_start3A_269 = tpu.memref_squeeze %dma_start3A_268 : memref<1x2x64xi32, #tpu.memory_space<hbm>> -> memref<2x64xi32, #tpu.memory_space<hbm>>
        %dma_start3A_270 = arith.constant 0 : i32
        %dma_start3A_271 = arith.constant 0 : i32
        %dma_start3A_272 = tpu.memref_slice %arg3[%add3A_265, %dma_start3A_270, %dma_start3A_271] : memref<5120x2x64xi32, #tpu.memory_space<hbm>> -> memref<1x2x64xi32, #tpu.memory_space<hbm>>
        %dma_start3A_273 = tpu.memref_squeeze %dma_start3A_272 : memref<1x2x64xi32, #tpu.memory_space<hbm>> -> memref<2x64xi32, #tpu.memory_space<hbm>>
        tpu.enqueue_dma source(%dma_start3A_273 : memref<2x64xi32, #tpu.memory_space<hbm>>) target(%arg6 : memref<2x64xi32, #tpu.memory_space<vmem>>) target_semaphore(%arg17 : memref<!tpu.dma_semaphore, #tpu.memory_space<semaphore_mem>>)
      } else {
      }
      %add3A_143 = arith.constant 5 : i32
      %add3A_144 = arith.addi %add3A_131, %add3A_143 : i32
      %sub3A = arith.constant 1 : i32
      %sub3A_145 = arith.subi %add3A_144, %sub3A : i32
      %lt3A_146 = arith.constant 160 : i32
      %lt3A_147 = arith.cmpi slt, %sub3A_145, %lt3A_146 : i32
      %convert_element_type3A_148 = arith.extui %lt3A_147 : i1 to i32
      %cond3A_149 = arith.constant 0 : i32
      %cond3A_150 = arith.cmpi ne, %convert_element_type3A_148, %cond3A_149 : i32
      scf.if %cond3A_150 {
        %add3A_263 = arith.addi %mul3A_4, %add3A_131 : i32
        %add3A_264 = arith.constant 5 : i32
        %add3A_265 = arith.addi %add3A_263, %add3A_264 : i32
        %sub3A_266 = arith.constant 1 : i32
        %sub3A_267 = arith.subi %add3A_265, %sub3A_266 : i32
        %dma_wait3A_268 = arith.constant 0 : i32
        %dma_wait3A_269 = arith.constant 0 : i32
        %dma_wait3A_270 = tpu.memref_slice %arg3[%sub3A_267, %dma_wait3A_268, %dma_wait3A_269] : memref<5120x2x64xi32, #tpu.memory_space<hbm>> -> memref<1x2x64xi32, #tpu.memory_space<hbm>>
        %dma_wait3A_271 = tpu.memref_squeeze %dma_wait3A_270 : memref<1x2x64xi32, #tpu.memory_space<hbm>> -> memref<2x64xi32, #tpu.memory_space<hbm>>
        %dma_wait3A_272 = arith.constant 0 : i32
        %dma_wait3A_273 = arith.constant 0 : i32
        %dma_wait3A_274 = tpu.memref_slice %arg3[%sub3A_267, %dma_wait3A_272, %dma_wait3A_273] : memref<5120x2x64xi32, #tpu.memory_space<hbm>> -> memref<1x2x64xi32, #tpu.memory_space<hbm>>
        %dma_wait3A_275 = tpu.memref_squeeze %dma_wait3A_274 : memref<1x2x64xi32, #tpu.memory_space<hbm>> -> memref<2x64xi32, #tpu.memory_space<hbm>>
        tpu.wait_dma2 semaphore(%arg21 : memref<!tpu.dma_semaphore, #tpu.memory_space<semaphore_mem>>) src(%dma_wait3A_275 : memref<2x64xi32, #tpu.memory_space<hbm>>) dst(%arg10 : memref<2x64xi32, #tpu.memory_space<vmem>>)
        %dma_start3A_276 = arith.constant 0 : i32
        %dma_start3A_277 = arith.constant 0 : i32
        %dma_start3A_278 = tpu.memref_slice %arg10[%dma_start3A_276, %dma_start3A_277] : memref<2x64xi32, #tpu.memory_space<vmem>> -> memref<1x64xi32, #tpu.memory_space<vmem>>
        %dma_start3A_279 = tpu.memref_squeeze %dma_start3A_278 : memref<1x64xi32, #tpu.memory_space<vmem>> -> memref<64xi32, #tpu.memory_space<vmem>>
        %dma_start3A_280 = arith.constant 0 : i32
        %dma_start3A_281 = arith.constant 0 : i32
        %dma_start3A_282 = tpu.memref_slice %arg2[%dma_start3A_280, %dma_start3A_281] : memref<10000x128xf32, #tpu.memory_space<hbm>> -> memref<10000x128xf32, #tpu.memory_space<hbm>>
        tpu.enqueue_indirect_dma source(%dma_start3A_282 : memref<10000x128xf32, #tpu.memory_space<hbm>>) target(%arg15 : memref<64x128xf32, #tpu.memory_space<vmem>>) offsets(%dma_start3A_279 : memref<64xi32, #tpu.memory_space<vmem>>) semaphore(%arg26 : memref<!tpu.dma_semaphore, #tpu.memory_space<semaphore_mem>>)
      } else {
      }
      %mul3A_151 = arith.constant 5 : i32
      %mul3A_152 = arith.muli %scan3A_127, %mul3A_151 : i32
      %add3A_153 = arith.constant 1 : i32
      %add3A_154 = arith.addi %mul3A_152, %add3A_153 : i32
      %dma_wait3A_155 = arith.constant 0 : i32
      %dma_wait3A_156 = arith.constant 0 : i32
      %dma_wait3A_157 = tpu.memref_slice %arg7[%dma_wait3A_155, %dma_wait3A_156] : memref<2x64xi32, #tpu.memory_space<vmem>> -> memref<1x64xi32, #tpu.memory_space<vmem>>
      %dma_wait3A_158 = tpu.memref_squeeze %dma_wait3A_157 : memref<1x64xi32, #tpu.memory_space<vmem>> -> memref<64xi32, #tpu.memory_space<vmem>>
      %dma_wait3A_159 = arith.constant 0 : i32
      %dma_wait3A_160 = arith.constant 0 : i32
      %dma_wait3A_161 = tpu.memref_slice %arg2[%dma_wait3A_159, %dma_wait3A_160] : memref<10000x128xf32, #tpu.memory_space<hbm>> -> memref<10000x128xf32, #tpu.memory_space<hbm>>
      tpu.wait_indirect_dma semaphore(%arg23 : memref<!tpu.dma_semaphore, #tpu.memory_space<semaphore_mem>>) src(%dma_wait3A_161 : memref<10000x128xf32, #tpu.memory_space<hbm>>) dst(%arg12 : memref<64x128xf32, #tpu.memory_space<vmem>>)
      %run_scoped3A_162 = arith.constant 1 : i32
      "tpu.region"() ({
        %run_scoped3A_263 = tpu.sem_alloc : memref<!tpu.dma_semaphore, #tpu.memory_space<semaphore_mem>>
        %dma_start3A_264 = arith.constant 0 : i32
        %dma_start3A_265 = tpu.memref_slice %arg7[%run_scoped3A_162, %dma_start3A_264] : memref<2x64xi32, #tpu.memory_space<vmem>> -> memref<1x64xi32, #tpu.memory_space<vmem>>
        %dma_start3A_266 = tpu.memref_squeeze %dma_start3A_265 : memref<1x64xi32, #tpu.memory_space<vmem>> -> memref<64xi32, #tpu.memory_space<vmem>>
        %dma_start3A_267 = arith.constant 0 : i32
        %dma_start3A_268 = arith.constant 0 : i32
        %dma_start3A_269 = tpu.memref_slice %arg16[%dma_start3A_267, %dma_start3A_268] : memref<10112x128xf32, #tpu.memory_space<vmem_shared>> -> memref<10112x128xf32, #tpu.memory_space<vmem_shared>>
        tpu.enqueue_indirect_dma source(%arg12 : memref<64x128xf32, #tpu.memory_space<vmem>>) target(%dma_start3A_269 : memref<10112x128xf32, #tpu.memory_space<vmem_shared>>) offsets(%dma_start3A_266 : memref<64xi32, #tpu.memory_space<vmem>>) semaphore(%run_scoped3A_263 : memref<!tpu.dma_semaphore, #tpu.memory_space<semaphore_mem>>) {add = true}
        %dma_wait3A_270 = arith.constant 0 : i32
        %dma_wait3A_271 = tpu.memref_slice %arg7[%run_scoped3A_162, %dma_wait3A_270] : memref<2x64xi32, #tpu.memory_space<vmem>> -> memref<1x64xi32, #tpu.memory_space<vmem>>
        %dma_wait3A_272 = tpu.memref_squeeze %dma_wait3A_271 : memref<1x64xi32, #tpu.memory_space<vmem>> -> memref<64xi32, #tpu.memory_space<vmem>>
        %dma_wait3A_273 = arith.constant 0 : i32
        %dma_wait3A_274 = arith.constant 0 : i32
        %dma_wait3A_275 = tpu.memref_slice %arg16[%dma_wait3A_273, %dma_wait3A_274] : memref<10112x128xf32, #tpu.memory_space<vmem_shared>> -> memref<10112x128xf32, #tpu.memory_space<vmem_shared>>
        tpu.wait_indirect_dma semaphore(%run_scoped3A_263 : memref<!tpu.dma_semaphore, #tpu.memory_space<semaphore_mem>>) src(%arg12 : memref<64x128xf32, #tpu.memory_space<vmem>>) dst(%dma_wait3A_275 : memref<10112x128xf32, #tpu.memory_space<vmem_shared>>)
        tpu.yield
      }) : () -> ()
      %add3A_163 = arith.constant 5 : i32
      %add3A_164 = arith.addi %add3A_154, %add3A_163 : i32
      %lt3A_165 = arith.constant 160 : i32
      %lt3A_166 = arith.cmpi slt, %add3A_164, %lt3A_165 : i32
      %convert_element_type3A_167 = arith.extui %lt3A_166 : i1 to i32
      %cond3A_168 = arith.constant 0 : i32
      %cond3A_169 = arith.cmpi ne, %convert_element_type3A_167, %cond3A_168 : i32
      scf.if %cond3A_169 {
        %add3A_263 = arith.addi %mul3A_4, %add3A_154 : i32
        %add3A_264 = arith.constant 5 : i32
        %add3A_265 = arith.addi %add3A_263, %add3A_264 : i32
        %dma_start3A_266 = arith.constant 0 : i32
        %dma_start3A_267 = arith.constant 0 : i32
        %dma_start3A_268 = tpu.memref_slice %arg3[%add3A_265, %dma_start3A_266, %dma_start3A_267] : memref<5120x2x64xi32, #tpu.memory_space<hbm>> -> memref<1x2x64xi32, #tpu.memory_space<hbm>>
        %dma_start3A_269 = tpu.memref_squeeze %dma_start3A_268 : memref<1x2x64xi32, #tpu.memory_space<hbm>> -> memref<2x64xi32, #tpu.memory_space<hbm>>
        %dma_start3A_270 = arith.constant 0 : i32
        %dma_start3A_271 = arith.constant 0 : i32
        %dma_start3A_272 = tpu.memref_slice %arg3[%add3A_265, %dma_start3A_270, %dma_start3A_271] : memref<5120x2x64xi32, #tpu.memory_space<hbm>> -> memref<1x2x64xi32, #tpu.memory_space<hbm>>
        %dma_start3A_273 = tpu.memref_squeeze %dma_start3A_272 : memref<1x2x64xi32, #tpu.memory_space<hbm>> -> memref<2x64xi32, #tpu.memory_space<hbm>>
        tpu.enqueue_dma source(%dma_start3A_273 : memref<2x64xi32, #tpu.memory_space<hbm>>) target(%arg7 : memref<2x64xi32, #tpu.memory_space<vmem>>) target_semaphore(%arg18 : memref<!tpu.dma_semaphore, #tpu.memory_space<semaphore_mem>>)
      } else {
      }
      %add3A_170 = arith.constant 5 : i32
      %add3A_171 = arith.addi %add3A_154, %add3A_170 : i32
      %sub3A_172 = arith.constant 1 : i32
      %sub3A_173 = arith.subi %add3A_171, %sub3A_172 : i32
      %lt3A_174 = arith.constant 160 : i32
      %lt3A_175 = arith.cmpi slt, %sub3A_173, %lt3A_174 : i32
      %convert_element_type3A_176 = arith.extui %lt3A_175 : i1 to i32
      %cond3A_177 = arith.constant 0 : i32
      %cond3A_178 = arith.cmpi ne, %convert_element_type3A_176, %cond3A_177 : i32
      scf.if %cond3A_178 {
        %add3A_263 = arith.addi %mul3A_4, %add3A_154 : i32
        %add3A_264 = arith.constant 5 : i32
        %add3A_265 = arith.addi %add3A_263, %add3A_264 : i32
        %sub3A_266 = arith.constant 1 : i32
        %sub3A_267 = arith.subi %add3A_265, %sub3A_266 : i32
        %dma_wait3A_268 = arith.constant 0 : i32
        %dma_wait3A_269 = arith.constant 0 : i32
        %dma_wait3A_270 = tpu.memref_slice %arg3[%sub3A_267, %dma_wait3A_268, %dma_wait3A_269] : memref<5120x2x64xi32, #tpu.memory_space<hbm>> -> memref<1x2x64xi32, #tpu.memory_space<hbm>>
        %dma_wait3A_271 = tpu.memref_squeeze %dma_wait3A_270 : memref<1x2x64xi32, #tpu.memory_space<hbm>> -> memref<2x64xi32, #tpu.memory_space<hbm>>
        %dma_wait3A_272 = arith.constant 0 : i32
        %dma_wait3A_273 = arith.constant 0 : i32
        %dma_wait3A_274 = tpu.memref_slice %arg3[%sub3A_267, %dma_wait3A_272, %dma_wait3A_273] : memref<5120x2x64xi32, #tpu.memory_space<hbm>> -> memref<1x2x64xi32, #tpu.memory_space<hbm>>
        %dma_wait3A_275 = tpu.memref_squeeze %dma_wait3A_274 : memref<1x2x64xi32, #tpu.memory_space<hbm>> -> memref<2x64xi32, #tpu.memory_space<hbm>>
        tpu.wait_dma2 semaphore(%arg17 : memref<!tpu.dma_semaphore, #tpu.memory_space<semaphore_mem>>) src(%dma_wait3A_275 : memref<2x64xi32, #tpu.memory_space<hbm>>) dst(%arg6 : memref<2x64xi32, #tpu.memory_space<vmem>>)
        %dma_start3A_276 = arith.constant 0 : i32
        %dma_start3A_277 = arith.constant 0 : i32
        %dma_start3A_278 = tpu.memref_slice %arg6[%dma_start3A_276, %dma_start3A_277] : memref<2x64xi32, #tpu.memory_space<vmem>> -> memref<1x64xi32, #tpu.memory_space<vmem>>
        %dma_start3A_279 = tpu.memref_squeeze %dma_start3A_278 : memref<1x64xi32, #tpu.memory_space<vmem>> -> memref<64xi32, #tpu.memory_space<vmem>>
        %dma_start3A_280 = arith.constant 0 : i32
        %dma_start3A_281 = arith.constant 0 : i32
        %dma_start3A_282 = tpu.memref_slice %arg2[%dma_start3A_280, %dma_start3A_281] : memref<10000x128xf32, #tpu.memory_space<hbm>> -> memref<10000x128xf32, #tpu.memory_space<hbm>>
        tpu.enqueue_indirect_dma source(%dma_start3A_282 : memref<10000x128xf32, #tpu.memory_space<hbm>>) target(%arg11 : memref<64x128xf32, #tpu.memory_space<vmem>>) offsets(%dma_start3A_279 : memref<64xi32, #tpu.memory_space<vmem>>) semaphore(%arg22 : memref<!tpu.dma_semaphore, #tpu.memory_space<semaphore_mem>>)
      } else {
      }
      %mul3A_179 = arith.constant 5 : i32
      %mul3A_180 = arith.muli %scan3A_127, %mul3A_179 : i32
      %add3A_181 = arith.constant 2 : i32
      %add3A_182 = arith.addi %mul3A_180, %add3A_181 : i32
      %dma_wait3A_183 = arith.constant 0 : i32
      %dma_wait3A_184 = arith.constant 0 : i32
      %dma_wait3A_185 = tpu.memref_slice %arg8[%dma_wait3A_183, %dma_wait3A_184] : memref<2x64xi32, #tpu.memory_space<vmem>> -> memref<1x64xi32, #tpu.memory_space<vmem>>
      %dma_wait3A_186 = tpu.memref_squeeze %dma_wait3A_185 : memref<1x64xi32, #tpu.memory_space<vmem>> -> memref<64xi32, #tpu.memory_space<vmem>>
      %dma_wait3A_187 = arith.constant 0 : i32
      %dma_wait3A_188 = arith.constant 0 : i32
      %dma_wait3A_189 = tpu.memref_slice %arg2[%dma_wait3A_187, %dma_wait3A_188] : memref<10000x128xf32, #tpu.memory_space<hbm>> -> memref<10000x128xf32, #tpu.memory_space<hbm>>
      tpu.wait_indirect_dma semaphore(%arg24 : memref<!tpu.dma_semaphore, #tpu.memory_space<semaphore_mem>>) src(%dma_wait3A_189 : memref<10000x128xf32, #tpu.memory_space<hbm>>) dst(%arg13 : memref<64x128xf32, #tpu.memory_space<vmem>>)
      %run_scoped3A_190 = arith.constant 1 : i32
      "tpu.region"() ({
        %run_scoped3A_263 = tpu.sem_alloc : memref<!tpu.dma_semaphore, #tpu.memory_space<semaphore_mem>>
        %dma_start3A_264 = arith.constant 0 : i32
        %dma_start3A_265 = tpu.memref_slice %arg8[%run_scoped3A_190, %dma_start3A_264] : memref<2x64xi32, #tpu.memory_space<vmem>> -> memref<1x64xi32, #tpu.memory_space<vmem>>
        %dma_start3A_266 = tpu.memref_squeeze %dma_start3A_265 : memref<1x64xi32, #tpu.memory_space<vmem>> -> memref<64xi32, #tpu.memory_space<vmem>>
        %dma_start3A_267 = arith.constant 0 : i32
        %dma_start3A_268 = arith.constant 0 : i32
        %dma_start3A_269 = tpu.memref_slice %arg16[%dma_start3A_267, %dma_start3A_268] : memref<10112x128xf32, #tpu.memory_space<vmem_shared>> -> memref<10112x128xf32, #tpu.memory_space<vmem_shared>>
        tpu.enqueue_indirect_dma source(%arg13 : memref<64x128xf32, #tpu.memory_space<vmem>>) target(%dma_start3A_269 : memref<10112x128xf32, #tpu.memory_space<vmem_shared>>) offsets(%dma_start3A_266 : memref<64xi32, #tpu.memory_space<vmem>>) semaphore(%run_scoped3A_263 : memref<!tpu.dma_semaphore, #tpu.memory_space<semaphore_mem>>) {add = true}
        %dma_wait3A_270 = arith.constant 0 : i32
        %dma_wait3A_271 = tpu.memref_slice %arg8[%run_scoped3A_190, %dma_wait3A_270] : memref<2x64xi32, #tpu.memory_space<vmem>> -> memref<1x64xi32, #tpu.memory_space<vmem>>
        %dma_wait3A_272 = tpu.memref_squeeze %dma_wait3A_271 : memref<1x64xi32, #tpu.memory_space<vmem>> -> memref<64xi32, #tpu.memory_space<vmem>>
        %dma_wait3A_273 = arith.constant 0 : i32
        %dma_wait3A_274 = arith.constant 0 : i32
        %dma_wait3A_275 = tpu.memref_slice %arg16[%dma_wait3A_273, %dma_wait3A_274] : memref<10112x128xf32, #tpu.memory_space<vmem_shared>> -> memref<10112x128xf32, #tpu.memory_space<vmem_shared>>
        tpu.wait_indirect_dma semaphore(%run_scoped3A_263 : memref<!tpu.dma_semaphore, #tpu.memory_space<semaphore_mem>>) src(%arg13 : memref<64x128xf32, #tpu.memory_space<vmem>>) dst(%dma_wait3A_275 : memref<10112x128xf32, #tpu.memory_space<vmem_shared>>)
        tpu.yield
      }) : () -> ()
      %add3A_191 = arith.constant 5 : i32
      %add3A_192 = arith.addi %add3A_182, %add3A_191 : i32
      %lt3A_193 = arith.constant 160 : i32
      %lt3A_194 = arith.cmpi slt, %add3A_192, %lt3A_193 : i32
      %convert_element_type3A_195 = arith.extui %lt3A_194 : i1 to i32
      %cond3A_196 = arith.constant 0 : i32
      %cond3A_197 = arith.cmpi ne, %convert_element_type3A_195, %cond3A_196 : i32
      scf.if %cond3A_197 {
        %add3A_263 = arith.addi %mul3A_4, %add3A_182 : i32
        %add3A_264 = arith.constant 5 : i32
        %add3A_265 = arith.addi %add3A_263, %add3A_264 : i32
        %dma_start3A_266 = arith.constant 0 : i32
        %dma_start3A_267 = arith.constant 0 : i32
        %dma_start3A_268 = tpu.memref_slice %arg3[%add3A_265, %dma_start3A_266, %dma_start3A_267] : memref<5120x2x64xi32, #tpu.memory_space<hbm>> -> memref<1x2x64xi32, #tpu.memory_space<hbm>>
        %dma_start3A_269 = tpu.memref_squeeze %dma_start3A_268 : memref<1x2x64xi32, #tpu.memory_space<hbm>> -> memref<2x64xi32, #tpu.memory_space<hbm>>
        %dma_start3A_270 = arith.constant 0 : i32
        %dma_start3A_271 = arith.constant 0 : i32
        %dma_start3A_272 = tpu.memref_slice %arg3[%add3A_265, %dma_start3A_270, %dma_start3A_271] : memref<5120x2x64xi32, #tpu.memory_space<hbm>> -> memref<1x2x64xi32, #tpu.memory_space<hbm>>
        %dma_start3A_273 = tpu.memref_squeeze %dma_start3A_272 : memref<1x2x64xi32, #tpu.memory_space<hbm>> -> memref<2x64xi32, #tpu.memory_space<hbm>>
        tpu.enqueue_dma source(%dma_start3A_273 : memref<2x64xi32, #tpu.memory_space<hbm>>) target(%arg8 : memref<2x64xi32, #tpu.memory_space<vmem>>) target_semaphore(%arg19 : memref<!tpu.dma_semaphore, #tpu.memory_space<semaphore_mem>>)
      } else {
      }
      %add3A_198 = arith.constant 5 : i32
      %add3A_199 = arith.addi %add3A_182, %add3A_198 : i32
      %sub3A_200 = arith.constant 1 : i32
      %sub3A_201 = arith.subi %add3A_199, %sub3A_200 : i32
      %lt3A_202 = arith.constant 160 : i32
      %lt3A_203 = arith.cmpi slt, %sub3A_201, %lt3A_202 : i32
      %convert_element_type3A_204 = arith.extui %lt3A_203 : i1 to i32
      %cond3A_205 = arith.constant 0 : i32
      %cond3A_206 = arith.cmpi ne, %convert_element_type3A_204, %cond3A_205 : i32
      scf.if %cond3A_206 {
        %add3A_263 = arith.addi %mul3A_4, %add3A_182 : i32
        %add3A_264 = arith.constant 5 : i32
        %add3A_265 = arith.addi %add3A_263, %add3A_264 : i32
        %sub3A_266 = arith.constant 1 : i32
        %sub3A_267 = arith.subi %add3A_265, %sub3A_266 : i32
        %dma_wait3A_268 = arith.constant 0 : i32
        %dma_wait3A_269 = arith.constant 0 : i32
        %dma_wait3A_270 = tpu.memref_slice %arg3[%sub3A_267, %dma_wait3A_268, %dma_wait3A_269] : memref<5120x2x64xi32, #tpu.memory_space<hbm>> -> memref<1x2x64xi32, #tpu.memory_space<hbm>>
        %dma_wait3A_271 = tpu.memref_squeeze %dma_wait3A_270 : memref<1x2x64xi32, #tpu.memory_space<hbm>> -> memref<2x64xi32, #tpu.memory_space<hbm>>
        %dma_wait3A_272 = arith.constant 0 : i32
        %dma_wait3A_273 = arith.constant 0 : i32
        %dma_wait3A_274 = tpu.memref_slice %arg3[%sub3A_267, %dma_wait3A_272, %dma_wait3A_273] : memref<5120x2x64xi32, #tpu.memory_space<hbm>> -> memref<1x2x64xi32, #tpu.memory_space<hbm>>
        %dma_wait3A_275 = tpu.memref_squeeze %dma_wait3A_274 : memref<1x2x64xi32, #tpu.memory_space<hbm>> -> memref<2x64xi32, #tpu.memory_space<hbm>>
        tpu.wait_dma2 semaphore(%arg18 : memref<!tpu.dma_semaphore, #tpu.memory_space<semaphore_mem>>) src(%dma_wait3A_275 : memref<2x64xi32, #tpu.memory_space<hbm>>) dst(%arg7 : memref<2x64xi32, #tpu.memory_space<vmem>>)
        %dma_start3A_276 = arith.constant 0 : i32
        %dma_start3A_277 = arith.constant 0 : i32
        %dma_start3A_278 = tpu.memref_slice %arg7[%dma_start3A_276, %dma_start3A_277] : memref<2x64xi32, #tpu.memory_space<vmem>> -> memref<1x64xi32, #tpu.memory_space<vmem>>
        %dma_start3A_279 = tpu.memref_squeeze %dma_start3A_278 : memref<1x64xi32, #tpu.memory_space<vmem>> -> memref<64xi32, #tpu.memory_space<vmem>>
        %dma_start3A_280 = arith.constant 0 : i32
        %dma_start3A_281 = arith.constant 0 : i32
        %dma_start3A_282 = tpu.memref_slice %arg2[%dma_start3A_280, %dma_start3A_281] : memref<10000x128xf32, #tpu.memory_space<hbm>> -> memref<10000x128xf32, #tpu.memory_space<hbm>>
        tpu.enqueue_indirect_dma source(%dma_start3A_282 : memref<10000x128xf32, #tpu.memory_space<hbm>>) target(%arg12 : memref<64x128xf32, #tpu.memory_space<vmem>>) offsets(%dma_start3A_279 : memref<64xi32, #tpu.memory_space<vmem>>) semaphore(%arg23 : memref<!tpu.dma_semaphore, #tpu.memory_space<semaphore_mem>>)
      } else {
      }
      %mul3A_207 = arith.constant 5 : i32
      %mul3A_208 = arith.muli %scan3A_127, %mul3A_207 : i32
      %add3A_209 = arith.constant 3 : i32
      %add3A_210 = arith.addi %mul3A_208, %add3A_209 : i32
      %dma_wait3A_211 = arith.constant 0 : i32
      %dma_wait3A_212 = arith.constant 0 : i32
      %dma_wait3A_213 = tpu.memref_slice %arg9[%dma_wait3A_211, %dma_wait3A_212] : memref<2x64xi32, #tpu.memory_space<vmem>> -> memref<1x64xi32, #tpu.memory_space<vmem>>
      %dma_wait3A_214 = tpu.memref_squeeze %dma_wait3A_213 : memref<1x64xi32, #tpu.memory_space<vmem>> -> memref<64xi32, #tpu.memory_space<vmem>>
      %dma_wait3A_215 = arith.constant 0 : i32
      %dma_wait3A_216 = arith.constant 0 : i32
      %dma_wait3A_217 = tpu.memref_slice %arg2[%dma_wait3A_215, %dma_wait3A_216] : memref<10000x128xf32, #tpu.memory_space<hbm>> -> memref<10000x128xf32, #tpu.memory_space<hbm>>
      tpu.wait_indirect_dma semaphore(%arg25 : memref<!tpu.dma_semaphore, #tpu.memory_space<semaphore_mem>>) src(%dma_wait3A_217 : memref<10000x128xf32, #tpu.memory_space<hbm>>) dst(%arg14 : memref<64x128xf32, #tpu.memory_space<vmem>>)
      %run_scoped3A_218 = arith.constant 1 : i32
      "tpu.region"() ({
        %run_scoped3A_263 = tpu.sem_alloc : memref<!tpu.dma_semaphore, #tpu.memory_space<semaphore_mem>>
        %dma_start3A_264 = arith.constant 0 : i32
        %dma_start3A_265 = tpu.memref_slice %arg9[%run_scoped3A_218, %dma_start3A_264] : memref<2x64xi32, #tpu.memory_space<vmem>> -> memref<1x64xi32, #tpu.memory_space<vmem>>
        %dma_start3A_266 = tpu.memref_squeeze %dma_start3A_265 : memref<1x64xi32, #tpu.memory_space<vmem>> -> memref<64xi32, #tpu.memory_space<vmem>>
        %dma_start3A_267 = arith.constant 0 : i32
        %dma_start3A_268 = arith.constant 0 : i32
        %dma_start3A_269 = tpu.memref_slice %arg16[%dma_start3A_267, %dma_start3A_268] : memref<10112x128xf32, #tpu.memory_space<vmem_shared>> -> memref<10112x128xf32, #tpu.memory_space<vmem_shared>>
        tpu.enqueue_indirect_dma source(%arg14 : memref<64x128xf32, #tpu.memory_space<vmem>>) target(%dma_start3A_269 : memref<10112x128xf32, #tpu.memory_space<vmem_shared>>) offsets(%dma_start3A_266 : memref<64xi32, #tpu.memory_space<vmem>>) semaphore(%run_scoped3A_263 : memref<!tpu.dma_semaphore, #tpu.memory_space<semaphore_mem>>) {add = true}
        %dma_wait3A_270 = arith.constant 0 : i32
        %dma_wait3A_271 = tpu.memref_slice %arg9[%run_scoped3A_218, %dma_wait3A_270] : memref<2x64xi32, #tpu.memory_space<vmem>> -> memref<1x64xi32, #tpu.memory_space<vmem>>
        %dma_wait3A_272 = tpu.memref_squeeze %dma_wait3A_271 : memref<1x64xi32, #tpu.memory_space<vmem>> -> memref<64xi32, #tpu.memory_space<vmem>>
        %dma_wait3A_273 = arith.constant 0 : i32
        %dma_wait3A_274 = arith.constant 0 : i32
        %dma_wait3A_275 = tpu.memref_slice %arg16[%dma_wait3A_273, %dma_wait3A_274] : memref<10112x128xf32, #tpu.memory_space<vmem_shared>> -> memref<10112x128xf32, #tpu.memory_space<vmem_shared>>
        tpu.wait_indirect_dma semaphore(%run_scoped3A_263 : memref<!tpu.dma_semaphore, #tpu.memory_space<semaphore_mem>>) src(%arg14 : memref<64x128xf32, #tpu.memory_space<vmem>>) dst(%dma_wait3A_275 : memref<10112x128xf32, #tpu.memory_space<vmem_shared>>)
        tpu.yield
      }) : () -> ()
      %add3A_219 = arith.constant 5 : i32
      %add3A_220 = arith.addi %add3A_210, %add3A_219 : i32
      %lt3A_221 = arith.constant 160 : i32
      %lt3A_222 = arith.cmpi slt, %add3A_220, %lt3A_221 : i32
      %convert_element_type3A_223 = arith.extui %lt3A_222 : i1 to i32
      %cond3A_224 = arith.constant 0 : i32
      %cond3A_225 = arith.cmpi ne, %convert_element_type3A_223, %cond3A_224 : i32
      scf.if %cond3A_225 {
        %add3A_263 = arith.addi %mul3A_4, %add3A_210 : i32
        %add3A_264 = arith.constant 5 : i32
        %add3A_265 = arith.addi %add3A_263, %add3A_264 : i32
        %dma_start3A_266 = arith.constant 0 : i32
        %dma_start3A_267 = arith.constant 0 : i32
        %dma_start3A_268 = tpu.memref_slice %arg3[%add3A_265, %dma_start3A_266, %dma_start3A_267] : memref<5120x2x64xi32, #tpu.memory_space<hbm>> -> memref<1x2x64xi32, #tpu.memory_space<hbm>>
        %dma_start3A_269 = tpu.memref_squeeze %dma_start3A_268 : memref<1x2x64xi32, #tpu.memory_space<hbm>> -> memref<2x64xi32, #tpu.memory_space<hbm>>
        %dma_start3A_270 = arith.constant 0 : i32
        %dma_start3A_271 = arith.constant 0 : i32
        %dma_start3A_272 = tpu.memref_slice %arg3[%add3A_265, %dma_start3A_270, %dma_start3A_271] : memref<5120x2x64xi32, #tpu.memory_space<hbm>> -> memref<1x2x64xi32, #tpu.memory_space<hbm>>
        %dma_start3A_273 = tpu.memref_squeeze %dma_start3A_272 : memref<1x2x64xi32, #tpu.memory_space<hbm>> -> memref<2x64xi32, #tpu.memory_space<hbm>>
        tpu.enqueue_dma source(%dma_start3A_273 : memref<2x64xi32, #tpu.memory_space<hbm>>) target(%arg9 : memref<2x64xi32, #tpu.memory_space<vmem>>) target_semaphore(%arg20 : memref<!tpu.dma_semaphore, #tpu.memory_space<semaphore_mem>>)
      } else {
      }
      %add3A_226 = arith.constant 5 : i32
      %add3A_227 = arith.addi %add3A_210, %add3A_226 : i32
      %sub3A_228 = arith.constant 1 : i32
      %sub3A_229 = arith.subi %add3A_227, %sub3A_228 : i32
      %lt3A_230 = arith.constant 160 : i32
      %lt3A_231 = arith.cmpi slt, %sub3A_229, %lt3A_230 : i32
      %convert_element_type3A_232 = arith.extui %lt3A_231 : i1 to i32
      %cond3A_233 = arith.constant 0 : i32
      %cond3A_234 = arith.cmpi ne, %convert_element_type3A_232, %cond3A_233 : i32
      scf.if %cond3A_234 {
        %add3A_263 = arith.addi %mul3A_4, %add3A_210 : i32
        %add3A_264 = arith.constant 5 : i32
        %add3A_265 = arith.addi %add3A_263, %add3A_264 : i32
        %sub3A_266 = arith.constant 1 : i32
        %sub3A_267 = arith.subi %add3A_265, %sub3A_266 : i32
        %dma_wait3A_268 = arith.constant 0 : i32
        %dma_wait3A_269 = arith.constant 0 : i32
        %dma_wait3A_270 = tpu.memref_slice %arg3[%sub3A_267, %dma_wait3A_268, %dma_wait3A_269] : memref<5120x2x64xi32, #tpu.memory_space<hbm>> -> memref<1x2x64xi32, #tpu.memory_space<hbm>>
        %dma_wait3A_271 = tpu.memref_squeeze %dma_wait3A_270 : memref<1x2x64xi32, #tpu.memory_space<hbm>> -> memref<2x64xi32, #tpu.memory_space<hbm>>
        %dma_wait3A_272 = arith.constant 0 : i32
        %dma_wait3A_273 = arith.constant 0 : i32
        %dma_wait3A_274 = tpu.memref_slice %arg3[%sub3A_267, %dma_wait3A_272, %dma_wait3A_273] : memref<5120x2x64xi32, #tpu.memory_space<hbm>> -> memref<1x2x64xi32, #tpu.memory_space<hbm>>
        %dma_wait3A_275 = tpu.memref_squeeze %dma_wait3A_274 : memref<1x2x64xi32, #tpu.memory_space<hbm>> -> memref<2x64xi32, #tpu.memory_space<hbm>>
        tpu.wait_dma2 semaphore(%arg19 : memref<!tpu.dma_semaphore, #tpu.memory_space<semaphore_mem>>) src(%dma_wait3A_275 : memref<2x64xi32, #tpu.memory_space<hbm>>) dst(%arg8 : memref<2x64xi32, #tpu.memory_space<vmem>>)
        %dma_start3A_276 = arith.constant 0 : i32
        %dma_start3A_277 = arith.constant 0 : i32
        %dma_start3A_278 = tpu.memref_slice %arg8[%dma_start3A_276, %dma_start3A_277] : memref<2x64xi32, #tpu.memory_space<vmem>> -> memref<1x64xi32, #tpu.memory_space<vmem>>
        %dma_start3A_279 = tpu.memref_squeeze %dma_start3A_278 : memref<1x64xi32, #tpu.memory_space<vmem>> -> memref<64xi32, #tpu.memory_space<vmem>>
        %dma_start3A_280 = arith.constant 0 : i32
        %dma_start3A_281 = arith.constant 0 : i32
        %dma_start3A_282 = tpu.memref_slice %arg2[%dma_start3A_280, %dma_start3A_281] : memref<10000x128xf32, #tpu.memory_space<hbm>> -> memref<10000x128xf32, #tpu.memory_space<hbm>>
        tpu.enqueue_indirect_dma source(%dma_start3A_282 : memref<10000x128xf32, #tpu.memory_space<hbm>>) target(%arg13 : memref<64x128xf32, #tpu.memory_space<vmem>>) offsets(%dma_start3A_279 : memref<64xi32, #tpu.memory_space<vmem>>) semaphore(%arg24 : memref<!tpu.dma_semaphore, #tpu.memory_space<semaphore_mem>>)
      } else {
      }
      %mul3A_235 = arith.constant 5 : i32
      %mul3A_236 = arith.muli %scan3A_127, %mul3A_235 : i32
      %add3A_237 = arith.constant 4 : i32
      %add3A_238 = arith.addi %mul3A_236, %add3A_237 : i32
      %dma_wait3A_239 = arith.constant 0 : i32
      %dma_wait3A_240 = arith.constant 0 : i32
      %dma_wait3A_241 = tpu.memref_slice %arg10[%dma_wait3A_239, %dma_wait3A_240] : memref<2x64xi32, #tpu.memory_space<vmem>> -> memref<1x64xi32, #tpu.memory_space<vmem>>
      %dma_wait3A_242 = tpu.memref_squeeze %dma_wait3A_241 : memref<1x64xi32, #tpu.memory_space<vmem>> -> memref<64xi32, #tpu.memory_space<vmem>>
      %dma_wait3A_243 = arith.constant 0 : i32
      %dma_wait3A_244 = arith.constant 0 : i32
      %dma_wait3A_245 = tpu.memref_slice %arg2[%dma_wait3A_243, %dma_wait3A_244] : memref<10000x128xf32, #tpu.memory_space<hbm>> -> memref<10000x128xf32, #tpu.memory_space<hbm>>
      tpu.wait_indirect_dma semaphore(%arg26 : memref<!tpu.dma_semaphore, #tpu.memory_space<semaphore_mem>>) src(%dma_wait3A_245 : memref<10000x128xf32, #tpu.memory_space<hbm>>) dst(%arg15 : memref<64x128xf32, #tpu.memory_space<vmem>>)
      %run_scoped3A_246 = arith.constant 1 : i32
      "tpu.region"() ({
        %run_scoped3A_263 = tpu.sem_alloc : memref<!tpu.dma_semaphore, #tpu.memory_space<semaphore_mem>>
        %dma_start3A_264 = arith.constant 0 : i32
        %dma_start3A_265 = tpu.memref_slice %arg10[%run_scoped3A_246, %dma_start3A_264] : memref<2x64xi32, #tpu.memory_space<vmem>> -> memref<1x64xi32, #tpu.memory_space<vmem>>
        %dma_start3A_266 = tpu.memref_squeeze %dma_start3A_265 : memref<1x64xi32, #tpu.memory_space<vmem>> -> memref<64xi32, #tpu.memory_space<vmem>>
        %dma_start3A_267 = arith.constant 0 : i32
        %dma_start3A_268 = arith.constant 0 : i32
        %dma_start3A_269 = tpu.memref_slice %arg16[%dma_start3A_267, %dma_start3A_268] : memref<10112x128xf32, #tpu.memory_space<vmem_shared>> -> memref<10112x128xf32, #tpu.memory_space<vmem_shared>>
        tpu.enqueue_indirect_dma source(%arg15 : memref<64x128xf32, #tpu.memory_space<vmem>>) target(%dma_start3A_269 : memref<10112x128xf32, #tpu.memory_space<vmem_shared>>) offsets(%dma_start3A_266 : memref<64xi32, #tpu.memory_space<vmem>>) semaphore(%run_scoped3A_263 : memref<!tpu.dma_semaphore, #tpu.memory_space<semaphore_mem>>) {add = true}
        %dma_wait3A_270 = arith.constant 0 : i32
        %dma_wait3A_271 = tpu.memref_slice %arg10[%run_scoped3A_246, %dma_wait3A_270] : memref<2x64xi32, #tpu.memory_space<vmem>> -> memref<1x64xi32, #tpu.memory_space<vmem>>
        %dma_wait3A_272 = tpu.memref_squeeze %dma_wait3A_271 : memref<1x64xi32, #tpu.memory_space<vmem>> -> memref<64xi32, #tpu.memory_space<vmem>>
        %dma_wait3A_273 = arith.constant 0 : i32
        %dma_wait3A_274 = arith.constant 0 : i32
        %dma_wait3A_275 = tpu.memref_slice %arg16[%dma_wait3A_273, %dma_wait3A_274] : memref<10112x128xf32, #tpu.memory_space<vmem_shared>> -> memref<10112x128xf32, #tpu.memory_space<vmem_shared>>
        tpu.wait_indirect_dma semaphore(%run_scoped3A_263 : memref<!tpu.dma_semaphore, #tpu.memory_space<semaphore_mem>>) src(%arg15 : memref<64x128xf32, #tpu.memory_space<vmem>>) dst(%dma_wait3A_275 : memref<10112x128xf32, #tpu.memory_space<vmem_shared>>)
        tpu.yield
      }) : () -> ()
      %add3A_247 = arith.constant 5 : i32
      %add3A_248 = arith.addi %add3A_238, %add3A_247 : i32
      %lt3A_249 = arith.constant 160 : i32
      %lt3A_250 = arith.cmpi slt, %add3A_248, %lt3A_249 : i32
      %convert_element_type3A_251 = arith.extui %lt3A_250 : i1 to i32
      %cond3A_252 = arith.constant 0 : i32
      %cond3A_253 = arith.cmpi ne, %convert_element_type3A_251, %cond3A_252 : i32
      scf.if %cond3A_253 {
        %add3A_263 = arith.addi %mul3A_4, %add3A_238 : i32
        %add3A_264 = arith.constant 5 : i32
        %add3A_265 = arith.addi %add3A_263, %add3A_264 : i32
        %dma_start3A_266 = arith.constant 0 : i32
        %dma_start3A_267 = arith.constant 0 : i32
        %dma_start3A_268 = tpu.memref_slice %arg3[%add3A_265, %dma_start3A_266, %dma_start3A_267] : memref<5120x2x64xi32, #tpu.memory_space<hbm>> -> memref<1x2x64xi32, #tpu.memory_space<hbm>>
        %dma_start3A_269 = tpu.memref_squeeze %dma_start3A_268 : memref<1x2x64xi32, #tpu.memory_space<hbm>> -> memref<2x64xi32, #tpu.memory_space<hbm>>
        %dma_start3A_270 = arith.constant 0 : i32
        %dma_start3A_271 = arith.constant 0 : i32
        %dma_start3A_272 = tpu.memref_slice %arg3[%add3A_265, %dma_start3A_270, %dma_start3A_271] : memref<5120x2x64xi32, #tpu.memory_space<hbm>> -> memref<1x2x64xi32, #tpu.memory_space<hbm>>
        %dma_start3A_273 = tpu.memref_squeeze %dma_start3A_272 : memref<1x2x64xi32, #tpu.memory_space<hbm>> -> memref<2x64xi32, #tpu.memory_space<hbm>>
        tpu.enqueue_dma source(%dma_start3A_273 : memref<2x64xi32, #tpu.memory_space<hbm>>) target(%arg10 : memref<2x64xi32, #tpu.memory_space<vmem>>) target_semaphore(%arg21 : memref<!tpu.dma_semaphore, #tpu.memory_space<semaphore_mem>>)
      } else {
      }
      %add3A_254 = arith.constant 5 : i32
      %add3A_255 = arith.addi %add3A_238, %add3A_254 : i32
      %sub3A_256 = arith.constant 1 : i32
      %sub3A_257 = arith.subi %add3A_255, %sub3A_256 : i32
      %lt3A_258 = arith.constant 160 : i32
      %lt3A_259 = arith.cmpi slt, %sub3A_257, %lt3A_258 : i32
      %convert_element_type3A_260 = arith.extui %lt3A_259 : i1 to i32
      %cond3A_261 = arith.constant 0 : i32
      %cond3A_262 = arith.cmpi ne, %convert_element_type3A_260, %cond3A_261 : i32
      scf.if %cond3A_262 {
        %add3A_263 = arith.addi %mul3A_4, %add3A_238 : i32
        %add3A_264 = arith.constant 5 : i32
        %add3A_265 = arith.addi %add3A_263, %add3A_264 : i32
        %sub3A_266 = arith.constant 1 : i32
        %sub3A_267 = arith.subi %add3A_265, %sub3A_266 : i32
        %dma_wait3A_268 = arith.constant 0 : i32
        %dma_wait3A_269 = arith.constant 0 : i32
        %dma_wait3A_270 = tpu.memref_slice %arg3[%sub3A_267, %dma_wait3A_268, %dma_wait3A_269] : memref<5120x2x64xi32, #tpu.memory_space<hbm>> -> memref<1x2x64xi32, #tpu.memory_space<hbm>>
        %dma_wait3A_271 = tpu.memref_squeeze %dma_wait3A_270 : memref<1x2x64xi32, #tpu.memory_space<hbm>> -> memref<2x64xi32, #tpu.memory_space<hbm>>
        %dma_wait3A_272 = arith.constant 0 : i32
        %dma_wait3A_273 = arith.constant 0 : i32
        %dma_wait3A_274 = tpu.memref_slice %arg3[%sub3A_267, %dma_wait3A_272, %dma_wait3A_273] : memref<5120x2x64xi32, #tpu.memory_space<hbm>> -> memref<1x2x64xi32, #tpu.memory_space<hbm>>
        %dma_wait3A_275 = tpu.memref_squeeze %dma_wait3A_274 : memref<1x2x64xi32, #tpu.memory_space<hbm>> -> memref<2x64xi32, #tpu.memory_space<hbm>>
        tpu.wait_dma2 semaphore(%arg20 : memref<!tpu.dma_semaphore, #tpu.memory_space<semaphore_mem>>) src(%dma_wait3A_275 : memref<2x64xi32, #tpu.memory_space<hbm>>) dst(%arg9 : memref<2x64xi32, #tpu.memory_space<vmem>>)
        %dma_start3A_276 = arith.constant 0 : i32
        %dma_start3A_277 = arith.constant 0 : i32
        %dma_start3A_278 = tpu.memref_slice %arg9[%dma_start3A_276, %dma_start3A_277] : memref<2x64xi32, #tpu.memory_space<vmem>> -> memref<1x64xi32, #tpu.memory_space<vmem>>
        %dma_start3A_279 = tpu.memref_squeeze %dma_start3A_278 : memref<1x64xi32, #tpu.memory_space<vmem>> -> memref<64xi32, #tpu.memory_space<vmem>>
        %dma_start3A_280 = arith.constant 0 : i32
        %dma_start3A_281 = arith.constant 0 : i32
        %dma_start3A_282 = tpu.memref_slice %arg2[%dma_start3A_280, %dma_start3A_281] : memref<10000x128xf32, #tpu.memory_space<hbm>> -> memref<10000x128xf32, #tpu.memory_space<hbm>>
        tpu.enqueue_indirect_dma source(%dma_start3A_282 : memref<10000x128xf32, #tpu.memory_space<hbm>>) target(%arg14 : memref<64x128xf32, #tpu.memory_space<vmem>>) offsets(%dma_start3A_279 : memref<64xi32, #tpu.memory_space<vmem>>) semaphore(%arg25 : memref<!tpu.dma_semaphore, #tpu.memory_space<semaphore_mem>>)
      } else {
      }
    }
    %scan3A_125 = arith.constant 32 : i32
    %barrier3A_126 = arith.constant 0 : index
    tpu.barrier barrier_id(%barrier3A_126)
    "tpu.region"() ({
      %run_scoped3A = tpu.sem_alloc : memref<!tpu.dma_semaphore, #tpu.memory_space<semaphore_mem>>
      %dma_start3A_127 = arith.constant 0 : i32
      %dma_start3A_128 = tpu.memref_slice %arg5[%arg0, %mul3A_2, %dma_start3A_127] : memref<2x10112x128xf32, #tpu.memory_space<hbm>> -> memref<1x632x128xf32, #tpu.memory_space<hbm>>
      %dma_start3A_129 = tpu.memref_squeeze %dma_start3A_128 : memref<1x632x128xf32, #tpu.memory_space<hbm>> -> memref<632x128xf32, #tpu.memory_space<hbm>>
      %dma_start3A_130 = arith.constant 0 : i32
      %dma_start3A_131 = tpu.memref_slice %arg16[%mul3A_2, %dma_start3A_130] : memref<10112x128xf32, #tpu.memory_space<vmem_shared>> -> memref<632x128xf32, #tpu.memory_space<vmem_shared>>
      tpu.enqueue_dma source(%dma_start3A_131 : memref<632x128xf32, #tpu.memory_space<vmem_shared>>) target(%dma_start3A_129 : memref<632x128xf32, #tpu.memory_space<hbm>>) target_semaphore(%run_scoped3A : memref<!tpu.dma_semaphore, #tpu.memory_space<semaphore_mem>>)
      %dma_wait3A_132 = arith.constant 0 : i32
      %dma_wait3A_133 = tpu.memref_slice %arg5[%arg0, %mul3A_2, %dma_wait3A_132] : memref<2x10112x128xf32, #tpu.memory_space<hbm>> -> memref<1x632x128xf32, #tpu.memory_space<hbm>>
      %dma_wait3A_134 = tpu.memref_squeeze %dma_wait3A_133 : memref<1x632x128xf32, #tpu.memory_space<hbm>> -> memref<632x128xf32, #tpu.memory_space<hbm>>
      %dma_wait3A_135 = arith.constant 0 : i32
      %dma_wait3A_136 = tpu.memref_slice %arg16[%mul3A_2, %dma_wait3A_135] : memref<10112x128xf32, #tpu.memory_space<vmem_shared>> -> memref<632x128xf32, #tpu.memory_space<vmem_shared>>
      tpu.wait_dma2 semaphore(%run_scoped3A : memref<!tpu.dma_semaphore, #tpu.memory_space<semaphore_mem>>) src(%dma_wait3A_136 : memref<632x128xf32, #tpu.memory_space<vmem_shared>>) dst(%dma_wait3A_134 : memref<632x128xf32, #tpu.memory_space<hbm>>)
      tpu.yield
    }) : () -> ()
    return
  }
}

module attributes {stable_mosaic.version = 14 : i64} {
  func.func @_k1_body(%arg0: i32, %arg1: memref<1000x128xf32, #tpu.memory_space<vmem>>, %arg2: memref<128x128xf32, #tpu.memory_space<vmem>>, %arg3: memref<2x1000x128xf32, #tpu.memory_space<vmem>>, %arg4: memref<1000x1xf32, #tpu.memory_space<vmem>>, %arg5: memref<1000x128xf32, #tpu.memory_space<vmem>>) attributes {dimension_semantics = [#tpu.dimension_semantics<arbitrary>], iteration_bounds = array<i64: 10>, scalar_prefetch = 0 : i64, scratch_operands = 0 : i64, tpu.core_type = #tpu.core_type<tc>, window_params = [{transform_indices = @transform_0, window_bounds = array<i64: 1000, 128>}, {pipeline_mode = #tpu.pipeline_mode<synchronous>, transform_indices = @transform_1, window_bounds = array<i64: 128, 128>}, {transform_indices = @transform_2, window_bounds = array<i64: 2, 1000, 128>}, {transform_indices = @transform_3, window_bounds = array<i64: 1000, 1>}, {transform_indices = @transform_4, window_bounds = array<i64: 1000, 128>}]} {
    %get3A = arith.constant 0 : index
    %get3A_0 = arith.constant 0 : index
    %get3A_1 = arith.constant 0 : index
    %get3A_2 = vector.load %arg3[%get3A, %get3A_0, %get3A_1] : memref<2x1000x128xf32, #tpu.memory_space<vmem>>, vector<1x1000x128xf32>
    %get3A_3 = vector.shape_cast %get3A_2 : vector<1x1000x128xf32> to vector<1000x128xf32>
    %slice3A = vector.extract_strided_slice %get3A_3 {offsets = [0, 0], sizes = [1000, 1], strides = [1, 1]} : vector<1000x128xf32> to vector<1000x1xf32>
    %get3A_4 = arith.constant 1 : index
    %get3A_5 = arith.constant 0 : index
    %get3A_6 = arith.constant 0 : index
    %get3A_7 = vector.load %arg3[%get3A_4, %get3A_5, %get3A_6] : memref<2x1000x128xf32, #tpu.memory_space<vmem>>, vector<1x1000x128xf32>
    %get3A_8 = vector.shape_cast %get3A_7 : vector<1x1000x128xf32> to vector<1000x128xf32>
    %slice3A_9 = vector.extract_strided_slice %get3A_8 {offsets = [0, 0], sizes = [1000, 1], strides = [1, 1]} : vector<1000x128xf32> to vector<1000x1xf32>
    %add3A = arith.addf %slice3A, %slice3A_9 : vector<1000x1xf32>
    %add3A_10 = arith.constant 1.000000e+00 : f32
    %add3A_11 = vector.broadcast %add3A_10 : f32 to vector<1000x1xf32>
    %add3A_12 = arith.addf %add3A, %add3A_11 : vector<1000x1xf32>
    %rsqrt3A = math.rsqrt %add3A_12 : vector<1000x1xf32>
    %swap3A = arith.constant 0 : index
    %swap3A_13 = arith.constant 0 : index
    %swap3A_14 = vector.load %arg4[%swap3A, %swap3A_13] : memref<1000x1xf32, #tpu.memory_space<vmem>>, vector<1000x1xf32>
    tpu.vector_store %arg4[%swap3A, %swap3A_13], %rsqrt3A {strides = array<i32>} : memref<1000x1xf32, #tpu.memory_space<vmem>>, vector<1000x1xf32>,
    %get3A_15 = arith.constant 0 : index
    %get3A_16 = arith.constant 0 : index
    %get3A_17 = vector.load %arg1[%get3A_15, %get3A_16] : memref<1000x128xf32, #tpu.memory_space<vmem>>, vector<1000x128xf32>
    %get3A_18 = arith.constant 0 : index
    %get3A_19 = arith.constant 0 : index
    %get3A_20 = vector.load %arg2[%get3A_18, %get3A_19] : memref<128x128xf32, #tpu.memory_space<vmem>>, vector<128x128xf32>
    %dot_general3A = arith.constant dense<0.000000e+00> : vector<1000x128xf32>
    %dot_general3A_21 = tpu.matmul %get3A_17, %get3A_20, %dot_general3A {dimension_numbers = #tpu.dot_dimension_numbers<[1], [0], [0], [1], [0, 0, 1, 1], [], []>, transpose_lhs_hint = false} : vector<1000x128xf32>, vector<128x128xf32>, vector<1000x128xf32> -> vector<1000x128xf32>
    %mul3A = vector.broadcast %rsqrt3A : vector<1000x1xf32> to vector<1000x128xf32>
    %mul3A_22 = arith.mulf %dot_general3A_21, %mul3A : vector<1000x128xf32>
    %swap3A_23 = arith.constant 0 : index
    %swap3A_24 = arith.constant 0 : index
    %swap3A_25 = vector.load %arg5[%swap3A_23, %swap3A_24] : memref<1000x128xf32, #tpu.memory_space<vmem>>, vector<1000x128xf32>
    tpu.vector_store %arg5[%swap3A_23, %swap3A_24], %mul3A_22 {strides = array<i32>} : memref<1000x128xf32, #tpu.memory_space<vmem>>, vector<1000x128xf32>,
    return
  }
  func.func @transform_0(%arg0: i32) -> (i32, i32) {
    %c0_i32 = arith.constant 0 : i32
    %c0_i32_0 = arith.constant 0 : i32
    return %arg0, %c0_i32 : i32, i32
  }
  func.func @transform_1(%arg0: i32) -> (i32, i32) {
    %c0_i32 = arith.constant 0 : i32
    %c0_i32_0 = arith.constant 0 : i32
    %c0_i32_1 = arith.constant 0 : i32
    return %c0_i32, %c0_i32_0 : i32, i32
  }
  func.func @transform_2(%arg0: i32) -> (i32, i32, i32) {
    %c0_i32 = arith.constant 0 : i32
    %c0_i32_0 = arith.constant 0 : i32
    %c0_i32_1 = arith.constant 0 : i32
    return %c0_i32, %arg0, %c0_i32_0 : i32, i32, i32
  }
  func.func @transform_3(%arg0: i32) -> (i32, i32) {
    %c0_i32 = arith.constant 0 : i32
    %c0_i32_0 = arith.constant 0 : i32
    return %arg0, %c0_i32 : i32, i32
  }
  func.func @transform_4(%arg0: i32) -> (i32, i32) {
    %c0_i32 = arith.constant 0 : i32
    %c0_i32_0 = arith.constant 0 : i32
    return %arg0, %c0_i32 : i32, i32
  }
}

module attributes {stable_mosaic.version = 14 : i64} {
  func.func @_k2_body(%arg0: i32, %arg1: memref<2x1000x128xf32, #tpu.memory_space<vmem>>, %arg2: memref<1000x128xf32, #tpu.memory_space<vmem>>, %arg3: memref<1000x1xf32, #tpu.memory_space<vmem>>, %arg4: memref<1x128xf32, #tpu.memory_space<vmem>>, %arg5: memref<128x128xf32, #tpu.memory_space<vmem>>, %arg6: memref<1000x128xf32, #tpu.memory_space<vmem>>) attributes {dimension_semantics = [#tpu.dimension_semantics<arbitrary>], iteration_bounds = array<i64: 10>, scalar_prefetch = 0 : i64, scratch_operands = 0 : i64, tpu.core_type = #tpu.core_type<tc>, window_params = [{transform_indices = @transform_0, window_bounds = array<i64: 2, 1000, 128>}, {transform_indices = @transform_1, window_bounds = array<i64: 1000, 128>}, {transform_indices = @transform_2, window_bounds = array<i64: 1000, 1>}, {pipeline_mode = #tpu.pipeline_mode<synchronous>, transform_indices = @transform_3, window_bounds = array<i64: 1, 128>}, {pipeline_mode = #tpu.pipeline_mode<synchronous>, transform_indices = @transform_4, window_bounds = array<i64: 128, 128>}, {transform_indices = @transform_5, window_bounds = array<i64: 1000, 128>}]} {
    %get3A = arith.constant 0 : index
    %get3A_0 = arith.constant 0 : index
    %get3A_1 = vector.load %arg3[%get3A, %get3A_0] : memref<1000x1xf32, #tpu.memory_space<vmem>>, vector<1000x1xf32>
    %get3A_2 = arith.constant 0 : index
    %get3A_3 = arith.constant 0 : index
    %get3A_4 = arith.constant 0 : index
    %get3A_5 = vector.load %arg1[%get3A_2, %get3A_3, %get3A_4] : memref<2x1000x128xf32, #tpu.memory_space<vmem>>, vector<1x1000x128xf32>
    %get3A_6 = vector.shape_cast %get3A_5 : vector<1x1000x128xf32> to vector<1000x128xf32>
    %get3A_7 = arith.constant 1 : index
    %get3A_8 = arith.constant 0 : index
    %get3A_9 = arith.constant 0 : index
    %get3A_10 = vector.load %arg1[%get3A_7, %get3A_8, %get3A_9] : memref<2x1000x128xf32, #tpu.memory_space<vmem>>, vector<1x1000x128xf32>
    %get3A_11 = vector.shape_cast %get3A_10 : vector<1x1000x128xf32> to vector<1000x128xf32>
    %add3A = arith.addf %get3A_6, %get3A_11 : vector<1000x128xf32>
    %get3A_12 = arith.constant 0 : index
    %get3A_13 = arith.constant 0 : index
    %get3A_14 = vector.load %arg2[%get3A_12, %get3A_13] : memref<1000x128xf32, #tpu.memory_space<vmem>>, vector<1000x128xf32>
    %add3A_15 = arith.addf %add3A, %get3A_14 : vector<1000x128xf32>
    %mul3A = vector.broadcast %get3A_1 : vector<1000x1xf32> to vector<1000x128xf32>
    %mul3A_16 = arith.mulf %mul3A, %add3A_15 : vector<1000x128xf32>
    %get3A_17 = arith.constant 0 : index
    %get3A_18 = arith.constant 0 : index
    %get3A_19 = vector.load %arg4[%get3A_17, %get3A_18] : memref<1x128xf32, #tpu.memory_space<vmem>>, vector<1x128xf32>
    %add3A_20 = vector.broadcast %get3A_19 : vector<1x128xf32> to vector<1000x128xf32>
    %add3A_21 = arith.addf %mul3A_16, %add3A_20 : vector<1000x128xf32>
    %max3A = arith.constant 0.000000e+00 : f32
    %max3A_22 = vector.broadcast %max3A : f32 to vector<1000x128xf32>
    %max3A_23 = arith.maximumf %add3A_21, %max3A_22 : vector<1000x128xf32>
    %get3A_24 = arith.constant 0 : index
    %get3A_25 = arith.constant 0 : index
    %get3A_26 = vector.load %arg5[%get3A_24, %get3A_25] : memref<128x128xf32, #tpu.memory_space<vmem>>, vector<128x128xf32>
    %dot_general3A = arith.constant dense<0.000000e+00> : vector<1000x128xf32>
    %dot_general3A_27 = tpu.matmul %max3A_23, %get3A_26, %dot_general3A {dimension_numbers = #tpu.dot_dimension_numbers<[1], [0], [0], [1], [0, 0, 1, 1], [], []>, transpose_lhs_hint = false} : vector<1000x128xf32>, vector<128x128xf32>, vector<1000x128xf32> -> vector<1000x128xf32>
    %mul3A_28 = vector.broadcast %get3A_1 : vector<1000x1xf32> to vector<1000x128xf32>
    %mul3A_29 = arith.mulf %dot_general3A_27, %mul3A_28 : vector<1000x128xf32>
    %swap3A = arith.constant 0 : index
    %swap3A_30 = arith.constant 0 : index
    %swap3A_31 = vector.load %arg6[%swap3A, %swap3A_30] : memref<1000x128xf32, #tpu.memory_space<vmem>>, vector<1000x128xf32>
    tpu.vector_store %arg6[%swap3A, %swap3A_30], %mul3A_29 {strides = array<i32>} : memref<1000x128xf32, #tpu.memory_space<vmem>>, vector<1000x128xf32>,
    return
  }
  func.func @transform_0(%arg0: i32) -> (i32, i32, i32) {
    %c0_i32 = arith.constant 0 : i32
    %c0_i32_0 = arith.constant 0 : i32
    %c0_i32_1 = arith.constant 0 : i32
    return %c0_i32, %arg0, %c0_i32_0 : i32, i32, i32
  }
  func.func @transform_1(%arg0: i32) -> (i32, i32) {
    %c0_i32 = arith.constant 0 : i32
    %c0_i32_0 = arith.constant 0 : i32
    return %arg0, %c0_i32 : i32, i32
  }
  func.func @transform_2(%arg0: i32) -> (i32, i32) {
    %c0_i32 = arith.constant 0 : i32
    %c0_i32_0 = arith.constant 0 : i32
    return %arg0, %c0_i32 : i32, i32
  }
  func.func @transform_3(%arg0: i32) -> (i32, i32) {
    %c0_i32 = arith.constant 0 : i32
    %c0_i32_0 = arith.constant 0 : i32
    %c0_i32_1 = arith.constant 0 : i32
    return %c0_i32, %c0_i32_0 : i32, i32
  }
  func.func @transform_4(%arg0: i32) -> (i32, i32) {
    %c0_i32 = arith.constant 0 : i32
    %c0_i32_0 = arith.constant 0 : i32
    %c0_i32_1 = arith.constant 0 : i32
    return %c0_i32, %c0_i32_0 : i32, i32
  }
  func.func @transform_5(%arg0: i32) -> (i32, i32) {
    %c0_i32 = arith.constant 0 : i32
    %c0_i32_0 = arith.constant 0 : i32
    return %arg0, %c0_i32 : i32, i32
  }
}

module attributes {stable_mosaic.version = 14 : i64} {
  func.func @_k4_body(%arg0: i32, %arg1: memref<2x1000x128xf32, #tpu.memory_space<vmem>>, %arg2: memref<1000x128xf32, #tpu.memory_space<vmem>>, %arg3: memref<1000x1xf32, #tpu.memory_space<vmem>>, %arg4: memref<1x128xf32, #tpu.memory_space<vmem>>, %arg5: memref<128x40xf32, #tpu.memory_space<vmem>>, %arg6: memref<1x40xf32, #tpu.memory_space<vmem>>, %arg7: memref<1000x40xf32, #tpu.memory_space<vmem>>) attributes {dimension_semantics = [#tpu.dimension_semantics<arbitrary>], iteration_bounds = array<i64: 10>, scalar_prefetch = 0 : i64, scratch_operands = 0 : i64, tpu.core_type = #tpu.core_type<tc>, window_params = [{transform_indices = @transform_0, window_bounds = array<i64: 2, 1000, 128>}, {transform_indices = @transform_1, window_bounds = array<i64: 1000, 128>}, {transform_indices = @transform_2, window_bounds = array<i64: 1000, 1>}, {pipeline_mode = #tpu.pipeline_mode<synchronous>, transform_indices = @transform_3, window_bounds = array<i64: 1, 128>}, {pipeline_mode = #tpu.pipeline_mode<synchronous>, transform_indices = @transform_4, window_bounds = array<i64: 128, 40>}, {pipeline_mode = #tpu.pipeline_mode<synchronous>, transform_indices = @transform_5, window_bounds = array<i64: 1, 40>}, {transform_indices = @transform_6, window_bounds = array<i64: 1000, 40>}]} {
    %get3A = arith.constant 0 : index
    %get3A_0 = arith.constant 0 : index
    %get3A_1 = vector.load %arg3[%get3A, %get3A_0] : memref<1000x1xf32, #tpu.memory_space<vmem>>, vector<1000x1xf32>
    %get3A_2 = arith.constant 0 : index
    %get3A_3 = arith.constant 0 : index
    %get3A_4 = arith.constant 0 : index
    %get3A_5 = vector.load %arg1[%get3A_2, %get3A_3, %get3A_4] : memref<2x1000x128xf32, #tpu.memory_space<vmem>>, vector<1x1000x128xf32>
    %get3A_6 = vector.shape_cast %get3A_5 : vector<1x1000x128xf32> to vector<1000x128xf32>
    %get3A_7 = arith.constant 1 : index
    %get3A_8 = arith.constant 0 : index
    %get3A_9 = arith.constant 0 : index
    %get3A_10 = vector.load %arg1[%get3A_7, %get3A_8, %get3A_9] : memref<2x1000x128xf32, #tpu.memory_space<vmem>>, vector<1x1000x128xf32>
    %get3A_11 = vector.shape_cast %get3A_10 : vector<1x1000x128xf32> to vector<1000x128xf32>
    %add3A = arith.addf %get3A_6, %get3A_11 : vector<1000x128xf32>
    %get3A_12 = arith.constant 0 : index
    %get3A_13 = arith.constant 0 : index
    %get3A_14 = vector.load %arg2[%get3A_12, %get3A_13] : memref<1000x128xf32, #tpu.memory_space<vmem>>, vector<1000x128xf32>
    %add3A_15 = arith.addf %add3A, %get3A_14 : vector<1000x128xf32>
    %mul3A = vector.broadcast %get3A_1 : vector<1000x1xf32> to vector<1000x128xf32>
    %mul3A_16 = arith.mulf %mul3A, %add3A_15 : vector<1000x128xf32>
    %get3A_17 = arith.constant 0 : index
    %get3A_18 = arith.constant 0 : index
    %get3A_19 = vector.load %arg4[%get3A_17, %get3A_18] : memref<1x128xf32, #tpu.memory_space<vmem>>, vector<1x128xf32>
    %add3A_20 = vector.broadcast %get3A_19 : vector<1x128xf32> to vector<1000x128xf32>
    %add3A_21 = arith.addf %mul3A_16, %add3A_20 : vector<1000x128xf32>
    %get3A_22 = arith.constant 0 : index
    %get3A_23 = arith.constant 0 : index
    %get3A_24 = vector.load %arg5[%get3A_22, %get3A_23] : memref<128x40xf32, #tpu.memory_space<vmem>>, vector<128x40xf32>
    %dot_general3A = arith.constant dense<0.000000e+00> : vector<1000x40xf32>
    %dot_general3A_25 = tpu.matmul %add3A_21, %get3A_24, %dot_general3A {dimension_numbers = #tpu.dot_dimension_numbers<[1], [0], [0], [1], [0, 0, 1, 1], [], []>, transpose_lhs_hint = false} : vector<1000x128xf32>, vector<128x40xf32>, vector<1000x40xf32> -> vector<1000x40xf32>
    %get3A_26 = arith.constant 0 : index
    %get3A_27 = arith.constant 0 : index
    %get3A_28 = vector.load %arg6[%get3A_26, %get3A_27] : memref<1x40xf32, #tpu.memory_space<vmem>>, vector<1x40xf32>
    %add3A_29 = vector.broadcast %get3A_28 : vector<1x40xf32> to vector<1000x40xf32>
    %add3A_30 = arith.addf %dot_general3A_25, %add3A_29 : vector<1000x40xf32>
    %reduce_max3A = arith.constant dense<0xFF800000> : vector<1000xf32>
    %reduce_max3A_31 = vector.multi_reduction <maximumf>, %add3A_30, %reduce_max3A [1] : vector<1000x40xf32> to vector<1000xf32>
    %broadcast_in_dim3A = vector.shape_cast %reduce_max3A_31 : vector<1000xf32> to vector<1000x1xf32>
    %sub3A = vector.broadcast %broadcast_in_dim3A : vector<1000x1xf32> to vector<1000x40xf32>
    %sub3A_32 = arith.subf %add3A_30, %sub3A : vector<1000x40xf32>
    %exp3A = math.exp %sub3A_32 : vector<1000x40xf32>
    %reduce_sum3A = arith.constant dense<0.000000e+00> : vector<1000xf32>
    %reduce_sum3A_33 = vector.multi_reduction <add>, %exp3A, %reduce_sum3A [1] : vector<1000x40xf32> to vector<1000xf32>
    %broadcast_in_dim3A_34 = vector.shape_cast %reduce_sum3A_33 : vector<1000xf32> to vector<1000x1xf32>
    %sub3A_35 = vector.broadcast %broadcast_in_dim3A : vector<1000x1xf32> to vector<1000x40xf32>
    %sub3A_36 = arith.subf %add3A_30, %sub3A_35 : vector<1000x40xf32>
    %log3A = math.log %broadcast_in_dim3A_34 : vector<1000x1xf32>
    %sub3A_37 = vector.broadcast %log3A : vector<1000x1xf32> to vector<1000x40xf32>
    %sub3A_38 = arith.subf %sub3A_36, %sub3A_37 : vector<1000x40xf32>
    %swap3A = arith.constant 0 : index
    %swap3A_39 = arith.constant 0 : index
    %swap3A_40 = vector.load %arg7[%swap3A, %swap3A_39] : memref<1000x40xf32, #tpu.memory_space<vmem>>, vector<1000x40xf32>
    tpu.vector_store %arg7[%swap3A, %swap3A_39], %sub3A_38 {strides = array<i32>} : memref<1000x40xf32, #tpu.memory_space<vmem>>, vector<1000x40xf32>,
    return
  }
  func.func @transform_0(%arg0: i32) -> (i32, i32, i32) {
    %c0_i32 = arith.constant 0 : i32
    %c0_i32_0 = arith.constant 0 : i32
    %c0_i32_1 = arith.constant 0 : i32
    return %c0_i32, %arg0, %c0_i32_0 : i32, i32, i32
  }
  func.func @transform_1(%arg0: i32) -> (i32, i32) {
    %c0_i32 = arith.constant 0 : i32
    %c0_i32_0 = arith.constant 0 : i32
    return %arg0, %c0_i32 : i32, i32
  }
  func.func @transform_2(%arg0: i32) -> (i32, i32) {
    %c0_i32 = arith.constant 0 : i32
    %c0_i32_0 = arith.constant 0 : i32
    return %arg0, %c0_i32 : i32, i32
  }
  func.func @transform_3(%arg0: i32) -> (i32, i32) {
    %c0_i32 = arith.constant 0 : i32
    %c0_i32_0 = arith.constant 0 : i32
    %c0_i32_1 = arith.constant 0 : i32
    return %c0_i32, %c0_i32_0 : i32, i32
  }
  func.func @transform_4(%arg0: i32) -> (i32, i32) {
    %c0_i32 = arith.constant 0 : i32
    %c0_i32_0 = arith.constant 0 : i32
    %c0_i32_1 = arith.constant 0 : i32
    return %c0_i32, %c0_i32_0 : i32, i32
  }
  func.func @transform_5(%arg0: i32) -> (i32, i32) {
    %c0_i32 = arith.constant 0 : i32
    %c0_i32_0 = arith.constant 0 : i32
    %c0_i32_1 = arith.constant 0 : i32
    return %c0_i32, %c0_i32_0 : i32, i32
  }
  func.func @transform_6(%arg0: i32) -> (i32, i32) {
    %c0_i32 = arith.constant 0 : i32
    %c0_i32_0 = arith.constant 0 : i32
    return %arg0, %c0_i32 : i32, i32
  }
}

</mosaic_0001>

<sc_bundles>
// kernel: kernel.10.cloned.1.call-start
scs
__scs_entry_jumppad:
0x0: {  	(pc) =	sbr.rel $0x88, $3  }
0x1: {  	(tag) =	ssettag $0x0;
	lr =	simm.s32 $0x1  }
0x2: {  	[smem:$0x3F97] =	sst lr;
	_ =	strace $0xD0000000  }
0x3: {  	_ = 	snop  }
0x4: {  	_ = 	snop  }
0x5: {  	_ = 	snop  }
0x6: {  	_ = 	snop  }
0x7: {  	_ = 	snop  }
__scs_overlays_trampoline_lowered:
0x8: {  	[smem:$0x3FA6] =	sst s0  }
0x9: {  	[smem:$0x3FA7] =	sst s1  }
0xa: {  	[smem:$0x3FA8] =	sst s2  }
0xb: {  	[smem:$0x3FA9] =	sst s3  }
0xc: {  	[smem:$0x3FAA] =	sst s4  }
0xd: {  	[smem:$0x3FAB] =	sst s5  }
0xe: {  	[smem:$0x3FAC] =	sst s6  }
0xf: {  	[smem:$0x3FAD] =	sst s7  }
0x10: {  	[smem:$0x3FAE] =	sst s8  }
0x11: {  	[smem:$0x3FAF] =	sst s9;
	s0 =	simm.s32 @!p0 $0x0  }
0x12: {  	s1 =	sld [smem:$0x3F95];
	s0 =	simm.s32 @p0 $0x1  }
0x13: {  	[smem:$0x3FB0] =	sst s0;
	s0 =	simm.s32 @!p1 $0x0  }
0x14: {  	s2 =	sld [smem:$0x3F94];
	s0 =	simm.s32 @p1 $0x1  }
0x15: {  	[smem:$0x3FB1] =	sst s0;
	s0 =	simm.s32 @!p2 $0x0  }
0x16: {  	s3 =	sld [smem:$0x3FDB];
	s0 =	simm.s32 @p2 $0x1  }
0x17: {  	s4 =	simm.s32 $0x1BF5;
	[smem:$0x3FB3] =	sst s0  }
0x18: {  	s0 =	sld [smem:$0x3F96];
	_ =	swait.ge [sflag:s4], $0x0  }
0x19: {  	s7 =	sld [smem:$0x3F97]  }
0x1a: {  	s8 =	sadd.s32 $0xFFFFE003, lr  }
0x1b: {  	s9 =	sadd.s32 $0xFFFFFEF7, lr;
	s5 =	simm.s32 $0xFFFFFFFF;
	p2 =	slt.u32 s8, $0xFFFFF086  }
0x1c: {  	p1 =	slt.u32 s9, $0xF7A;
	s5 =	simm.s32 @!p2 $0x0  }
0x1d: {  	s5 =	simm.s32 @p1 $0x1;
	p0 =	seq.s32 s7, s2  }
0x1e: {  	s7 =	smul.u32 @!p0 $0xF7A, s2;
	p2 =	seq.s32 @!p0 s5, $0x0  }
0x1f: {  	s9 =	smul.u32 $0xF7A, s1;
	s8 =	simm.s32 @!p0 $0x1BF5;
	p2 =	por !p2, p0  }
0x20: {  	[sflag:s8] =	ssyncset.s32 @!p0 $0xFFFFF086;
	s6 =	sadd.s32 @!p0 s3, s7;
	s7 =	simm.s32 @!p0 $0x108  }
0x21: {  	s3 =	sadd.s32 s3, s9;
	s6 =	sadd.s32 @!p0 $0x88, s6;
	s7 =	simm.s32 @p2 $0x1082  }
0x22: {  	[simem:s7], [sflag:s8] =	dma.local @!p0 [hbm:s6], $0xF7A  }
0x23: {  	s9 =	sor.u32 $0xD0000000, s2;
	s6 =	simm.s32 $0x108;
	_ =	swait.ge @!p0 [sflag:s8], $0x0  }
0x24: {  	s3 =	sadd.s32 $0x88, s3;
	s6 =	simm.s32 @!p1 $0x1082;
	[sflag:s4] =	ssyncset.s32 $0xFFFFF086  }
0x25: {  	[simem:s6], [sflag:s4] =	dma.local [hbm:s3], $0xF7A  }
0x26: {  	[smem:$0x3F97] =	sst s1;
	(tag) =	ssettag s2;
	_ =	strace s9  }
0x27: {  	s1 =	sld [smem:$0x3FA7]  }
0x28: {  	s2 =	sld [smem:$0x3FA8]  }
0x29: {  	s4 =	sld [smem:$0x3FAA]  }
0x2a: {  	p0 =	seq.s32 s5, $0x0;
	s5 =	sld [smem:$0x3FAB]  }
0x2b: {  	s6 =	sld [smem:$0x3FAC]  }
0x2c: {  	s7 =	sld [smem:$0x3FAD]  }
0x2d: {  	s3 =	simm.s32 $0x108;
	s8 =	sld [smem:$0x3FAE]  }
0x2e: {  	s3 =	simm.s32 @!p0 $0x1082;
	s9 =	sld [smem:$0x3FAF]  }
0x2f: {  	lr =	sadd.s32 s0, s3;
	s0 =	sld [smem:$0x3FA6]  }
0x30: {  	s3 =	sld [smem:$0x3FA9]  }
0x31: {  	[smem:$0x3FB2] =	sst s10  }
0x32: {  	s10 =	sld [smem:$0x3FB0];
	_ =	sdelay $0x3  }
0x33: {  	p0 =	seq.s32 s10, $0x1;
	s10 =	sld [smem:$0x3FB2];
	_ =	sdelay $0x3  }
0x34: {  	[smem:$0x3FB2] =	sst s10  }
0x35: {  	s10 =	sld [smem:$0x3FB1];
	_ =	sdelay $0x3  }
0x36: {  	p1 =	seq.s32 s10, $0x1;
	s10 =	sld [smem:$0x3FB2];
	_ =	sdelay $0x3  }
0x37: {  	[smem:$0x3FB2] =	sst s10  }
0x38: {  	s10 =	sld [smem:$0x3FB3]  }
0x39: {  	_ = 	snop;
	(pc) =	sbr.ind lr, $3  }
0x3a: {  	_ = 	snop  }
0x3b: {  	_ = 	snop  }
0x3c: {  	p2 =	seq.s32 s10, $0x1;
	s10 =	sld [smem:$0x3FB2]  }
0x3d: {  	_ =	shalt  }
0x3e: {  	_ =	shalt  }
0x3f: {  	_ =	shalt  }
0x40: {  	_ =	shalt  }
0x41: {  	_ =	shalt  }
0x42: {  	_ =	shalt  }
0x43: {  	_ =	shalt  }
0x44: {  	_ =	shalt  }
0x45: {  	_ =	shalt  }
0x46: {  	_ =	shalt  }
0x47: {  	_ =	shalt  }
0x48: {  	_ =	shalt  }
0x49: {  	_ =	shalt  }
0x4a: {  	_ =	shalt  }
0x4b: {  	_ =	shalt  }
0x4c: {  	_ =	shalt  }
0x4d: {  	_ =	shalt  }
0x4e: {  	_ =	shalt  }
0x4f: {  	_ =	shalt  }
0x50: {  	_ =	shalt  }
0x51: {  	_ =	shalt  }
0x52: {  	_ =	shalt  }
0x53: {  	_ =	shalt  }
0x54: {  	_ =	shalt  }
0x55: {  	_ =	shalt  }
0x56: {  	_ =	shalt  }
0x57: {  	_ =	shalt  }
0x58: {  	_ =	shalt  }
0x59: {  	_ =	shalt  }
0x5a: {  	_ =	shalt  }
0x5b: {  	_ =	shalt  }
0x5c: {  	_ =	shalt  }
0x5d: {  	_ =	shalt  }
0x5e: {  	_ =	shalt  }
0x5f: {  	_ =	shalt  }
0x60: {  	_ =	shalt  }
0x61: {  	_ =	shalt  }
0x62: {  	_ =	shalt  }
0x63: {  	_ =	shalt  }
0x64: {  	_ =	shalt  }
0x65: {  	_ =	shalt  }
0x66: {  	_ =	shalt  }
0x67: {  	_ =	shalt  }
0x68: {  	_ =	shalt  }
0x69: {  	_ =	shalt  }
0x6a: {  	_ =	shalt  }
0x6b: {  	_ =	shalt  }
0x6c: {  	_ =	shalt  }
0x6d: {  	_ =	shalt  }
0x6e: {  	_ =	shalt  }
0x6f: {  	_ =	shalt  }
0x70: {  	_ =	shalt  }
0x71: {  	_ =	shalt  }
0x72: {  	_ =	shalt  }
0x73: {  	_ =	shalt  }
0x74: {  	_ =	shalt  }
0x75: {  	_ =	shalt  }
0x76: {  	_ =	shalt  }
0x77: {  	_ =	shalt  }
0x78: {  	_ =	shalt  }
0x79: {  	_ =	shalt  }
0x7a: {  	_ =	shalt  }
0x7b: {  	_ =	shalt  }
0x7c: {  	_ =	shalt  }
0x7d: {  	_ =	shalt  }
0x7e: {  	_ =	shalt  }
0x7f: {  	_ =	shalt  }
0x80: {  	_ =	shalt  }
0x81: {  	_ =	shalt  }
0x82: {  	_ =	shalt  }
0x83: {  	_ =	shalt  }
0x84: {  	_ =	shalt  }
0x85: {  	_ =	shalt  }
0x86: {  	_ =	shalt  }
0x87: {  	_ =	shalt  }
.Lfunc_end0:
.L_simem_size_0:
called_computation_lowered:
.L_overlay_start_0:
0x88: {  	s2 =	sld [smem:$0x3FD9]  }
0x89: {  	s3 =	sld [smem:$0x3FFE];
	_ =	sdelay $0x1  }
0x8a: {  	s1 =	srdreg.scid  }
0x8b: {  	s0 =	sand.u32 $0x1, s1  }
0x8c: {  	s17 =	sshll.u32 s0, $0xA;
	s2 =	sadd.s32 s3, s2  }
0x8d: {  	s2 =	sadd.s32 s2, s17  }
0x8e: {  	[smem:$0x3FBE] =	sst s2  }
0x8f: {  	_ = 	snop  }
0x90: {  	s2 =	sld [smem:$0x3FD0];
	(tm) =	ssettm $0x1  }
0x91: {  	s18 =	sld [smem:$0x3FFB];
	_ =	sdelay $0x3  }
0x92: {  	_ =	strace s18  }
0x93: {  	s3 =	sld [smem:$0x3FFC];
	_ =	sdelay $0x3  }
0x94: {  	_ =	strace s3  }
0x95: {  	s3 =	sld [smem:$0x3FFD];
	_ =	sdelay $0x3  }
0x96: {  	_ =	strace s3  }
0x97: {  	_ =	strace $0x8FFFFFFF  }
0x98: {  	s19 =	sld [smem:$0x3FDB];
	_ =	sdelay $0x1  }
0x99: {  	s4 =	simm.s32 $_scs_section_size  }
0x9a: {  	s5 =	simm.s32 $_size__tile_overlayer_lowered;
	s6 =	simm.s32 $_tile_overlayer_lowered  }
0x9b: {  	s22 =	simm.s32 $0x1BFF;
	s21 =	sshll.u32 s6, $0x1;
	s3 =	sadd.s32 s4, s19  }
0x9c: {  	s7 =	simm.s32 $0x0;
	s20 =	sshll.u32 s5, $0x1;
	s5 =	sadd.s32 s21, s3  }
0x9d: {  	[timem:s7], [sflag:s22] =	dma.local [hbm:s5], s20  }
0x9e: {  	_ =	swait.ge [sflag:s22], s20  }
0x9f: {  	s4 =	ssub.s32 $0x0, s20;
	[sflag:s22] =	ssyncset.done $0x0  }
0xa0: {  	[sflag:s22] =	ssyncadd.s32 s4;
	_ =	sdelay $0x1  }
0xa1: {  	s23 =	simm.s32 $0x1B8B  }
0xa2: {  	_ =	swait.ge [sflag:s23], $0x1  }
0xa3: {  	[sflag:s23] =	ssyncset.done $0x0  }
0xa4: {  	s25 =	simm.s32 $0x1B8E;
	s24 =	sld [smem:$0x3FFE];
	[sflag:s23] =	ssyncadd.s32 $0xFFFFFFFF  }
0xa5: {  	s26 =	simm.s32 $execute0_lowered;
	[smem:$0x3FD2] =	sst s25  }
0xa6: {  	s5 =	sshll.u32 s26, $0x1;
	_ =	strace $0x80000046;
	[dreg:$0x1] =	wrdreg $0xFFFFFFFF  }
0xa7: {  	s28 =	simm.s32 $_size_execute0_lowered;
	s3 =	sadd.s32 s3, s5;
	[dreg:$0x0] =	wrdreg $0x0  }
0xa8: {  	s5 =	sshll.u32 s28, $0x1;
	[dreg:$0x2] =	wrdreg s3  }
0xa9: {  	[dreg:$0x3] =	wrdreg s5  }
0xaa: {  	[dreg:$0x4] =	wrdreg $0xC0  }
0xab: {  	_ =	task [dreg:s7], $0x5FFFF  }
0xac: {  	[dreg:$0x1] =	wrdreg $0xFFFFFFFF  }
0xad: {  	[dreg:$0x0] =	wrdreg $0x60  }
0xae: {  	[dreg:$0x2] =	wrdreg s24  }
0xaf: {  	[dreg:$0x3] =	wrdreg s2  }
0xb0: {  	[dreg:$0x4] =	wrdreg $0x70000  }
0xb1: {  	[dreg:$0x5] =	wrdreg $0x9  }
0xb2: {  	_ =	task.clear_ibuf [dreg:s7], $0x6FFFF;
	_ =	strace $0x90000046  }
0xb3: {  	s29 =	simm.s32 $0x9;
	_ =	strace $0x80000048  }
0xb4: {  	_ =	swait.ge [sflag:s29], $0x1  }
0xb5: {  	[sflag:s29] =	ssyncadd.s32 $0xFFFFFFFF  }
0xb6: {  	_ =	strace $0x90000048  }
0xb7: {  	_ =	sfence  }
0xb8: {  	s30 =	sld [smem:$0x0];
	_ =	sdelay $0x2  }
0xb9: {  	s31 =	sshll.u32 s1, $0xD;
	s1 =	sshrl.u32 s1, $0x2  }
0xba: {  	s3 =	sand.u32 $0x4000, s31;
	s1 =	sadd.s32 s1, s30  }
0xbb: {  	s0 =	sor.u32 s3, s0;
	s1 =	sshll.u32 s1, $0x11  }
0xbc: {  	s0 =	sor.u32 s1, s0  }
0xbd: {  	s0 =	sadd.s32 $0x8F2B, s0  }
0xbe: {  	[sflag:s0] =	ssyncadd.remote.s32 $0x1  }
0xbf: {  	_ =	sfence.sel $0xFFFF  }
0xc0: {  	[dreg:$0x0] =	wrdreg $0xFFFFFFFF;
	(pc) =	sbr.abs _section_cstart, $3  }
0xc1: {  	[dreg:$0x1] =	wrdreg $0xFFFFFFFF  }
0xc2: {  	_ =	task.clear_ibuf [dreg:s7], $0x2FFFF;
	_ =	strace $0x9FFFFFFF  }
0xc3: {  	(tm) =	ssettm $0x7FFFFFFF  }
tec
execute0_lowered:
.L_overlay_start_1:
0x0: {  	(tag) =	ssettag $0x1  }
0x1: {  	s6 =	rddreg [dreg:$0x0]  }
0x2: {  	s2 =	rddreg [dreg:$0x1]  }
0x3: {  	s0 =	srdreg.scid;
	s3 =	rddreg [dreg:$0x2];
	s4 =	simm.s32 $0x0  }
0x4: {  	s13 =	simm.s32 $0x40;
	s5 =	sand.u32 $0x1, s0;
	s0 =	stileid.u32  }
0x5: {  	s14 =	simm.s32 $0x0;
	[smem:$0x7FF] =	sst s4;
	s8 =	smul.u32 $0x13C00, s0  }
0x6: {  	s1 =	sshll.u32 s5, $0x4;
	s9 =	smul.u32 $0x13C000, s5;
	s5 =	ssub.s32 $0x2, s5  }
0x7: {  	s29 =	smul.u32 $0x4F000, s0;
	s31 =	sshll.u32 s0, $0x6;
	s1 =	sor.u32 s0, s1  }
0x8: {  	s11 =	sshrl.u32 s5, $0x1;
	s7 =	smul.u32 $0xA00, s1;
	s1 =	rddreg [dreg:$0x3]  }
0x9: {  	_ =	strace $0x80000047;
	s10 =	sshrl.u32 s8, $0x3;
	s8 =	sadd.s32 s8, s9  }
0xa: {  	s11 =	ssub.s32 s5, s11;
	s30 =	sshrl.u32 s29, $0x2;
	s9 =	simm.s32 $0x1  }
0xb: {  	s10 =	sadd.s32 s10, s6;
	s8 =	sshrl.u32 s8, $0x3;
	s12 =	sadd.s32 s30, s3  }
0xc: {  	s7 =	sadd.s32 s7, s6;
	s8 =	sadd.s32 s8, s6;
	s6 =	sadd.s32 $0x17600, s10  }
0xd: {  	s10 =	simm.s32 $0x5000;
	s12 =	sshrl.u32 s12, $0x3;
	s5 =	sadd.s32 $0x3600, s7  }
0xe: {  	s7 =	sadd.s32 $0x3EE00, s8;
	s8 =	smax.u32 s11, $0x1;
	s11 =	sor.u32 $0x1C01, s31  }
.LBB2_1:
0xf: {  	[tilespmem:s4], [sflag:$0x1] =	stream.linear.gather [hbm4b:s5+s4], $0x5000, $0x38;
	[tilespmem:$0x1AC00] =	vst v63  }
0x10: {  	_ =	swait.ge [sflag:s9], $0x5000  }
0x11: {  	[sflag:s9] =	ssyncset.done $0x0  }
0x12: {  	[sflag:s9] =	ssyncadd.s32 $0xFFFFB000  }
0x13: {  	[tilespmem:s10], [sflag:$0x1] =	stream.linear.gather [hbm4b:s2+s4], $0x2000, $0x38;
	[tilespmem:$0x1AC00] =	vst v63  }
0x14: {  	_ =	swait.ge [sflag:s9], $0x2000  }
0x15: {  	[sflag:s9] =	ssyncset.done $0x0  }
0x16: {  	[sflag:s9] =	ssyncadd.s32 $0xFFFFE000  }
0x17: {  	[spmem:s12], [sflag:s11] =	dma.local [hbm:s6], $0x2780  }
0x18: {  	_ =	swait.ge [sflag:s9], $0x2780  }
0x19: {  	[sflag:s9] =	ssyncset.done $0x0  }
0x1a: {  	[sflag:s9] =	ssyncadd.s32 $0xFFFFD880  }
0x1b: {  	s15 =	simm.s32 $0x0;
	[bflag:$0x0] =	sbarrier.arrive $0xFFFF  }
0x1c: {  	[spmem:s3] =	stream.indirect.scatter.add.f32 [tilespmem:s10], [sflag:$0x1], $0x80, s15, s13, $0xb8;
	[tilespmem:$0x1AC00] =	vst v63  }
0x1d: {  	_ =	swait.ge [sflag:s9], $0x2000  }
0x1e: {  	s15 =	simm.s32 $0x200;
	[sflag:s9] =	ssyncset.done $0x0  }
.LBB2_2:
0x1f: {  	s16 =	sshra.s32 s15, $0x2;
	[sflag:s9] =	ssyncadd.s32 $0xFFFFE000;
	p0 =	sne.s32 s15, $0x13E00  }
0x20: {  	[spmem:s3] =	stream.indirect.scatter.add.f32 [tilespmem:s10], [sflag:$0x1], $0x80, s16, s13, $0xb8;
	[tilespmem:$0x1AC00] =	vst v63  }
.Ltmp0:
0x21: {  	_ = 	snop;
	(pc) =	sbr.rel @p0 .LBB2_2-.Ltmp0, $4  }
0x22: {  	_ = 	snop  }
0x23: {  	s15 =	sadd.s32 $0x200, s15  }
0x24: {  	_ =	swait.ge [sflag:s9], $0x2000  }
0x25: {  	[sflag:s9] =	ssyncset.done $0x0  }
0x26: {  	s14 =	sadd.s32 $0x1, s14  }
0x27: {  	[sflag:s9] =	ssyncadd.s32 $0xFFFFE000;
	p0 =	sne.s32 s14, s8  }
.Ltmp1:
0x28: {  	[bflag:$0x0] =	sbarrier.arrive $0xFFFF;
	(pc) =	sbr.rel @p0 .LBB2_1-.Ltmp1, $4  }
0x29: {  	[hbm:s7], [sflag:s11] =	dma.local [spmem:s12], $0x2780  }
0x2a: {  	_ =	swait.ge [sflag:s9], $0x2780  }
0x2b: {  	[sflag:s9] =	ssyncset.done $0x0  }
0x2c: {  	[sflag:s9] =	ssyncadd.s32 $0xFFFFD880  }
0x2d: {  	_ =	sfence.sel $0x180000  }
0x2e: {  	[bflag:$0x0] =	sbarrier.arrive $0xFFFF  }
0x2f: {  	p0 =	sne.s32 s0, $0x0;
	_ =	strace $0x90000047  }
0x30: {  	s0 =	sadd.s32 @!p0 $0x100000, s1;
	[bflag:$0x2] =	sbarrier.arrive $0xFFFF  }
0x31: {  	[sflag:s0] =	ssyncadd.tile.s32 @!p0 $0x1;
	_ =	shalt  }
.Lfunc_end2:
_tile_overlayer_lowered:
.L_overlay_start_2:
0x32: {  	(tag) =	ssettag $0x2  }
0x33: {  	s0 =	rddreg [dreg:$0x0];
	s2 =	stileid.u32  }
0x34: {  	s1 =	rddreg [dreg:$0x1];
	p0 =	sne.s32 s2, $0x0  }
0x35: {  	s3 =	rddreg [dreg:$0x2];
	[bflag:$0x3] =	sbarrier.arrive $0xFFFF;
	s2 =	simm.s32 @!p0 $0x1C01  }
0x36: {  	[timem:s3], [sflag:s2] =	dma.local @!p0 [hbm:s0], s1  }
0x37: {  	s0 =	simm.s32 @!p0 $0x1  }
0x38: {  	_ =	swait.ge @!p0 [sflag:s0], s1  }
0x39: {  	s1 =	ssub.s32 @!p0 $0x0, s1;
	[sflag:s0] =	ssyncset.done @!p0 $0x0  }
0x3a: {  	[sflag:s0] =	ssyncadd.s32 @!p0 s1  }
0x3b: {  	[bflag:$0x3] =	sbarrier.arrive $0xFFFF  }
0x3c: {  	_ =	shalt  }

// kernel: kernel.13.cloned.1.call-start
scs
__scs_entry_jumppad:
0x0: {  	(pc) =	sbr.rel $0x88, $3  }
0x1: {  	(tag) =	ssettag $0x0;
	lr =	simm.s32 $0x1  }
0x2: {  	[smem:$0x3F97] =	sst lr;
	_ =	strace $0xD0000000  }
0x3: {  	_ = 	snop  }
0x4: {  	_ = 	snop  }
0x5: {  	_ = 	snop  }
0x6: {  	_ = 	snop  }
0x7: {  	_ = 	snop  }
__scs_overlays_trampoline_lowered:
0x8: {  	[smem:$0x3FA6] =	sst s0  }
0x9: {  	[smem:$0x3FA7] =	sst s1  }
0xa: {  	[smem:$0x3FA8] =	sst s2  }
0xb: {  	[smem:$0x3FA9] =	sst s3  }
0xc: {  	[smem:$0x3FAA] =	sst s4  }
0xd: {  	[smem:$0x3FAB] =	sst s5  }
0xe: {  	[smem:$0x3FAC] =	sst s6  }
0xf: {  	[smem:$0x3FAD] =	sst s7  }
0x10: {  	[smem:$0x3FAE] =	sst s8  }
0x11: {  	[smem:$0x3FAF] =	sst s9;
	s0 =	simm.s32 @!p0 $0x0  }
0x12: {  	s1 =	sld [smem:$0x3F95];
	s0 =	simm.s32 @p0 $0x1  }
0x13: {  	[smem:$0x3FB0] =	sst s0;
	s0 =	simm.s32 @!p1 $0x0  }
0x14: {  	s2 =	sld [smem:$0x3F94];
	s0 =	simm.s32 @p1 $0x1  }
0x15: {  	[smem:$0x3FB1] =	sst s0;
	s0 =	simm.s32 @!p2 $0x0  }
0x16: {  	s3 =	sld [smem:$0x3FDB];
	s0 =	simm.s32 @p2 $0x1  }
0x17: {  	s4 =	simm.s32 $0x1BF5;
	[smem:$0x3FB3] =	sst s0  }
0x18: {  	s0 =	sld [smem:$0x3F96];
	_ =	swait.ge [sflag:s4], $0x0  }
0x19: {  	s7 =	sld [smem:$0x3F97]  }
0x1a: {  	s8 =	sadd.s32 $0xFFFFE003, lr  }
0x1b: {  	s9 =	sadd.s32 $0xFFFFFEF7, lr;
	s5 =	simm.s32 $0xFFFFFFFF;
	p2 =	slt.u32 s8, $0xFFFFF086  }
0x1c: {  	p1 =	slt.u32 s9, $0xF7A;
	s5 =	simm.s32 @!p2 $0x0  }
0x1d: {  	s5 =	simm.s32 @p1 $0x1;
	p0 =	seq.s32 s7, s2  }
0x1e: {  	s7 =	smul.u32 @!p0 $0xF7A, s2;
	p2 =	seq.s32 @!p0 s5, $0x0  }
0x1f: {  	s9 =	smul.u32 $0xF7A, s1;
	s8 =	simm.s32 @!p0 $0x1BF5;
	p2 =	por !p2, p0  }
0x20: {  	[sflag:s8] =	ssyncset.s32 @!p0 $0xFFFFF086;
	s6 =	sadd.s32 @!p0 s3, s7;
	s7 =	simm.s32 @!p0 $0x108  }
0x21: {  	s3 =	sadd.s32 s3, s9;
	s6 =	sadd.s32 @!p0 $0x88, s6;
	s7 =	simm.s32 @p2 $0x1082  }
0x22: {  	[simem:s7], [sflag:s8] =	dma.local @!p0 [hbm:s6], $0xF7A  }
0x23: {  	s9 =	sor.u32 $0xD0000000, s2;
	s6 =	simm.s32 $0x108;
	_ =	swait.ge @!p0 [sflag:s8], $0x0  }
0x24: {  	s3 =	sadd.s32 $0x88, s3;
	s6 =	simm.s32 @!p1 $0x1082;
	[sflag:s4] =	ssyncset.s32 $0xFFFFF086  }
0x25: {  	[simem:s6], [sflag:s4] =	dma.local [hbm:s3], $0xF7A  }
0x26: {  	[smem:$0x3F97] =	sst s1;
	(tag) =	ssettag s2;
	_ =	strace s9  }
0x27: {  	s1 =	sld [smem:$0x3FA7]  }
0x28: {  	s2 =	sld [smem:$0x3FA8]  }
0x29: {  	s4 =	sld [smem:$0x3FAA]  }
0x2a: {  	p0 =	seq.s32 s5, $0x0;
	s5 =	sld [smem:$0x3FAB]  }
0x2b: {  	s6 =	sld [smem:$0x3FAC]  }
0x2c: {  	s7 =	sld [smem:$0x3FAD]  }
0x2d: {  	s3 =	simm.s32 $0x108;
	s8 =	sld [smem:$0x3FAE]  }
0x2e: {  	s3 =	simm.s32 @!p0 $0x1082;
	s9 =	sld [smem:$0x3FAF]  }
0x2f: {  	lr =	sadd.s32 s0, s3;
	s0 =	sld [smem:$0x3FA6]  }
0x30: {  	s3 =	sld [smem:$0x3FA9]  }
0x31: {  	[smem:$0x3FB2] =	sst s10  }
0x32: {  	s10 =	sld [smem:$0x3FB0];
	_ =	sdelay $0x3  }
0x33: {  	p0 =	seq.s32 s10, $0x1;
	s10 =	sld [smem:$0x3FB2];
	_ =	sdelay $0x3  }
0x34: {  	[smem:$0x3FB2] =	sst s10  }
0x35: {  	s10 =	sld [smem:$0x3FB1];
	_ =	sdelay $0x3  }
0x36: {  	p1 =	seq.s32 s10, $0x1;
	s10 =	sld [smem:$0x3FB2];
	_ =	sdelay $0x3  }
0x37: {  	[smem:$0x3FB2] =	sst s10  }
0x38: {  	s10 =	sld [smem:$0x3FB3]  }
0x39: {  	_ = 	snop;
	(pc) =	sbr.ind lr, $3  }
0x3a: {  	_ = 	snop  }
0x3b: {  	_ = 	snop  }
0x3c: {  	p2 =	seq.s32 s10, $0x1;
	s10 =	sld [smem:$0x3FB2]  }
0x3d: {  	_ =	shalt  }
0x3e: {  	_ =	shalt  }
0x3f: {  	_ =	shalt  }
0x40: {  	_ =	shalt  }
0x41: {  	_ =	shalt  }
0x42: {  	_ =	shalt  }
0x43: {  	_ =	shalt  }
0x44: {  	_ =	shalt  }
0x45: {  	_ =	shalt  }
0x46: {  	_ =	shalt  }
0x47: {  	_ =	shalt  }
0x48: {  	_ =	shalt  }
0x49: {  	_ =	shalt  }
0x4a: {  	_ =	shalt  }
0x4b: {  	_ =	shalt  }
0x4c: {  	_ =	shalt  }
0x4d: {  	_ =	shalt  }
0x4e: {  	_ =	shalt  }
0x4f: {  	_ =	shalt  }
0x50: {  	_ =	shalt  }
0x51: {  	_ =	shalt  }
0x52: {  	_ =	shalt  }
0x53: {  	_ =	shalt  }
0x54: {  	_ =	shalt  }
0x55: {  	_ =	shalt  }
0x56: {  	_ =	shalt  }
0x57: {  	_ =	shalt  }
0x58: {  	_ =	shalt  }
0x59: {  	_ =	shalt  }
0x5a: {  	_ =	shalt  }
0x5b: {  	_ =	shalt  }
0x5c: {  	_ =	shalt  }
0x5d: {  	_ =	shalt  }
0x5e: {  	_ =	shalt  }
0x5f: {  	_ =	shalt  }
0x60: {  	_ =	shalt  }
0x61: {  	_ =	shalt  }
0x62: {  	_ =	shalt  }
0x63: {  	_ =	shalt  }
0x64: {  	_ =	shalt  }
0x65: {  	_ =	shalt  }
0x66: {  	_ =	shalt  }
0x67: {  	_ =	shalt  }
0x68: {  	_ =	shalt  }
0x69: {  	_ =	shalt  }
0x6a: {  	_ =	shalt  }
0x6b: {  	_ =	shalt  }
0x6c: {  	_ =	shalt  }
0x6d: {  	_ =	shalt  }
0x6e: {  	_ =	shalt  }
0x6f: {  	_ =	shalt  }
0x70: {  	_ =	shalt  }
0x71: {  	_ =	shalt  }
0x72: {  	_ =	shalt  }
0x73: {  	_ =	shalt  }
0x74: {  	_ =	shalt  }
0x75: {  	_ =	shalt  }
0x76: {  	_ =	shalt  }
0x77: {  	_ =	shalt  }
0x78: {  	_ =	shalt  }
0x79: {  	_ =	shalt  }
0x7a: {  	_ =	shalt  }
0x7b: {  	_ =	shalt  }
0x7c: {  	_ =	shalt  }
0x7d: {  	_ =	shalt  }
0x7e: {  	_ =	shalt  }
0x7f: {  	_ =	shalt  }
0x80: {  	_ =	shalt  }
0x81: {  	_ =	shalt  }
0x82: {  	_ =	shalt  }
0x83: {  	_ =	shalt  }
0x84: {  	_ =	shalt  }
0x85: {  	_ =	shalt  }
0x86: {  	_ =	shalt  }
0x87: {  	_ =	shalt  }
.Lfunc_end0:
.L_simem_size_0:
called_computation.1_lowered:
.L_overlay_start_0:
0x88: {  	s2 =	sld [smem:$0x3FD9]  }
0x89: {  	s3 =	sld [smem:$0x3FFE];
	_ =	sdelay $0x1  }
0x8a: {  	s1 =	srdreg.scid  }
0x8b: {  	s0 =	sand.u32 $0x1, s1  }
0x8c: {  	s16 =	sshll.u32 s0, $0xA;
	s2 =	sadd.s32 s3, s2  }
0x8d: {  	s2 =	sadd.s32 s2, s16  }
0x8e: {  	[smem:$0x3FBE] =	sst s2  }
0x8f: {  	_ = 	snop  }
0x90: {  	(tm) =	ssettm $0x1  }
0x91: {  	s17 =	sld [smem:$0x3FFB];
	_ =	sdelay $0x3  }
0x92: {  	_ =	strace s17  }
0x93: {  	s2 =	sld [smem:$0x3FFC];
	_ =	sdelay $0x3  }
0x94: {  	_ =	strace s2  }
0x95: {  	s2 =	sld [smem:$0x3FFD];
	_ =	sdelay $0x3  }
0x96: {  	_ =	strace s2  }
0x97: {  	_ =	strace $0x8FFFFFFF  }
0x98: {  	s18 =	sld [smem:$0x3FDB];
	_ =	sdelay $0x1  }
0x99: {  	s19 =	simm.s32 $_scs_section_size  }
0x9a: {  	s4 =	simm.s32 $_size__tile_overlayer_lowered;
	s5 =	simm.s32 $_tile_overlayer_lowered  }
0x9b: {  	s22 =	simm.s32 $0x1BFF;
	s21 =	sshll.u32 s5, $0x1;
	s2 =	sadd.s32 s19, s18  }
0x9c: {  	s6 =	simm.s32 $0x0;
	s20 =	sshll.u32 s4, $0x1;
	s4 =	sadd.s32 s21, s2  }
0x9d: {  	[timem:s6], [sflag:s22] =	dma.local [hbm:s4], s20  }
0x9e: {  	_ =	swait.ge [sflag:s22], s20  }
0x9f: {  	s3 =	ssub.s32 $0x0, s20;
	[sflag:s22] =	ssyncset.done $0x0  }
0xa0: {  	[sflag:s22] =	ssyncadd.s32 s3;
	_ =	sdelay $0x1  }
0xa1: {  	s23 =	simm.s32 $0x1B8B  }
0xa2: {  	_ =	swait.ge [sflag:s23], $0x1  }
0xa3: {  	[sflag:s23] =	ssyncset.done $0x0  }
0xa4: {  	s25 =	simm.s32 $0x1B8E;
	s24 =	sld [smem:$0x3FFE];
	[sflag:s23] =	ssyncadd.s32 $0xFFFFFFFF  }
0xa5: {  	s26 =	simm.s32 $execute0_lowered;
	[smem:$0x3FD2] =	sst s25  }
0xa6: {  	s4 =	sshll.u32 s26, $0x1;
	_ =	strace $0x80000049;
	[dreg:$0x1] =	wrdreg $0xFFFFFFFF  }
0xa7: {  	s28 =	simm.s32 $_size_execute0_lowered;
	s2 =	sadd.s32 s2, s4;
	[dreg:$0x0] =	wrdreg $0x0  }
0xa8: {  	s4 =	sshll.u32 s28, $0x1;
	[dreg:$0x2] =	wrdreg s2  }
0xa9: {  	[dreg:$0x3] =	wrdreg s4  }
0xaa: {  	[dreg:$0x4] =	wrdreg $0xC0  }
0xab: {  	_ =	task [dreg:s6], $0x5FFFF  }
0xac: {  	[dreg:$0x1] =	wrdreg $0xFFFFFFFF  }
0xad: {  	[dreg:$0x0] =	wrdreg $0x60  }
0xae: {  	[dreg:$0x2] =	wrdreg s24  }
0xaf: {  	[dreg:$0x3] =	wrdreg $0xA5000  }
0xb0: {  	[dreg:$0x4] =	wrdreg $0x9  }
0xb1: {  	_ =	task.clear_ibuf [dreg:s6], $0x5FFFF;
	_ =	strace $0x90000049  }
0xb2: {  	s29 =	simm.s32 $0x9;
	_ =	strace $0x8000004B  }
0xb3: {  	_ =	swait.ge [sflag:s29], $0x1  }
0xb4: {  	[sflag:s29] =	ssyncadd.s32 $0xFFFFFFFF  }
0xb5: {  	_ =	strace $0x9000004B  }
0xb6: {  	_ =	sfence  }
0xb7: {  	s30 =	sld [smem:$0x0];
	_ =	sdelay $0x2  }
0xb8: {  	s31 =	sshll.u32 s1, $0xD;
	s1 =	sshrl.u32 s1, $0x2  }
0xb9: {  	s3 =	sand.u32 $0x4000, s31;
	s1 =	sadd.s32 s1, s30  }
0xba: {  	s0 =	sor.u32 s3, s0;
	s1 =	sshll.u32 s1, $0x11  }
0xbb: {  	s0 =	sor.u32 s1, s0  }
0xbc: {  	s0 =	sadd.s32 $0x8F2B, s0  }
0xbd: {  	[sflag:s0] =	ssyncadd.remote.s32 $0x1  }
0xbe: {  	_ =	sfence.sel $0xFFFF  }
0xbf: {  	[dreg:$0x0] =	wrdreg $0xFFFFFFFF;
	(pc) =	sbr.abs _section_cstart, $3  }
0xc0: {  	[dreg:$0x1] =	wrdreg $0xFFFFFFFF  }
0xc1: {  	_ =	task.clear_ibuf [dreg:s6], $0x2FFFF;
	_ =	strace $0x9FFFFFFF  }
0xc2: {  	(tm) =	ssettm $0x7FFFFFFF  }
0xc3: {  	_ =	shalt  }
tec
execute0_lowered:
.L_overlay_start_1:
0x0: {  	(tag) =	ssettag $0x1  }
0x1: {  	s0 =	rddreg [dreg:$0x0]  }
0x2: {  	s2 =	rddreg [dreg:$0x1]  }
0x3: {  	s12 =	stileid.u32;
	s1 =	srdreg.scid  }
0x4: {  	s3 =	simm.s32 $0x0;
	s16 =	simm.s32 $0xB;
	s29 =	simm.s32 $0x4  }
0x5: {  	s30 =	simm.s32 $0x6500;
	s31 =	simm.s32 $0x6;
	s13 =	simm.s32 $0x480  }
0x6: {  	s28 =	simm.s32 $0x200;
	s5 =	smul.u32 $0x13C00, s12;
	s1 =	sand.u32 $0x1, s1  }
0x7: {  	[smem:$0x7FF] =	sst s3;
	s4 =	sadd.s32 $0x3EE00, s0;
	s9 =	smul.u32 $0x4F000, s12  }
0x8: {  	s8 =	sadd.s32 $0x8DE00, s0;
	s19 =	sshll.u32 s12, $0x6;
	s24 =	smul.u32 $0x1400, s12  }
0x9: {  	s6 =	smul.u32 $0x13C000, s1;
	_ =	strace $0x8000004A;
	s17 =	sshll.u32 s1, $0x4  }
0xa: {  	s18 =	ssub.s32 $0x2, s1;
	s15 =	sor.u32 $0x1C0B, s19;
	s1 =	smul.u32 $0x14000, s1  }
0xb: {  	s19 =	simm.s32 $0x300;
	s7 =	sshrl.u32 s5, $0x3;
	s10 =	sshrl.u32 s18, $0x1  }
0xc: {  	s9 =	sshrl.u32 s9, $0x2;
	[dreg:$0x4] =	wrdreg s15;
	s7 =	sadd.s32 s7, s0  }
0xd: {  	s5 =	sadd.s32 s5, s6;
	s6 =	sor.u32 s12, s17;
	s9 =	sadd.s32 s9, s2  }
0xe: {  	s26 =	sadd.s32 s1, s8;
	s1 =	simm.s32 $0x5;
	s12 =	simm.s32 $0xA  }
0xf: {  	s17 =	simm.s32 $0x0;
	s5 =	sshrl.u32 s5, $0x3;
	s11 =	smul.u32 $0x1400, s6  }
0x10: {  	s7 =	sadd.s32 $0x17600, s7;
	s14 =	sadd.s32 s24, s26;
	s26 =	simm.s32 $0x3  }
0x11: {  	s0 =	sadd.s32 s5, s0;
	s5 =	ssub.s32 s18, s10;
	[dreg:$0x3] =	wrdreg s7  }
0x12: {  	s7 =	sshrl.u32 s9, $0x3;
	s9 =	simm.s32 $0x180;
	s10 =	simm.s32 $0x9  }
0x13: {  	s20 =	sadd.s32 s8, s11;
	s0 =	sadd.s32 $0xB5E00, s0;
	[dreg:$0xc] =	wrdreg s7  }
0x14: {  	s25 =	smax.u32 s5, $0x1;
	s5 =	simm.s32 $0x8500;
	[dreg:$0x5] =	wrdreg s20  }
0x15: {  	s8 =	simm.s32 $0x7;
	s11 =	simm.s32 $0x380;
	[dreg:$0xa] =	wrdreg s0  }
.Ltmp0:
0x16: {  	s21 =	sadd.s32 $0x20, s20;
	[dreg:$0xb] =	wrdreg s25;
	(pc) =	sbr.rel .LBB2_1-.Ltmp0, $4  }
0x17: {  	s22 =	sadd.s32 $0x40, s20;
	s23 =	sadd.s32 $0x60, s20;
	[dreg:$0x6] =	wrdreg s21  }
0x18: {  	s6 =	sadd.s32 $0x80, s20;
	s20 =	simm.s32 $0x400;
	[dreg:$0x7] =	wrdreg s22  }
0x19: {  	s25 =	simm.s32 $0x2500;
	s0 =	simm.s32 $0x80;
	[dreg:$0x8] =	wrdreg s23  }
0x1a: {  	[dreg:$0x9] =	wrdreg s6;
	s22 =	simm.s32 $0x40;
	s23 =	simm.s32 $0x500  }
.LBB2_4:
0x1b: {  	_ =	swait.ge [sflag:s12], $0x2000  }
0x1c: {  	[sflag:s12] =	ssyncset.done $0x0  }
0x1d: {  	[sflag:s12] =	ssyncadd.s32 $0xFFFFE000  }
0x1e: {  	[spmem:s2] =	stream.indirect.scatter.add.f32 [tilespmem:s5], [sflag:$0xB], $0x80, s13, s22, $0xb8;
	[tilespmem:$0x1E100] =	vst v63  }
0x1f: {  	_ =	swait.ge [sflag:s16], $0x2000  }
0x20: {  	[sflag:s16] =	ssyncset.done $0x0  }
0x21: {  	[sflag:s16] =	ssyncadd.s32 $0xFFFFE000  }
0x22: {  	[bflag:$0x0] =	sbarrier.arrive $0xFFFF  }
0x23: {  	s15 =	rddreg [dreg:$0x4]  }
0x24: {  	s6 =	rddreg [dreg:$0xa]  }
0x25: {  	s7 =	rddreg [dreg:$0xc]  }
0x26: {  	[hbm:s6], [sflag:s15] =	dma.local [spmem:s7], $0x2780  }
0x27: {  	_ =	swait.ge [sflag:s16], $0x2780  }
0x28: {  	s17 =	rddreg [dreg:$0xd]  }
0x29: {  	s24 =	rddreg [dreg:$0xb];
	s17 =	sadd.s32 $0x1, s17  }
0x2a: {  	p0 =	sne.s32 s17, s24  }
.Ltmp1:
0x2b: {  	_ = 	snop;
	(pc) =	sbr.rel @!p0 .LBB2_5-.Ltmp1, $3  }
0x2c: {  	_ =	sdelay $0x1  }
0x2d: {  	[sflag:s16] =	ssyncset.done $0x0  }
0x2e: {  	[sflag:s16] =	ssyncadd.s32 $0xFFFFD880  }
.LBB2_1:
0x2f: {  	[dreg:$0xd] =	wrdreg s17  }
0x30: {  	s6 =	rddreg [dreg:$0x3]  }
0x31: {  	[spmem:s7], [sflag:s15] =	dma.local [hbm:s6], $0x2780  }
0x32: {  	_ =	swait.ge [sflag:s16], $0x2780  }
0x33: {  	[sflag:s16] =	ssyncset.done $0x0  }
0x34: {  	[sflag:s16] =	ssyncadd.s32 $0xFFFFD880  }
0x35: {  	[bflag:$0x0] =	sbarrier.arrive $0xFFFF  }
0x36: {  	s17 =	rddreg [dreg:$0x5]  }
0x37: {  	[tilespmem:s3], [sflag:$0x1] =	stream.linear.gather [hbm4b:s17+s3], $0x100, $0x38;
	[tilespmem:$0x1E100] =	vst v63  }
0x38: {  	s7 =	simm.s32 $0x100;
	s18 =	rddreg [dreg:$0x6]  }
0x39: {  	[tilespmem:s7], [sflag:$0x2] =	stream.linear.gather [hbm4b:s18+s3], $0x100, $0x38;
	[tilespmem:$0x1E100] =	vst v63  }
0x3a: {  	s15 =	simm.s32 $0x200;
	s21 =	rddreg [dreg:$0x7]  }
0x3b: {  	[tilespmem:s15], [sflag:$0x3] =	stream.linear.gather [hbm4b:s21+s3], $0x100, $0x38;
	[tilespmem:$0x1E100] =	vst v63  }
0x3c: {  	s24 =	rddreg [dreg:$0x8]  }
0x3d: {  	[tilespmem:s19], [sflag:$0x4] =	stream.linear.gather [hbm4b:s24+s3], $0x100, $0x38;
	[tilespmem:$0x1E100] =	vst v63  }
0x3e: {  	s17 =	rddreg [dreg:$0x9];
	s18 =	simm.s32 $0x1  }
0x3f: {  	[tilespmem:s20], [sflag:$0x5] =	stream.linear.gather [hbm4b:s17+s3], $0x100, $0x38;
	[tilespmem:$0x1E100] =	vst v63  }
0x40: {  	_ =	swait.ge [sflag:s18], $0x100  }
0x41: {  	[sflag:s18] =	ssyncset.done $0x0  }
0x42: {  	s21 =	simm.s32 $0x2;
	[sflag:s18] =	ssyncadd.s32 $0xFFFFFF00  }
0x43: {  	[tilespmem:s23], [sflag:$0x6] =	stream.indirect.gather [hbm4b:s4+s22], $0x80, s3, s22, $0xb8;
	[tilespmem:$0x1E100] =	vst v63  }
0x44: {  	_ =	swait.ge [sflag:s21], $0x100  }
0x45: {  	[sflag:s21] =	ssyncset.done $0x0  }
0x46: {  	[sflag:s21] =	ssyncadd.s32 $0xFFFFFF00  }
0x47: {  	[tilespmem:s25], [sflag:$0x7] =	stream.indirect.gather [hbm4b:s4+s22], $0x80, s7, s22, $0xb8;
	[tilespmem:$0x1E100] =	vst v63  }
0x48: {  	_ =	swait.ge [sflag:s26], $0x100  }
0x49: {  	[sflag:s26] =	ssyncset.done $0x0  }
0x4a: {  	s24 =	simm.s32 $0x4500;
	[sflag:s26] =	ssyncadd.s32 $0xFFFFFF00  }
0x4b: {  	[tilespmem:s24], [sflag:$0x8] =	stream.indirect.gather [hbm4b:s4+s22], $0x80, s15, s22, $0xb8;
	[tilespmem:$0x1E100] =	vst v63  }
0x4c: {  	_ =	swait.ge [sflag:s29], $0x100  }
0x4d: {  	[sflag:s29] =	ssyncset.done $0x0  }
0x4e: {  	s7 =	simm.s32 $0x0;
	[sflag:s29] =	ssyncadd.s32 $0xFFFFFF00  }
0x4f: {  	[tilespmem:s30], [sflag:$0x9] =	stream.indirect.gather [hbm4b:s4+s22], $0x80, s19, s22, $0xb8;
	[tilespmem:$0x1E100] =	vst v63  }
.LBB2_2:
0x50: {  	_ =	swait.ge [sflag:s31], $0x2000  }
0x51: {  	[sflag:s31] =	ssyncset.done $0x0  }
0x52: {  	[sflag:s31] =	ssyncadd.s32 $0xFFFFE000  }
0x53: {  	[spmem:s2] =	stream.indirect.scatter.add.f32 [tilespmem:s23], [sflag:$0xB], $0x80, s0, s22, $0xb8;
	[tilespmem:$0x1E100] =	vst v63  }
0x54: {  	p0 =	seq.s32 s7, $0x1360;
	_ =	swait.ge [sflag:s16], $0x2000  }
0x55: {  	s21 =	sadd.s32 @!p0 s7, s14;
	[sflag:s16] =	ssyncset.done $0x0  }
0x56: {  	s6 =	simm.s32 @!p0 $0x0;
	s24 =	sadd.s32 @!p0 $0xA0, s21;
	[sflag:s16] =	ssyncadd.s32 $0xFFFFE000  }
0x57: {  	[tilespmem:s6], [sflag:$0x1] =	stream.linear.gather @!p0 [hbm4b:s24+s6], $0x100, $0x38;
	[tilespmem:$0x1E100] =	vst v63  }
0x58: {  	_ =	swait.ge [sflag:s1], $0x100  }
0x59: {  	[sflag:s1] =	ssyncset.done $0x0  }
0x5a: {  	[sflag:s1] =	ssyncadd.s32 $0xFFFFFF00  }
0x5b: {  	[tilespmem:s5], [sflag:$0xA] =	stream.indirect.gather [hbm4b:s4+s22], $0x80, s20, s22, $0xb8;
	[tilespmem:$0x1E100] =	vst v63  }
0x5c: {  	_ =	swait.ge [sflag:s8], $0x2000  }
0x5d: {  	[sflag:s8] =	ssyncset.done $0x0  }
0x5e: {  	[sflag:s8] =	ssyncadd.s32 $0xFFFFE000  }
0x5f: {  	[spmem:s2] =	stream.indirect.scatter.add.f32 [tilespmem:s25], [sflag:$0xB], $0x80, s9, s22, $0xb8;
	[tilespmem:$0x1E100] =	vst v63  }
0x60: {  	_ =	swait.ge [sflag:s16], $0x2000  }
0x61: {  	[sflag:s16] =	ssyncset.done $0x0  }
0x62: {  	s24 =	simm.s32 @p0 $0x8;
	[sflag:s16] =	ssyncadd.s32 $0xFFFFE000  }
0x63: {  	_ =	swait.ge @p0 [sflag:s24], $0x2000  }
0x64: {  	s15 =	simm.s32 @p0 $0x280;
	[sflag:s24] =	ssyncset.done @p0 $0x0  }
0x65: {  	s17 =	simm.s32 @p0 $0x4500;
	[sflag:s24] =	ssyncadd.s32 @p0 $0xFFFFE000;
	s24 =	simm.s32 @p0 $0x40  }
0x66: {  	[spmem:s2] =	stream.indirect.scatter.add.f32 @p0 [tilespmem:s17], [sflag:$0xB], $0x80, s15, s24, $0xb8;
	[tilespmem:$0x1E100] =	vst v63  }
0x67: {  	s15 =	simm.s32 @p0 $0xB  }
0x68: {  	_ =	swait.ge @p0 [sflag:s15], $0x2000  }
0x69: {  	[sflag:s15] =	ssyncset.done @p0 $0x0  }
0x6a: {  	s17 =	simm.s32 @!p0 $0x100;
	[sflag:s15] =	ssyncadd.s32 @p0 $0xFFFFE000;
	s15 =	sadd.s32 @!p0 $0xC0, s21  }
0x6b: {  	[tilespmem:s17], [sflag:$0x2] =	stream.linear.gather @!p0 [hbm4b:s15+s6], $0x100, $0x38;
	[tilespmem:$0x1E100] =	vst v63  }
0x6c: {  	s15 =	simm.s32 @!p0 $0x1  }
0x6d: {  	_ =	swait.ge @!p0 [sflag:s15], $0x100  }
0x6e: {  	[sflag:s15] =	ssyncset.done @!p0 $0x0  }
0x6f: {  	s24 =	simm.s32 @!p0 $0x500;
	[sflag:s15] =	ssyncadd.s32 @!p0 $0xFFFFFF00;
	s15 =	simm.s32 @!p0 $0x40  }
0x70: {  	[tilespmem:s24], [sflag:$0x6] =	stream.indirect.gather @!p0 [hbm4b:s4+s15], $0x80, s6, s15, $0xb8;
	[tilespmem:$0x1E100] =	vst v63  }
0x71: {  	s24 =	simm.s32 @!p0 $0x8  }
0x72: {  	_ =	swait.ge @!p0 [sflag:s24], $0x2000  }
0x73: {  	[sflag:s24] =	ssyncset.done @!p0 $0x0  }
0x74: {  	s18 =	simm.s32 @!p0 $0x4500;
	[sflag:s24] =	ssyncadd.s32 @!p0 $0xFFFFE000;
	s24 =	simm.s32 @!p0 $0x280  }
0x75: {  	[spmem:s2] =	stream.indirect.scatter.add.f32 @!p0 [tilespmem:s18], [sflag:$0xB], $0x80, s24, s15, $0xb8;
	[tilespmem:$0x1E100] =	vst v63  }
0x76: {  	s18 =	simm.s32 @!p0 $0xB  }
0x77: {  	_ =	swait.ge @!p0 [sflag:s18], $0x2000  }
0x78: {  	[sflag:s18] =	ssyncset.done @!p0 $0x0  }
0x79: {  	[sflag:s18] =	ssyncadd.s32 @!p0 $0xFFFFE000;
	s18 =	sadd.s32 @!p0 $0xE0, s21;
	s21 =	simm.s32 @!p0 $0x200  }
0x7a: {  	[tilespmem:s21], [sflag:$0x3] =	stream.linear.gather @!p0 [hbm4b:s18+s6], $0x100, $0x38;
	[tilespmem:$0x1E100] =	vst v63  }
0x7b: {  	s6 =	simm.s32 @!p0 $0x2  }
0x7c: {  	_ =	swait.ge @!p0 [sflag:s6], $0x100  }
0x7d: {  	[sflag:s6] =	ssyncset.done @!p0 $0x0  }
0x7e: {  	[sflag:s6] =	ssyncadd.s32 @!p0 $0xFFFFFF00;
	s6 =	simm.s32 @!p0 $0x2500  }
0x7f: {  	[tilespmem:s6], [sflag:$0x7] =	stream.indirect.gather @!p0 [hbm4b:s4+s15], $0x80, s17, s15, $0xb8;
	[tilespmem:$0x1E100] =	vst v63  }
0x80: {  	_ =	swait.ge [sflag:s10], $0x2000  }
0x81: {  	[sflag:s10] =	ssyncset.done $0x0  }
.Ltmp2:
0x82: {  	[sflag:s10] =	ssyncadd.s32 $0xFFFFE000;
	(pc) =	sbr.rel @p0 .LBB2_4-.Ltmp2, $4  }
0x83: {  	[spmem:s2] =	stream.indirect.scatter.add.f32 [tilespmem:s30], [sflag:$0xB], $0x80, s11, s22, $0xb8;
	[tilespmem:$0x1E100] =	vst v63  }
0x84: {  	_ =	swait.ge [sflag:s16], $0x2000  }
0x85: {  	[sflag:s16] =	ssyncset.done $0x0  }
0x86: {  	[sflag:s16] =	ssyncadd.s32 $0xFFFFE000  }
0x87: {  	s6 =	sadd.s32 s7, s14  }
0x88: {  	s15 =	sadd.s32 $0x100, s6  }
0x89: {  	[tilespmem:s19], [sflag:$0x4] =	stream.linear.gather [hbm4b:s15+s3], $0x100, $0x38;
	[tilespmem:$0x1E100] =	vst v63  }
0x8a: {  	_ =	swait.ge [sflag:s26], $0x100  }
0x8b: {  	[sflag:s26] =	ssyncset.done $0x0  }
0x8c: {  	s24 =	simm.s32 $0x4500;
	[sflag:s26] =	ssyncadd.s32 $0xFFFFFF00  }
0x8d: {  	[tilespmem:s24], [sflag:$0x8] =	stream.indirect.gather [hbm4b:s4+s22], $0x80, s28, s22, $0xb8;
	[tilespmem:$0x1E100] =	vst v63  }
0x8e: {  	_ =	swait.ge [sflag:s12], $0x2000  }
0x8f: {  	[sflag:s12] =	ssyncset.done $0x0  }
0x90: {  	[sflag:s12] =	ssyncadd.s32 $0xFFFFE000  }
0x91: {  	[spmem:s2] =	stream.indirect.scatter.add.f32 [tilespmem:s5], [sflag:$0xB], $0x80, s13, s22, $0xb8;
	[tilespmem:$0x1E100] =	vst v63  }
0x92: {  	_ =	swait.ge [sflag:s16], $0x2000  }
0x93: {  	[sflag:s16] =	ssyncset.done $0x0  }
0x94: {  	s6 =	sadd.s32 $0x120, s6;
	[sflag:s16] =	ssyncadd.s32 $0xFFFFE000  }
0x95: {  	[tilespmem:s20], [sflag:$0x5] =	stream.linear.gather [hbm4b:s6+s3], $0x100, $0x38;
	[tilespmem:$0x1E100] =	vst v63  }
.Ltmp3:
0x96: {  	_ = 	snop;
	(pc) =	sbr.rel .LBB2_2-.Ltmp3, $4  }
0x97: {  	_ =	swait.ge [sflag:s29], $0x100  }
0x98: {  	[sflag:s29] =	ssyncset.done $0x0  }
0x99: {  	s7 =	sadd.s32 $0xA0, s7;
	[sflag:s29] =	ssyncadd.s32 $0xFFFFFF00  }
0x9a: {  	[tilespmem:s30], [sflag:$0x9] =	stream.indirect.gather [hbm4b:s4+s22], $0x80, s19, s22, $0xb8;
	[tilespmem:$0x1E100] =	vst v63  }
.LBB2_5:
0x9b: {  	_ =	sfence.sel $0x180000  }
0x9c: {  	[bflag:$0x0] =	sbarrier.arrive $0xFFFF  }
0x9d: {  	_ =	strace $0x9000004A  }
0x9e: {  	s0 =	stileid.u32;
	[bflag:$0x2] =	sbarrier.arrive $0xFFFF  }
0x9f: {  	p0 =	sne.s32 s0, $0x0;
	s0 =	rddreg [dreg:$0x2]  }
0xa0: {  	s0 =	sadd.s32 @!p0 $0x100000, s0  }
0xa1: {  	[sflag:s0] =	ssyncadd.tile.s32 @!p0 $0x1;
	_ =	shalt  }
.Lfunc_end2:
_tile_overlayer_lowered:
.L_overlay_start_2:
0xa2: {  	(tag) =	ssettag $0x2  }
0xa3: {  	s0 =	rddreg [dreg:$0x0];
	s2 =	stileid.u32  }
0xa4: {  	s1 =	rddreg [dreg:$0x1];
	p0 =	sne.s32 s2, $0x0  }
0xa5: {  	s3 =	rddreg [dreg:$0x2];
	[bflag:$0x3] =	sbarrier.arrive $0xFFFF;
	s2 =	simm.s32 @!p0 $0x1C0B  }
0xa6: {  	[timem:s3], [sflag:s2] =	dma.local @!p0 [hbm:s0], s1  }
0xa7: {  	s0 =	simm.s32 @!p0 $0xB  }
0xa8: {  	_ =	swait.ge @!p0 [sflag:s0], s1  }
0xa9: {  	s1 =	ssub.s32 @!p0 $0x0, s1;
	[sflag:s0] =	ssyncset.done @!p0 $0x0  }
0xaa: {  	[sflag:s0] =	ssyncadd.s32 @!p0 s1  }
0xab: {  	[bflag:$0x3] =	sbarrier.arrive $0xFFFF  }
0xac: {  	_ =	shalt  }

// kernel: kernel.16.cloned.1.call-start
scs
__scs_entry_jumppad:
0x0: {  	(pc) =	sbr.rel $0x88, $3  }
0x1: {  	(tag) =	ssettag $0x0;
	lr =	simm.s32 $0x1  }
0x2: {  	[smem:$0x3F97] =	sst lr;
	_ =	strace $0xD0000000  }
0x3: {  	_ = 	snop  }
0x4: {  	_ = 	snop  }
0x5: {  	_ = 	snop  }
0x6: {  	_ = 	snop  }
0x7: {  	_ = 	snop  }
__scs_overlays_trampoline_lowered:
0x8: {  	[smem:$0x3FA6] =	sst s0  }
0x9: {  	[smem:$0x3FA7] =	sst s1  }
0xa: {  	[smem:$0x3FA8] =	sst s2  }
0xb: {  	[smem:$0x3FA9] =	sst s3  }
0xc: {  	[smem:$0x3FAA] =	sst s4  }
0xd: {  	[smem:$0x3FAB] =	sst s5  }
0xe: {  	[smem:$0x3FAC] =	sst s6  }
0xf: {  	[smem:$0x3FAD] =	sst s7  }
0x10: {  	[smem:$0x3FAE] =	sst s8  }
0x11: {  	[smem:$0x3FAF] =	sst s9;
	s0 =	simm.s32 @!p0 $0x0  }
0x12: {  	s1 =	sld [smem:$0x3F95];
	s0 =	simm.s32 @p0 $0x1  }
0x13: {  	[smem:$0x3FB0] =	sst s0;
	s0 =	simm.s32 @!p1 $0x0  }
0x14: {  	s2 =	sld [smem:$0x3F94];
	s0 =	simm.s32 @p1 $0x1  }
0x15: {  	[smem:$0x3FB1] =	sst s0;
	s0 =	simm.s32 @!p2 $0x0  }
0x16: {  	s3 =	sld [smem:$0x3FDB];
	s0 =	simm.s32 @p2 $0x1  }
0x17: {  	s4 =	simm.s32 $0x1BF5;
	[smem:$0x3FB3] =	sst s0  }
0x18: {  	s0 =	sld [smem:$0x3F96];
	_ =	swait.ge [sflag:s4], $0x0  }
0x19: {  	s7 =	sld [smem:$0x3F97]  }
0x1a: {  	s8 =	sadd.s32 $0xFFFFE003, lr  }
0x1b: {  	s9 =	sadd.s32 $0xFFFFFEF7, lr;
	s5 =	simm.s32 $0xFFFFFFFF;
	p2 =	slt.u32 s8, $0xFFFFF086  }
0x1c: {  	p1 =	slt.u32 s9, $0xF7A;
	s5 =	simm.s32 @!p2 $0x0  }
0x1d: {  	s5 =	simm.s32 @p1 $0x1;
	p0 =	seq.s32 s7, s2  }
0x1e: {  	s7 =	smul.u32 @!p0 $0xF7A, s2;
	p2 =	seq.s32 @!p0 s5, $0x0  }
0x1f: {  	s9 =	smul.u32 $0xF7A, s1;
	s8 =	simm.s32 @!p0 $0x1BF5;
	p2 =	por !p2, p0  }
0x20: {  	[sflag:s8] =	ssyncset.s32 @!p0 $0xFFFFF086;
	s6 =	sadd.s32 @!p0 s3, s7;
	s7 =	simm.s32 @!p0 $0x108  }
0x21: {  	s3 =	sadd.s32 s3, s9;
	s6 =	sadd.s32 @!p0 $0x88, s6;
	s7 =	simm.s32 @p2 $0x1082  }
0x22: {  	[simem:s7], [sflag:s8] =	dma.local @!p0 [hbm:s6], $0xF7A  }
0x23: {  	s9 =	sor.u32 $0xD0000000, s2;
	s6 =	simm.s32 $0x108;
	_ =	swait.ge @!p0 [sflag:s8], $0x0  }
0x24: {  	s3 =	sadd.s32 $0x88, s3;
	s6 =	simm.s32 @!p1 $0x1082;
	[sflag:s4] =	ssyncset.s32 $0xFFFFF086  }
0x25: {  	[simem:s6], [sflag:s4] =	dma.local [hbm:s3], $0xF7A  }
0x26: {  	[smem:$0x3F97] =	sst s1;
	(tag) =	ssettag s2;
	_ =	strace s9  }
0x27: {  	s1 =	sld [smem:$0x3FA7]  }
0x28: {  	s2 =	sld [smem:$0x3FA8]  }
0x29: {  	s4 =	sld [smem:$0x3FAA]  }
0x2a: {  	p0 =	seq.s32 s5, $0x0;
	s5 =	sld [smem:$0x3FAB]  }
0x2b: {  	s6 =	sld [smem:$0x3FAC]  }
0x2c: {  	s7 =	sld [smem:$0x3FAD]  }
0x2d: {  	s3 =	simm.s32 $0x108;
	s8 =	sld [smem:$0x3FAE]  }
0x2e: {  	s3 =	simm.s32 @!p0 $0x1082;
	s9 =	sld [smem:$0x3FAF]  }
0x2f: {  	lr =	sadd.s32 s0, s3;
	s0 =	sld [smem:$0x3FA6]  }
0x30: {  	s3 =	sld [smem:$0x3FA9]  }
0x31: {  	[smem:$0x3FB2] =	sst s10  }
0x32: {  	s10 =	sld [smem:$0x3FB0];
	_ =	sdelay $0x3  }
0x33: {  	p0 =	seq.s32 s10, $0x1;
	s10 =	sld [smem:$0x3FB2];
	_ =	sdelay $0x3  }
0x34: {  	[smem:$0x3FB2] =	sst s10  }
0x35: {  	s10 =	sld [smem:$0x3FB1];
	_ =	sdelay $0x3  }
0x36: {  	p1 =	seq.s32 s10, $0x1;
	s10 =	sld [smem:$0x3FB2];
	_ =	sdelay $0x3  }
0x37: {  	[smem:$0x3FB2] =	sst s10  }
0x38: {  	s10 =	sld [smem:$0x3FB3]  }
0x39: {  	_ = 	snop;
	(pc) =	sbr.ind lr, $3  }
0x3a: {  	_ = 	snop  }
0x3b: {  	_ = 	snop  }
0x3c: {  	p2 =	seq.s32 s10, $0x1;
	s10 =	sld [smem:$0x3FB2]  }
0x3d: {  	_ =	shalt  }
0x3e: {  	_ =	shalt  }
0x3f: {  	_ =	shalt  }
0x40: {  	_ =	shalt  }
0x41: {  	_ =	shalt  }
0x42: {  	_ =	shalt  }
0x43: {  	_ =	shalt  }
0x44: {  	_ =	shalt  }
0x45: {  	_ =	shalt  }
0x46: {  	_ =	shalt  }
0x47: {  	_ =	shalt  }
0x48: {  	_ =	shalt  }
0x49: {  	_ =	shalt  }
0x4a: {  	_ =	shalt  }
0x4b: {  	_ =	shalt  }
0x4c: {  	_ =	shalt  }
0x4d: {  	_ =	shalt  }
0x4e: {  	_ =	shalt  }
0x4f: {  	_ =	shalt  }
0x50: {  	_ =	shalt  }
0x51: {  	_ =	shalt  }
0x52: {  	_ =	shalt  }
0x53: {  	_ =	shalt  }
0x54: {  	_ =	shalt  }
0x55: {  	_ =	shalt  }
0x56: {  	_ =	shalt  }
0x57: {  	_ =	shalt  }
0x58: {  	_ =	shalt  }
0x59: {  	_ =	shalt  }
0x5a: {  	_ =	shalt  }
0x5b: {  	_ =	shalt  }
0x5c: {  	_ =	shalt  }
0x5d: {  	_ =	shalt  }
0x5e: {  	_ =	shalt  }
0x5f: {  	_ =	shalt  }
0x60: {  	_ =	shalt  }
0x61: {  	_ =	shalt  }
0x62: {  	_ =	shalt  }
0x63: {  	_ =	shalt  }
0x64: {  	_ =	shalt  }
0x65: {  	_ =	shalt  }
0x66: {  	_ =	shalt  }
0x67: {  	_ =	shalt  }
0x68: {  	_ =	shalt  }
0x69: {  	_ =	shalt  }
0x6a: {  	_ =	shalt  }
0x6b: {  	_ =	shalt  }
0x6c: {  	_ =	shalt  }
0x6d: {  	_ =	shalt  }
0x6e: {  	_ =	shalt  }
0x6f: {  	_ =	shalt  }
0x70: {  	_ =	shalt  }
0x71: {  	_ =	shalt  }
0x72: {  	_ =	shalt  }
0x73: {  	_ =	shalt  }
0x74: {  	_ =	shalt  }
0x75: {  	_ =	shalt  }
0x76: {  	_ =	shalt  }
0x77: {  	_ =	shalt  }
0x78: {  	_ =	shalt  }
0x79: {  	_ =	shalt  }
0x7a: {  	_ =	shalt  }
0x7b: {  	_ =	shalt  }
0x7c: {  	_ =	shalt  }
0x7d: {  	_ =	shalt  }
0x7e: {  	_ =	shalt  }
0x7f: {  	_ =	shalt  }
0x80: {  	_ =	shalt  }
0x81: {  	_ =	shalt  }
0x82: {  	_ =	shalt  }
0x83: {  	_ =	shalt  }
0x84: {  	_ =	shalt  }
0x85: {  	_ =	shalt  }
0x86: {  	_ =	shalt  }
0x87: {  	_ =	shalt  }
.Lfunc_end0:
.L_simem_size_0:
called_computation.2_lowered:
.L_overlay_start_0:
0x88: {  	s2 =	sld [smem:$0x3FD9]  }
0x89: {  	s3 =	sld [smem:$0x3FFE];
	_ =	sdelay $0x1  }
0x8a: {  	s1 =	srdreg.scid  }
0x8b: {  	s0 =	sand.u32 $0x1, s1  }
0x8c: {  	s16 =	sshll.u32 s0, $0xA;
	s2 =	sadd.s32 s3, s2  }
0x8d: {  	s2 =	sadd.s32 s2, s16  }
0x8e: {  	[smem:$0x3FBE] =	sst s2  }
0x8f: {  	_ = 	snop  }
0x90: {  	(tm) =	ssettm $0x1  }
0x91: {  	s17 =	sld [smem:$0x3FFB];
	_ =	sdelay $0x3  }
0x92: {  	_ =	strace s17  }
0x93: {  	s2 =	sld [smem:$0x3FFC];
	_ =	sdelay $0x3  }
0x94: {  	_ =	strace s2  }
0x95: {  	s2 =	sld [smem:$0x3FFD];
	_ =	sdelay $0x3  }
0x96: {  	_ =	strace s2  }
0x97: {  	_ =	strace $0x8FFFFFFF  }
0x98: {  	s18 =	sld [smem:$0x3FDB];
	_ =	sdelay $0x1  }
0x99: {  	s19 =	simm.s32 $_scs_section_size  }
0x9a: {  	s4 =	simm.s32 $_size__tile_overlayer_lowered;
	s5 =	simm.s32 $_tile_overlayer_lowered  }
0x9b: {  	s22 =	simm.s32 $0x1BFF;
	s21 =	sshll.u32 s5, $0x1;
	s2 =	sadd.s32 s19, s18  }
0x9c: {  	s6 =	simm.s32 $0x0;
	s20 =	sshll.u32 s4, $0x1;
	s4 =	sadd.s32 s21, s2  }
0x9d: {  	[timem:s6], [sflag:s22] =	dma.local [hbm:s4], s20  }
0x9e: {  	_ =	swait.ge [sflag:s22], s20  }
0x9f: {  	s3 =	ssub.s32 $0x0, s20;
	[sflag:s22] =	ssyncset.done $0x0  }
0xa0: {  	[sflag:s22] =	ssyncadd.s32 s3;
	_ =	sdelay $0x1  }
0xa1: {  	s23 =	simm.s32 $0x1B8B  }
0xa2: {  	_ =	swait.ge [sflag:s23], $0x1  }
0xa3: {  	[sflag:s23] =	ssyncset.done $0x0  }
0xa4: {  	s25 =	simm.s32 $0x1B8E;
	s24 =	sld [smem:$0x3FFE];
	[sflag:s23] =	ssyncadd.s32 $0xFFFFFFFF  }
0xa5: {  	s26 =	simm.s32 $execute0_lowered;
	[smem:$0x3FD2] =	sst s25  }
0xa6: {  	s4 =	sshll.u32 s26, $0x1;
	_ =	strace $0x8000004C;
	[dreg:$0x1] =	wrdreg $0xFFFFFFFF  }
0xa7: {  	s28 =	simm.s32 $_size_execute0_lowered;
	s2 =	sadd.s32 s2, s4;
	[dreg:$0x0] =	wrdreg $0x0  }
0xa8: {  	s4 =	sshll.u32 s28, $0x1;
	[dreg:$0x2] =	wrdreg s2  }
0xa9: {  	[dreg:$0x3] =	wrdreg s4  }
0xaa: {  	[dreg:$0x4] =	wrdreg $0xC0  }
0xab: {  	_ =	task [dreg:s6], $0x5FFFF  }
0xac: {  	[dreg:$0x1] =	wrdreg $0xFFFFFFFF  }
0xad: {  	[dreg:$0x0] =	wrdreg $0x60  }
0xae: {  	[dreg:$0x2] =	wrdreg s24  }
0xaf: {  	[dreg:$0x3] =	wrdreg $0xA5000  }
0xb0: {  	[dreg:$0x4] =	wrdreg $0x9  }
0xb1: {  	_ =	task.clear_ibuf [dreg:s6], $0x5FFFF;
	_ =	strace $0x9000004C  }
0xb2: {  	s29 =	simm.s32 $0x9;
	_ =	strace $0x8000004E  }
0xb3: {  	_ =	swait.ge [sflag:s29], $0x1  }
0xb4: {  	[sflag:s29] =	ssyncadd.s32 $0xFFFFFFFF  }
0xb5: {  	_ =	strace $0x9000004E  }
0xb6: {  	_ =	sfence  }
0xb7: {  	s30 =	sld [smem:$0x0];
	_ =	sdelay $0x2  }
0xb8: {  	s31 =	sshll.u32 s1, $0xD;
	s1 =	sshrl.u32 s1, $0x2  }
0xb9: {  	s3 =	sand.u32 $0x4000, s31;
	s1 =	sadd.s32 s1, s30  }
0xba: {  	s0 =	sor.u32 s3, s0;
	s1 =	sshll.u32 s1, $0x11  }
0xbb: {  	s0 =	sor.u32 s1, s0  }
0xbc: {  	s0 =	sadd.s32 $0x8F2B, s0  }
0xbd: {  	[sflag:s0] =	ssyncadd.remote.s32 $0x1  }
0xbe: {  	_ =	sfence.sel $0xFFFF  }
0xbf: {  	[dreg:$0x0] =	wrdreg $0xFFFFFFFF;
	(pc) =	sbr.abs _section_cstart, $3  }
0xc0: {  	[dreg:$0x1] =	wrdreg $0xFFFFFFFF  }
0xc1: {  	_ =	task.clear_ibuf [dreg:s6], $0x2FFFF;
	_ =	strace $0x9FFFFFFF  }
0xc2: {  	(tm) =	ssettm $0x7FFFFFFF  }
0xc3: {  	_ =	shalt  }
tec
execute0_lowered:
.L_overlay_start_1:
0x0: {  	(tag) =	ssettag $0x1  }
0x1: {  	s0 =	rddreg [dreg:$0x0]  }
0x2: {  	s2 =	rddreg [dreg:$0x1]  }
0x3: {  	s12 =	stileid.u32;
	s1 =	srdreg.scid  }
0x4: {  	s3 =	simm.s32 $0x0;
	s16 =	simm.s32 $0xB;
	s29 =	simm.s32 $0x4  }
0x5: {  	s30 =	simm.s32 $0x6500;
	s31 =	simm.s32 $0x6;
	s13 =	simm.s32 $0x480  }
0x6: {  	s28 =	simm.s32 $0x200;
	s5 =	smul.u32 $0x13C00, s12;
	s1 =	sand.u32 $0x1, s1  }
0x7: {  	[smem:$0x7FF] =	sst s3;
	s4 =	sadd.s32 $0x3EE00, s0;
	s9 =	smul.u32 $0x4F000, s12  }
0x8: {  	s8 =	sadd.s32 $0x8DE00, s0;
	s19 =	sshll.u32 s12, $0x6;
	s24 =	smul.u32 $0x1400, s12  }
0x9: {  	s6 =	smul.u32 $0x13C000, s1;
	_ =	strace $0x8000004D;
	s17 =	sshll.u32 s1, $0x4  }
0xa: {  	s18 =	ssub.s32 $0x2, s1;
	s15 =	sor.u32 $0x1C0B, s19;
	s1 =	smul.u32 $0x14000, s1  }
0xb: {  	s19 =	simm.s32 $0x300;
	s7 =	sshrl.u32 s5, $0x3;
	s10 =	sshrl.u32 s18, $0x1  }
0xc: {  	s9 =	sshrl.u32 s9, $0x2;
	[dreg:$0x4] =	wrdreg s15;
	s7 =	sadd.s32 s7, s0  }
0xd: {  	s5 =	sadd.s32 s5, s6;
	s6 =	sor.u32 s12, s17;
	s9 =	sadd.s32 s9, s2  }
0xe: {  	s26 =	sadd.s32 s1, s8;
	s1 =	simm.s32 $0x5;
	s12 =	simm.s32 $0xA  }
0xf: {  	s17 =	simm.s32 $0x0;
	s5 =	sshrl.u32 s5, $0x3;
	s11 =	smul.u32 $0x1400, s6  }
0x10: {  	s7 =	sadd.s32 $0x17600, s7;
	s14 =	sadd.s32 s24, s26;
	s26 =	simm.s32 $0x3  }
0x11: {  	s0 =	sadd.s32 s5, s0;
	s5 =	ssub.s32 s18, s10;
	[dreg:$0x3] =	wrdreg s7  }
0x12: {  	s7 =	sshrl.u32 s9, $0x3;
	s9 =	simm.s32 $0x180;
	s10 =	simm.s32 $0x9  }
0x13: {  	s20 =	sadd.s32 s8, s11;
	s0 =	sadd.s32 $0xB5E00, s0;
	[dreg:$0xc] =	wrdreg s7  }
0x14: {  	s25 =	smax.u32 s5, $0x1;
	s5 =	simm.s32 $0x8500;
	[dreg:$0x5] =	wrdreg s20  }
0x15: {  	s8 =	simm.s32 $0x7;
	s11 =	simm.s32 $0x380;
	[dreg:$0xa] =	wrdreg s0  }
.Ltmp0:
0x16: {  	s21 =	sadd.s32 $0x20, s20;
	[dreg:$0xb] =	wrdreg s25;
	(pc) =	sbr.rel .LBB2_1-.Ltmp0, $4  }
0x17: {  	s22 =	sadd.s32 $0x40, s20;
	s23 =	sadd.s32 $0x60, s20;
	[dreg:$0x6] =	wrdreg s21  }
0x18: {  	s6 =	sadd.s32 $0x80, s20;
	s20 =	simm.s32 $0x400;
	[dreg:$0x7] =	wrdreg s22  }
0x19: {  	s25 =	simm.s32 $0x2500;
	s0 =	simm.s32 $0x80;
	[dreg:$0x8] =	wrdreg s23  }
0x1a: {  	[dreg:$0x9] =	wrdreg s6;
	s22 =	simm.s32 $0x40;
	s23 =	simm.s32 $0x500  }
.LBB2_4:
0x1b: {  	_ =	swait.ge [sflag:s12], $0x2000  }
0x1c: {  	[sflag:s12] =	ssyncset.done $0x0  }
0x1d: {  	[sflag:s12] =	ssyncadd.s32 $0xFFFFE000  }
0x1e: {  	[spmem:s2] =	stream.indirect.scatter.add.f32 [tilespmem:s5], [sflag:$0xB], $0x80, s13, s22, $0xb8;
	[tilespmem:$0x1E100] =	vst v63  }
0x1f: {  	_ =	swait.ge [sflag:s16], $0x2000  }
0x20: {  	[sflag:s16] =	ssyncset.done $0x0  }
0x21: {  	[sflag:s16] =	ssyncadd.s32 $0xFFFFE000  }
0x22: {  	[bflag:$0x0] =	sbarrier.arrive $0xFFFF  }
0x23: {  	s15 =	rddreg [dreg:$0x4]  }
0x24: {  	s6 =	rddreg [dreg:$0xa]  }
0x25: {  	s7 =	rddreg [dreg:$0xc]  }
0x26: {  	[hbm:s6], [sflag:s15] =	dma.local [spmem:s7], $0x2780  }
0x27: {  	_ =	swait.ge [sflag:s16], $0x2780  }
0x28: {  	s17 =	rddreg [dreg:$0xd]  }
0x29: {  	s24 =	rddreg [dreg:$0xb];
	s17 =	sadd.s32 $0x1, s17  }
0x2a: {  	p0 =	sne.s32 s17, s24  }
.Ltmp1:
0x2b: {  	_ = 	snop;
	(pc) =	sbr.rel @!p0 .LBB2_5-.Ltmp1, $3  }
0x2c: {  	_ =	sdelay $0x1  }
0x2d: {  	[sflag:s16] =	ssyncset.done $0x0  }
0x2e: {  	[sflag:s16] =	ssyncadd.s32 $0xFFFFD880  }
.LBB2_1:
0x2f: {  	[dreg:$0xd] =	wrdreg s17  }
0x30: {  	s6 =	rddreg [dreg:$0x3]  }
0x31: {  	[spmem:s7], [sflag:s15] =	dma.local [hbm:s6], $0x2780  }
0x32: {  	_ =	swait.ge [sflag:s16], $0x2780  }
0x33: {  	[sflag:s16] =	ssyncset.done $0x0  }
0x34: {  	[sflag:s16] =	ssyncadd.s32 $0xFFFFD880  }
0x35: {  	[bflag:$0x0] =	sbarrier.arrive $0xFFFF  }
0x36: {  	s17 =	rddreg [dreg:$0x5]  }
0x37: {  	[tilespmem:s3], [sflag:$0x1] =	stream.linear.gather [hbm4b:s17+s3], $0x100, $0x38;
	[tilespmem:$0x1E100] =	vst v63  }
0x38: {  	s7 =	simm.s32 $0x100;
	s18 =	rddreg [dreg:$0x6]  }
0x39: {  	[tilespmem:s7], [sflag:$0x2] =	stream.linear.gather [hbm4b:s18+s3], $0x100, $0x38;
	[tilespmem:$0x1E100] =	vst v63  }
0x3a: {  	s15 =	simm.s32 $0x200;
	s21 =	rddreg [dreg:$0x7]  }
0x3b: {  	[tilespmem:s15], [sflag:$0x3] =	stream.linear.gather [hbm4b:s21+s3], $0x100, $0x38;
	[tilespmem:$0x1E100] =	vst v63  }
0x3c: {  	s24 =	rddreg [dreg:$0x8]  }
0x3d: {  	[tilespmem:s19], [sflag:$0x4] =	stream.linear.gather [hbm4b:s24+s3], $0x100, $0x38;
	[tilespmem:$0x1E100] =	vst v63  }
0x3e: {  	s17 =	rddreg [dreg:$0x9];
	s18 =	simm.s32 $0x1  }
0x3f: {  	[tilespmem:s20], [sflag:$0x5] =	stream.linear.gather [hbm4b:s17+s3], $0x100, $0x38;
	[tilespmem:$0x1E100] =	vst v63  }
0x40: {  	_ =	swait.ge [sflag:s18], $0x100  }
0x41: {  	[sflag:s18] =	ssyncset.done $0x0  }
0x42: {  	s21 =	simm.s32 $0x2;
	[sflag:s18] =	ssyncadd.s32 $0xFFFFFF00  }
0x43: {  	[tilespmem:s23], [sflag:$0x6] =	stream.indirect.gather [hbm4b:s4+s22], $0x80, s3, s22, $0xb8;
	[tilespmem:$0x1E100] =	vst v63  }
0x44: {  	_ =	swait.ge [sflag:s21], $0x100  }
0x45: {  	[sflag:s21] =	ssyncset.done $0x0  }
0x46: {  	[sflag:s21] =	ssyncadd.s32 $0xFFFFFF00  }
0x47: {  	[tilespmem:s25], [sflag:$0x7] =	stream.indirect.gather [hbm4b:s4+s22], $0x80, s7, s22, $0xb8;
	[tilespmem:$0x1E100] =	vst v63  }
0x48: {  	_ =	swait.ge [sflag:s26], $0x100  }
0x49: {  	[sflag:s26] =	ssyncset.done $0x0  }
0x4a: {  	s24 =	simm.s32 $0x4500;
	[sflag:s26] =	ssyncadd.s32 $0xFFFFFF00  }
0x4b: {  	[tilespmem:s24], [sflag:$0x8] =	stream.indirect.gather [hbm4b:s4+s22], $0x80, s15, s22, $0xb8;
	[tilespmem:$0x1E100] =	vst v63  }
0x4c: {  	_ =	swait.ge [sflag:s29], $0x100  }
0x4d: {  	[sflag:s29] =	ssyncset.done $0x0  }
0x4e: {  	s7 =	simm.s32 $0x0;
	[sflag:s29] =	ssyncadd.s32 $0xFFFFFF00  }
0x4f: {  	[tilespmem:s30], [sflag:$0x9] =	stream.indirect.gather [hbm4b:s4+s22], $0x80, s19, s22, $0xb8;
	[tilespmem:$0x1E100] =	vst v63  }
.LBB2_2:
0x50: {  	_ =	swait.ge [sflag:s31], $0x2000  }
0x51: {  	[sflag:s31] =	ssyncset.done $0x0  }
0x52: {  	[sflag:s31] =	ssyncadd.s32 $0xFFFFE000  }
0x53: {  	[spmem:s2] =	stream.indirect.scatter.add.f32 [tilespmem:s23], [sflag:$0xB], $0x80, s0, s22, $0xb8;
	[tilespmem:$0x1E100] =	vst v63  }
0x54: {  	p0 =	seq.s32 s7, $0x1360;
	_ =	swait.ge [sflag:s16], $0x2000  }
0x55: {  	s21 =	sadd.s32 @!p0 s7, s14;
	[sflag:s16] =	ssyncset.done $0x0  }
0x56: {  	s6 =	simm.s32 @!p0 $0x0;
	s24 =	sadd.s32 @!p0 $0xA0, s21;
	[sflag:s16] =	ssyncadd.s32 $0xFFFFE000  }
0x57: {  	[tilespmem:s6], [sflag:$0x1] =	stream.linear.gather @!p0 [hbm4b:s24+s6], $0x100, $0x38;
	[tilespmem:$0x1E100] =	vst v63  }
0x58: {  	_ =	swait.ge [sflag:s1], $0x100  }
0x59: {  	[sflag:s1] =	ssyncset.done $0x0  }
0x5a: {  	[sflag:s1] =	ssyncadd.s32 $0xFFFFFF00  }
0x5b: {  	[tilespmem:s5], [sflag:$0xA] =	stream.indirect.gather [hbm4b:s4+s22], $0x80, s20, s22, $0xb8;
	[tilespmem:$0x1E100] =	vst v63  }
0x5c: {  	_ =	swait.ge [sflag:s8], $0x2000  }
0x5d: {  	[sflag:s8] =	ssyncset.done $0x0  }
0x5e: {  	[sflag:s8] =	ssyncadd.s32 $0xFFFFE000  }
0x5f: {  	[spmem:s2] =	stream.indirect.scatter.add.f32 [tilespmem:s25], [sflag:$0xB], $0x80, s9, s22, $0xb8;
	[tilespmem:$0x1E100] =	vst v63  }
0x60: {  	_ =	swait.ge [sflag:s16], $0x2000  }
0x61: {  	[sflag:s16] =	ssyncset.done $0x0  }
0x62: {  	s24 =	simm.s32 @p0 $0x8;
	[sflag:s16] =	ssyncadd.s32 $0xFFFFE000  }
0x63: {  	_ =	swait.ge @p0 [sflag:s24], $0x2000  }
0x64: {  	s15 =	simm.s32 @p0 $0x280;
	[sflag:s24] =	ssyncset.done @p0 $0x0  }
0x65: {  	s17 =	simm.s32 @p0 $0x4500;
	[sflag:s24] =	ssyncadd.s32 @p0 $0xFFFFE000;
	s24 =	simm.s32 @p0 $0x40  }
0x66: {  	[spmem:s2] =	stream.indirect.scatter.add.f32 @p0 [tilespmem:s17], [sflag:$0xB], $0x80, s15, s24, $0xb8;
	[tilespmem:$0x1E100] =	vst v63  }
0x67: {  	s15 =	simm.s32 @p0 $0xB  }
0x68: {  	_ =	swait.ge @p0 [sflag:s15], $0x2000  }
0x69: {  	[sflag:s15] =	ssyncset.done @p0 $0x0  }
0x6a: {  	s17 =	simm.s32 @!p0 $0x100;
	[sflag:s15] =	ssyncadd.s32 @p0 $0xFFFFE000;
	s15 =	sadd.s32 @!p0 $0xC0, s21  }
0x6b: {  	[tilespmem:s17], [sflag:$0x2] =	stream.linear.gather @!p0 [hbm4b:s15+s6], $0x100, $0x38;
	[tilespmem:$0x1E100] =	vst v63  }
0x6c: {  	s15 =	simm.s32 @!p0 $0x1  }
0x6d: {  	_ =	swait.ge @!p0 [sflag:s15], $0x100  }
0x6e: {  	[sflag:s15] =	ssyncset.done @!p0 $0x0  }
0x6f: {  	s24 =	simm.s32 @!p0 $0x500;
	[sflag:s15] =	ssyncadd.s32 @!p0 $0xFFFFFF00;
	s15 =	simm.s32 @!p0 $0x40  }
0x70: {  	[tilespmem:s24], [sflag:$0x6] =	stream.indirect.gather @!p0 [hbm4b:s4+s15], $0x80, s6, s15, $0xb8;
	[tilespmem:$0x1E100] =	vst v63  }
0x71: {  	s24 =	simm.s32 @!p0 $0x8  }
0x72: {  	_ =	swait.ge @!p0 [sflag:s24], $0x2000  }
0x73: {  	[sflag:s24] =	ssyncset.done @!p0 $0x0  }
0x74: {  	s18 =	simm.s32 @!p0 $0x4500;
	[sflag:s24] =	ssyncadd.s32 @!p0 $0xFFFFE000;
	s24 =	simm.s32 @!p0 $0x280  }
0x75: {  	[spmem:s2] =	stream.indirect.scatter.add.f32 @!p0 [tilespmem:s18], [sflag:$0xB], $0x80, s24, s15, $0xb8;
	[tilespmem:$0x1E100] =	vst v63  }
0x76: {  	s18 =	simm.s32 @!p0 $0xB  }
0x77: {  	_ =	swait.ge @!p0 [sflag:s18], $0x2000  }
0x78: {  	[sflag:s18] =	ssyncset.done @!p0 $0x0  }
0x79: {  	[sflag:s18] =	ssyncadd.s32 @!p0 $0xFFFFE000;
	s18 =	sadd.s32 @!p0 $0xE0, s21;
	s21 =	simm.s32 @!p0 $0x200  }
0x7a: {  	[tilespmem:s21], [sflag:$0x3] =	stream.linear.gather @!p0 [hbm4b:s18+s6], $0x100, $0x38;
	[tilespmem:$0x1E100] =	vst v63  }
0x7b: {  	s6 =	simm.s32 @!p0 $0x2  }
0x7c: {  	_ =	swait.ge @!p0 [sflag:s6], $0x100  }
0x7d: {  	[sflag:s6] =	ssyncset.done @!p0 $0x0  }
0x7e: {  	[sflag:s6] =	ssyncadd.s32 @!p0 $0xFFFFFF00;
	s6 =	simm.s32 @!p0 $0x2500  }
0x7f: {  	[tilespmem:s6], [sflag:$0x7] =	stream.indirect.gather @!p0 [hbm4b:s4+s15], $0x80, s17, s15, $0xb8;
	[tilespmem:$0x1E100] =	vst v63  }
0x80: {  	_ =	swait.ge [sflag:s10], $0x2000  }
0x81: {  	[sflag:s10] =	ssyncset.done $0x0  }
.Ltmp2:
0x82: {  	[sflag:s10] =	ssyncadd.s32 $0xFFFFE000;
	(pc) =	sbr.rel @p0 .LBB2_4-.Ltmp2, $4  }
0x83: {  	[spmem:s2] =	stream.indirect.scatter.add.f32 [tilespmem:s30], [sflag:$0xB], $0x80, s11, s22, $0xb8;
	[tilespmem:$0x1E100] =	vst v63  }
0x84: {  	_ =	swait.ge [sflag:s16], $0x2000  }
0x85: {  	[sflag:s16] =	ssyncset.done $0x0  }
0x86: {  	[sflag:s16] =	ssyncadd.s32 $0xFFFFE000  }
0x87: {  	s6 =	sadd.s32 s7, s14  }
0x88: {  	s15 =	sadd.s32 $0x100, s6  }
0x89: {  	[tilespmem:s19], [sflag:$0x4] =	stream.linear.gather [hbm4b:s15+s3], $0x100, $0x38;
	[tilespmem:$0x1E100] =	vst v63  }
0x8a: {  	_ =	swait.ge [sflag:s26], $0x100  }
0x8b: {  	[sflag:s26] =	ssyncset.done $0x0  }
0x8c: {  	s24 =	simm.s32 $0x4500;
	[sflag:s26] =	ssyncadd.s32 $0xFFFFFF00  }
0x8d: {  	[tilespmem:s24], [sflag:$0x8] =	stream.indirect.gather [hbm4b:s4+s22], $0x80, s28, s22, $0xb8;
	[tilespmem:$0x1E100] =	vst v63  }
0x8e: {  	_ =	swait.ge [sflag:s12], $0x2000  }
0x8f: {  	[sflag:s12] =	ssyncset.done $0x0  }
0x90: {  	[sflag:s12] =	ssyncadd.s32 $0xFFFFE000  }
0x91: {  	[spmem:s2] =	stream.indirect.scatter.add.f32 [tilespmem:s5], [sflag:$0xB], $0x80, s13, s22, $0xb8;
	[tilespmem:$0x1E100] =	vst v63  }
0x92: {  	_ =	swait.ge [sflag:s16], $0x2000  }
0x93: {  	[sflag:s16] =	ssyncset.done $0x0  }
0x94: {  	s6 =	sadd.s32 $0x120, s6;
	[sflag:s16] =	ssyncadd.s32 $0xFFFFE000  }
0x95: {  	[tilespmem:s20], [sflag:$0x5] =	stream.linear.gather [hbm4b:s6+s3], $0x100, $0x38;
	[tilespmem:$0x1E100] =	vst v63  }
.Ltmp3:
0x96: {  	_ = 	snop;
	(pc) =	sbr.rel .LBB2_2-.Ltmp3, $4  }
0x97: {  	_ =	swait.ge [sflag:s29], $0x100  }
0x98: {  	[sflag:s29] =	ssyncset.done $0x0  }
0x99: {  	s7 =	sadd.s32 $0xA0, s7;
	[sflag:s29] =	ssyncadd.s32 $0xFFFFFF00  }
0x9a: {  	[tilespmem:s30], [sflag:$0x9] =	stream.indirect.gather [hbm4b:s4+s22], $0x80, s19, s22, $0xb8;
	[tilespmem:$0x1E100] =	vst v63  }
.LBB2_5:
0x9b: {  	_ =	sfence.sel $0x180000  }
0x9c: {  	[bflag:$0x0] =	sbarrier.arrive $0xFFFF  }
0x9d: {  	_ =	strace $0x9000004D  }
0x9e: {  	s0 =	stileid.u32;
	[bflag:$0x2] =	sbarrier.arrive $0xFFFF  }
0x9f: {  	p0 =	sne.s32 s0, $0x0;
	s0 =	rddreg [dreg:$0x2]  }
0xa0: {  	s0 =	sadd.s32 @!p0 $0x100000, s0  }
0xa1: {  	[sflag:s0] =	ssyncadd.tile.s32 @!p0 $0x1;
	_ =	shalt  }
.Lfunc_end2:
_tile_overlayer_lowered:
.L_overlay_start_2:
0xa2: {  	(tag) =	ssettag $0x2  }
0xa3: {  	s0 =	rddreg [dreg:$0x0];
	s2 =	stileid.u32  }
0xa4: {  	s1 =	rddreg [dreg:$0x1];
	p0 =	sne.s32 s2, $0x0  }
0xa5: {  	s3 =	rddreg [dreg:$0x2];
	[bflag:$0x3] =	sbarrier.arrive $0xFFFF;
	s2 =	simm.s32 @!p0 $0x1C0B  }
0xa6: {  	[timem:s3], [sflag:s2] =	dma.local @!p0 [hbm:s0], s1  }
0xa7: {  	s0 =	simm.s32 @!p0 $0xB  }
0xa8: {  	_ =	swait.ge @!p0 [sflag:s0], s1  }
0xa9: {  	s1 =	ssub.s32 @!p0 $0x0, s1;
	[sflag:s0] =	ssyncset.done @!p0 $0x0  }
0xaa: {  	[sflag:s0] =	ssyncadd.s32 @!p0 s1  }
0xab: {  	[bflag:$0x3] =	sbarrier.arrive $0xFFFF  }
0xac: {  	_ =	shalt  }

// kernel: kernel.19.cloned.1.call-start
scs
__scs_entry_jumppad:
0x0: {  	(pc) =	sbr.rel $0x88, $3  }
0x1: {  	(tag) =	ssettag $0x0;
	lr =	simm.s32 $0x1  }
0x2: {  	[smem:$0x3F97] =	sst lr;
	_ =	strace $0xD0000000  }
0x3: {  	_ = 	snop  }
0x4: {  	_ = 	snop  }
0x5: {  	_ = 	snop  }
0x6: {  	_ = 	snop  }
0x7: {  	_ = 	snop  }
__scs_overlays_trampoline_lowered:
0x8: {  	[smem:$0x3FA6] =	sst s0  }
0x9: {  	[smem:$0x3FA7] =	sst s1  }
0xa: {  	[smem:$0x3FA8] =	sst s2  }
0xb: {  	[smem:$0x3FA9] =	sst s3  }
0xc: {  	[smem:$0x3FAA] =	sst s4  }
0xd: {  	[smem:$0x3FAB] =	sst s5  }
0xe: {  	[smem:$0x3FAC] =	sst s6  }
0xf: {  	[smem:$0x3FAD] =	sst s7  }
0x10: {  	[smem:$0x3FAE] =	sst s8  }
0x11: {  	[smem:$0x3FAF] =	sst s9;
	s0 =	simm.s32 @!p0 $0x0  }
0x12: {  	s1 =	sld [smem:$0x3F95];
	s0 =	simm.s32 @p0 $0x1  }
0x13: {  	[smem:$0x3FB0] =	sst s0;
	s0 =	simm.s32 @!p1 $0x0  }
0x14: {  	s2 =	sld [smem:$0x3F94];
	s0 =	simm.s32 @p1 $0x1  }
0x15: {  	[smem:$0x3FB1] =	sst s0;
	s0 =	simm.s32 @!p2 $0x0  }
0x16: {  	s3 =	sld [smem:$0x3FDB];
	s0 =	simm.s32 @p2 $0x1  }
0x17: {  	s4 =	simm.s32 $0x1BF5;
	[smem:$0x3FB3] =	sst s0  }
0x18: {  	s0 =	sld [smem:$0x3F96];
	_ =	swait.ge [sflag:s4], $0x0  }
0x19: {  	s7 =	sld [smem:$0x3F97]  }
0x1a: {  	s8 =	sadd.s32 $0xFFFFE003, lr  }
0x1b: {  	s9 =	sadd.s32 $0xFFFFFEF7, lr;
	s5 =	simm.s32 $0xFFFFFFFF;
	p2 =	slt.u32 s8, $0xFFFFF086  }
0x1c: {  	p1 =	slt.u32 s9, $0xF7A;
	s5 =	simm.s32 @!p2 $0x0  }
0x1d: {  	s5 =	simm.s32 @p1 $0x1;
	p0 =	seq.s32 s7, s2  }
0x1e: {  	s7 =	smul.u32 @!p0 $0xF7A, s2;
	p2 =	seq.s32 @!p0 s5, $0x0  }
0x1f: {  	s9 =	smul.u32 $0xF7A, s1;
	s8 =	simm.s32 @!p0 $0x1BF5;
	p2 =	por !p2, p0  }
0x20: {  	[sflag:s8] =	ssyncset.s32 @!p0 $0xFFFFF086;
	s6 =	sadd.s32 @!p0 s3, s7;
	s7 =	simm.s32 @!p0 $0x108  }
0x21: {  	s3 =	sadd.s32 s3, s9;
	s6 =	sadd.s32 @!p0 $0x88, s6;
	s7 =	simm.s32 @p2 $0x1082  }
0x22: {  	[simem:s7], [sflag:s8] =	dma.local @!p0 [hbm:s6], $0xF7A  }
0x23: {  	s9 =	sor.u32 $0xD0000000, s2;
	s6 =	simm.s32 $0x108;
	_ =	swait.ge @!p0 [sflag:s8], $0x0  }
0x24: {  	s3 =	sadd.s32 $0x88, s3;
	s6 =	simm.s32 @!p1 $0x1082;
	[sflag:s4] =	ssyncset.s32 $0xFFFFF086  }
0x25: {  	[simem:s6], [sflag:s4] =	dma.local [hbm:s3], $0xF7A  }
0x26: {  	[smem:$0x3F97] =	sst s1;
	(tag) =	ssettag s2;
	_ =	strace s9  }
0x27: {  	s1 =	sld [smem:$0x3FA7]  }
0x28: {  	s2 =	sld [smem:$0x3FA8]  }
0x29: {  	s4 =	sld [smem:$0x3FAA]  }
0x2a: {  	p0 =	seq.s32 s5, $0x0;
	s5 =	sld [smem:$0x3FAB]  }
0x2b: {  	s6 =	sld [smem:$0x3FAC]  }
0x2c: {  	s7 =	sld [smem:$0x3FAD]  }
0x2d: {  	s3 =	simm.s32 $0x108;
	s8 =	sld [smem:$0x3FAE]  }
0x2e: {  	s3 =	simm.s32 @!p0 $0x1082;
	s9 =	sld [smem:$0x3FAF]  }
0x2f: {  	lr =	sadd.s32 s0, s3;
	s0 =	sld [smem:$0x3FA6]  }
0x30: {  	s3 =	sld [smem:$0x3FA9]  }
0x31: {  	[smem:$0x3FB2] =	sst s10  }
0x32: {  	s10 =	sld [smem:$0x3FB0];
	_ =	sdelay $0x3  }
0x33: {  	p0 =	seq.s32 s10, $0x1;
	s10 =	sld [smem:$0x3FB2];
	_ =	sdelay $0x3  }
0x34: {  	[smem:$0x3FB2] =	sst s10  }
0x35: {  	s10 =	sld [smem:$0x3FB1];
	_ =	sdelay $0x3  }
0x36: {  	p1 =	seq.s32 s10, $0x1;
	s10 =	sld [smem:$0x3FB2];
	_ =	sdelay $0x3  }
0x37: {  	[smem:$0x3FB2] =	sst s10  }
0x38: {  	s10 =	sld [smem:$0x3FB3]  }
0x39: {  	_ = 	snop;
	(pc) =	sbr.ind lr, $3  }
0x3a: {  	_ = 	snop  }
0x3b: {  	_ = 	snop  }
0x3c: {  	p2 =	seq.s32 s10, $0x1;
	s10 =	sld [smem:$0x3FB2]  }
0x3d: {  	_ =	shalt  }
0x3e: {  	_ =	shalt  }
0x3f: {  	_ =	shalt  }
0x40: {  	_ =	shalt  }
0x41: {  	_ =	shalt  }
0x42: {  	_ =	shalt  }
0x43: {  	_ =	shalt  }
0x44: {  	_ =	shalt  }
0x45: {  	_ =	shalt  }
0x46: {  	_ =	shalt  }
0x47: {  	_ =	shalt  }
0x48: {  	_ =	shalt  }
0x49: {  	_ =	shalt  }
0x4a: {  	_ =	shalt  }
0x4b: {  	_ =	shalt  }
0x4c: {  	_ =	shalt  }
0x4d: {  	_ =	shalt  }
0x4e: {  	_ =	shalt  }
0x4f: {  	_ =	shalt  }
0x50: {  	_ =	shalt  }
0x51: {  	_ =	shalt  }
0x52: {  	_ =	shalt  }
0x53: {  	_ =	shalt  }
0x54: {  	_ =	shalt  }
0x55: {  	_ =	shalt  }
0x56: {  	_ =	shalt  }
0x57: {  	_ =	shalt  }
0x58: {  	_ =	shalt  }
0x59: {  	_ =	shalt  }
0x5a: {  	_ =	shalt  }
0x5b: {  	_ =	shalt  }
0x5c: {  	_ =	shalt  }
0x5d: {  	_ =	shalt  }
0x5e: {  	_ =	shalt  }
0x5f: {  	_ =	shalt  }
0x60: {  	_ =	shalt  }
0x61: {  	_ =	shalt  }
0x62: {  	_ =	shalt  }
0x63: {  	_ =	shalt  }
0x64: {  	_ =	shalt  }
0x65: {  	_ =	shalt  }
0x66: {  	_ =	shalt  }
0x67: {  	_ =	shalt  }
0x68: {  	_ =	shalt  }
0x69: {  	_ =	shalt  }
0x6a: {  	_ =	shalt  }
0x6b: {  	_ =	shalt  }
0x6c: {  	_ =	shalt  }
0x6d: {  	_ =	shalt  }
0x6e: {  	_ =	shalt  }
0x6f: {  	_ =	shalt  }
0x70: {  	_ =	shalt  }
0x71: {  	_ =	shalt  }
0x72: {  	_ =	shalt  }
0x73: {  	_ =	shalt  }
0x74: {  	_ =	shalt  }
0x75: {  	_ =	shalt  }
0x76: {  	_ =	shalt  }
0x77: {  	_ =	shalt  }
0x78: {  	_ =	shalt  }
0x79: {  	_ =	shalt  }
0x7a: {  	_ =	shalt  }
0x7b: {  	_ =	shalt  }
0x7c: {  	_ =	shalt  }
0x7d: {  	_ =	shalt  }
0x7e: {  	_ =	shalt  }
0x7f: {  	_ =	shalt  }
0x80: {  	_ =	shalt  }
0x81: {  	_ =	shalt  }
0x82: {  	_ =	shalt  }
0x83: {  	_ =	shalt  }
0x84: {  	_ =	shalt  }
0x85: {  	_ =	shalt  }
0x86: {  	_ =	shalt  }
0x87: {  	_ =	shalt  }
.Lfunc_end0:
.L_simem_size_0:
called_computation.3_lowered:
.L_overlay_start_0:
0x88: {  	s2 =	sld [smem:$0x3FD9]  }
0x89: {  	s3 =	sld [smem:$0x3FFE];
	_ =	sdelay $0x1  }
0x8a: {  	s1 =	srdreg.scid  }
0x8b: {  	s0 =	sand.u32 $0x1, s1  }
0x8c: {  	s16 =	sshll.u32 s0, $0xA;
	s2 =	sadd.s32 s3, s2  }
0x8d: {  	s2 =	sadd.s32 s2, s16  }
0x8e: {  	[smem:$0x3FBE] =	sst s2  }
0x8f: {  	_ = 	snop  }
0x90: {  	(tm) =	ssettm $0x1  }
0x91: {  	s17 =	sld [smem:$0x3FFB];
	_ =	sdelay $0x3  }
0x92: {  	_ =	strace s17  }
0x93: {  	s2 =	sld [smem:$0x3FFC];
	_ =	sdelay $0x3  }
0x94: {  	_ =	strace s2  }
0x95: {  	s2 =	sld [smem:$0x3FFD];
	_ =	sdelay $0x3  }
0x96: {  	_ =	strace s2  }
0x97: {  	_ =	strace $0x8FFFFFFF  }
0x98: {  	s18 =	sld [smem:$0x3FDB];
	_ =	sdelay $0x1  }
0x99: {  	s19 =	simm.s32 $_scs_section_size  }
0x9a: {  	s4 =	simm.s32 $_size__tile_overlayer_lowered;
	s5 =	simm.s32 $_tile_overlayer_lowered  }
0x9b: {  	s22 =	simm.s32 $0x1BFF;
	s21 =	sshll.u32 s5, $0x1;
	s2 =	sadd.s32 s19, s18  }
0x9c: {  	s6 =	simm.s32 $0x0;
	s20 =	sshll.u32 s4, $0x1;
	s4 =	sadd.s32 s21, s2  }
0x9d: {  	[timem:s6], [sflag:s22] =	dma.local [hbm:s4], s20  }
0x9e: {  	_ =	swait.ge [sflag:s22], s20  }
0x9f: {  	s3 =	ssub.s32 $0x0, s20;
	[sflag:s22] =	ssyncset.done $0x0  }
0xa0: {  	[sflag:s22] =	ssyncadd.s32 s3;
	_ =	sdelay $0x1  }
0xa1: {  	s23 =	simm.s32 $0x1B8B  }
0xa2: {  	_ =	swait.ge [sflag:s23], $0x1  }
0xa3: {  	[sflag:s23] =	ssyncset.done $0x0  }
0xa4: {  	s25 =	simm.s32 $0x1B8E;
	s24 =	sld [smem:$0x3FFE];
	[sflag:s23] =	ssyncadd.s32 $0xFFFFFFFF  }
0xa5: {  	s26 =	simm.s32 $execute0_lowered;
	[smem:$0x3FD2] =	sst s25  }
0xa6: {  	s4 =	sshll.u32 s26, $0x1;
	_ =	strace $0x8000004F;
	[dreg:$0x1] =	wrdreg $0xFFFFFFFF  }
0xa7: {  	s28 =	simm.s32 $_size_execute0_lowered;
	s2 =	sadd.s32 s2, s4;
	[dreg:$0x0] =	wrdreg $0x0  }
0xa8: {  	s4 =	sshll.u32 s28, $0x1;
	[dreg:$0x2] =	wrdreg s2  }
0xa9: {  	[dreg:$0x3] =	wrdreg s4  }
0xaa: {  	[dreg:$0x4] =	wrdreg $0xC0  }
0xab: {  	_ =	task [dreg:s6], $0x5FFFF  }
0xac: {  	[dreg:$0x1] =	wrdreg $0xFFFFFFFF  }
0xad: {  	[dreg:$0x0] =	wrdreg $0x60  }
0xae: {  	[dreg:$0x2] =	wrdreg s24  }
0xaf: {  	[dreg:$0x3] =	wrdreg $0xA5000  }
0xb0: {  	[dreg:$0x4] =	wrdreg $0x9  }
0xb1: {  	_ =	task.clear_ibuf [dreg:s6], $0x5FFFF;
	_ =	strace $0x9000004F  }
0xb2: {  	s29 =	simm.s32 $0x9;
	_ =	strace $0x80000051  }
0xb3: {  	_ =	swait.ge [sflag:s29], $0x1  }
0xb4: {  	[sflag:s29] =	ssyncadd.s32 $0xFFFFFFFF  }
0xb5: {  	_ =	strace $0x90000051  }
0xb6: {  	_ =	sfence  }
0xb7: {  	s30 =	sld [smem:$0x0];
	_ =	sdelay $0x2  }
0xb8: {  	s31 =	sshll.u32 s1, $0xD;
	s1 =	sshrl.u32 s1, $0x2  }
0xb9: {  	s3 =	sand.u32 $0x4000, s31;
	s1 =	sadd.s32 s1, s30  }
0xba: {  	s0 =	sor.u32 s3, s0;
	s1 =	sshll.u32 s1, $0x11  }
0xbb: {  	s0 =	sor.u32 s1, s0  }
0xbc: {  	s0 =	sadd.s32 $0x8F2B, s0  }
0xbd: {  	[sflag:s0] =	ssyncadd.remote.s32 $0x1  }
0xbe: {  	_ =	sfence.sel $0xFFFF  }
0xbf: {  	[dreg:$0x0] =	wrdreg $0xFFFFFFFF;
	(pc) =	sbr.abs _section_cstart, $3  }
0xc0: {  	[dreg:$0x1] =	wrdreg $0xFFFFFFFF  }
0xc1: {  	_ =	task.clear_ibuf [dreg:s6], $0x2FFFF;
	_ =	strace $0x9FFFFFFF  }
0xc2: {  	(tm) =	ssettm $0x7FFFFFFF  }
0xc3: {  	_ =	shalt  }
tec
execute0_lowered:
.L_overlay_start_1:
0x0: {  	(tag) =	ssettag $0x1  }
0x1: {  	s0 =	rddreg [dreg:$0x0]  }
0x2: {  	s2 =	rddreg [dreg:$0x1]  }
0x3: {  	s12 =	stileid.u32;
	s1 =	srdreg.scid  }
0x4: {  	s3 =	simm.s32 $0x0;
	s16 =	simm.s32 $0xB;
	s29 =	simm.s32 $0x4  }
0x5: {  	s30 =	simm.s32 $0x6500;
	s31 =	simm.s32 $0x6;
	s13 =	simm.s32 $0x480  }
0x6: {  	s28 =	simm.s32 $0x200;
	s5 =	smul.u32 $0x13C00, s12;
	s1 =	sand.u32 $0x1, s1  }
0x7: {  	[smem:$0x7FF] =	sst s3;
	s4 =	sadd.s32 $0x3EE00, s0;
	s9 =	smul.u32 $0x4F000, s12  }
0x8: {  	s8 =	sadd.s32 $0x8DE00, s0;
	s19 =	sshll.u32 s12, $0x6;
	s24 =	smul.u32 $0x1400, s12  }
0x9: {  	s6 =	smul.u32 $0x13C000, s1;
	_ =	strace $0x80000050;
	s17 =	sshll.u32 s1, $0x4  }
0xa: {  	s18 =	ssub.s32 $0x2, s1;
	s15 =	sor.u32 $0x1C0B, s19;
	s1 =	smul.u32 $0x14000, s1  }
0xb: {  	s19 =	simm.s32 $0x300;
	s7 =	sshrl.u32 s5, $0x3;
	s10 =	sshrl.u32 s18, $0x1  }
0xc: {  	s9 =	sshrl.u32 s9, $0x2;
	[dreg:$0x4] =	wrdreg s15;
	s7 =	sadd.s32 s7, s0  }
0xd: {  	s5 =	sadd.s32 s5, s6;
	s6 =	sor.u32 s12, s17;
	s9 =	sadd.s32 s9, s2  }
0xe: {  	s26 =	sadd.s32 s1, s8;
	s1 =	simm.s32 $0x5;
	s12 =	simm.s32 $0xA  }
0xf: {  	s17 =	simm.s32 $0x0;
	s5 =	sshrl.u32 s5, $0x3;
	s11 =	smul.u32 $0x1400, s6  }
0x10: {  	s7 =	sadd.s32 $0x17600, s7;
	s14 =	sadd.s32 s24, s26;
	s26 =	simm.s32 $0x3  }
0x11: {  	s0 =	sadd.s32 s5, s0;
	s5 =	ssub.s32 s18, s10;
	[dreg:$0x3] =	wrdreg s7  }
0x12: {  	s7 =	sshrl.u32 s9, $0x3;
	s9 =	simm.s32 $0x180;
	s10 =	simm.s32 $0x9  }
0x13: {  	s20 =	sadd.s32 s8, s11;
	s0 =	sadd.s32 $0xB5E00, s0;
	[dreg:$0xc] =	wrdreg s7  }
0x14: {  	s25 =	smax.u32 s5, $0x1;
	s5 =	simm.s32 $0x8500;
	[dreg:$0x5] =	wrdreg s20  }
0x15: {  	s8 =	simm.s32 $0x7;
	s11 =	simm.s32 $0x380;
	[dreg:$0xa] =	wrdreg s0  }
.Ltmp0:
0x16: {  	s21 =	sadd.s32 $0x20, s20;
	[dreg:$0xb] =	wrdreg s25;
	(pc) =	sbr.rel .LBB2_1-.Ltmp0, $4  }
0x17: {  	s22 =	sadd.s32 $0x40, s20;
	s23 =	sadd.s32 $0x60, s20;
	[dreg:$0x6] =	wrdreg s21  }
0x18: {  	s6 =	sadd.s32 $0x80, s20;
	s20 =	simm.s32 $0x400;
	[dreg:$0x7] =	wrdreg s22  }
0x19: {  	s25 =	simm.s32 $0x2500;
	s0 =	simm.s32 $0x80;
	[dreg:$0x8] =	wrdreg s23  }
0x1a: {  	[dreg:$0x9] =	wrdreg s6;
	s22 =	simm.s32 $0x40;
	s23 =	simm.s32 $0x500  }
.LBB2_4:
0x1b: {  	_ =	swait.ge [sflag:s12], $0x2000  }
0x1c: {  	[sflag:s12] =	ssyncset.done $0x0  }
0x1d: {  	[sflag:s12] =	ssyncadd.s32 $0xFFFFE000  }
0x1e: {  	[spmem:s2] =	stream.indirect.scatter.add.f32 [tilespmem:s5], [sflag:$0xB], $0x80, s13, s22, $0xb8;
	[tilespmem:$0x1E100] =	vst v63  }
0x1f: {  	_ =	swait.ge [sflag:s16], $0x2000  }
0x20: {  	[sflag:s16] =	ssyncset.done $0x0  }
0x21: {  	[sflag:s16] =	ssyncadd.s32 $0xFFFFE000  }
0x22: {  	[bflag:$0x0] =	sbarrier.arrive $0xFFFF  }
0x23: {  	s15 =	rddreg [dreg:$0x4]  }
0x24: {  	s6 =	rddreg [dreg:$0xa]  }
0x25: {  	s7 =	rddreg [dreg:$0xc]  }
0x26: {  	[hbm:s6], [sflag:s15] =	dma.local [spmem:s7], $0x2780  }
0x27: {  	_ =	swait.ge [sflag:s16], $0x2780  }
0x28: {  	s17 =	rddreg [dreg:$0xd]  }
0x29: {  	s24 =	rddreg [dreg:$0xb];
	s17 =	sadd.s32 $0x1, s17  }
0x2a: {  	p0 =	sne.s32 s17, s24  }
.Ltmp1:
0x2b: {  	_ = 	snop;
	(pc) =	sbr.rel @!p0 .LBB2_5-.Ltmp1, $3  }
0x2c: {  	_ =	sdelay $0x1  }
0x2d: {  	[sflag:s16] =	ssyncset.done $0x0  }
0x2e: {  	[sflag:s16] =	ssyncadd.s32 $0xFFFFD880  }
.LBB2_1:
0x2f: {  	[dreg:$0xd] =	wrdreg s17  }
0x30: {  	s6 =	rddreg [dreg:$0x3]  }
0x31: {  	[spmem:s7], [sflag:s15] =	dma.local [hbm:s6], $0x2780  }
0x32: {  	_ =	swait.ge [sflag:s16], $0x2780  }
0x33: {  	[sflag:s16] =	ssyncset.done $0x0  }
0x34: {  	[sflag:s16] =	ssyncadd.s32 $0xFFFFD880  }
0x35: {  	[bflag:$0x0] =	sbarrier.arrive $0xFFFF  }
0x36: {  	s17 =	rddreg [dreg:$0x5]  }
0x37: {  	[tilespmem:s3], [sflag:$0x1] =	stream.linear.gather [hbm4b:s17+s3], $0x100, $0x38;
	[tilespmem:$0x1E100] =	vst v63  }
0x38: {  	s7 =	simm.s32 $0x100;
	s18 =	rddreg [dreg:$0x6]  }
0x39: {  	[tilespmem:s7], [sflag:$0x2] =	stream.linear.gather [hbm4b:s18+s3], $0x100, $0x38;
	[tilespmem:$0x1E100] =	vst v63  }
0x3a: {  	s15 =	simm.s32 $0x200;
	s21 =	rddreg [dreg:$0x7]  }
0x3b: {  	[tilespmem:s15], [sflag:$0x3] =	stream.linear.gather [hbm4b:s21+s3], $0x100, $0x38;
	[tilespmem:$0x1E100] =	vst v63  }
0x3c: {  	s24 =	rddreg [dreg:$0x8]  }
0x3d: {  	[tilespmem:s19], [sflag:$0x4] =	stream.linear.gather [hbm4b:s24+s3], $0x100, $0x38;
	[tilespmem:$0x1E100] =	vst v63  }
0x3e: {  	s17 =	rddreg [dreg:$0x9];
	s18 =	simm.s32 $0x1  }
0x3f: {  	[tilespmem:s20], [sflag:$0x5] =	stream.linear.gather [hbm4b:s17+s3], $0x100, $0x38;
	[tilespmem:$0x1E100] =	vst v63  }
0x40: {  	_ =	swait.ge [sflag:s18], $0x100  }
0x41: {  	[sflag:s18] =	ssyncset.done $0x0  }
0x42: {  	s21 =	simm.s32 $0x2;
	[sflag:s18] =	ssyncadd.s32 $0xFFFFFF00  }
0x43: {  	[tilespmem:s23], [sflag:$0x6] =	stream.indirect.gather [hbm4b:s4+s22], $0x80, s3, s22, $0xb8;
	[tilespmem:$0x1E100] =	vst v63  }
0x44: {  	_ =	swait.ge [sflag:s21], $0x100  }
0x45: {  	[sflag:s21] =	ssyncset.done $0x0  }
0x46: {  	[sflag:s21] =	ssyncadd.s32 $0xFFFFFF00  }
0x47: {  	[tilespmem:s25], [sflag:$0x7] =	stream.indirect.gather [hbm4b:s4+s22], $0x80, s7, s22, $0xb8;
	[tilespmem:$0x1E100] =	vst v63  }
0x48: {  	_ =	swait.ge [sflag:s26], $0x100  }
0x49: {  	[sflag:s26] =	ssyncset.done $0x0  }
0x4a: {  	s24 =	simm.s32 $0x4500;
	[sflag:s26] =	ssyncadd.s32 $0xFFFFFF00  }
0x4b: {  	[tilespmem:s24], [sflag:$0x8] =	stream.indirect.gather [hbm4b:s4+s22], $0x80, s15, s22, $0xb8;
	[tilespmem:$0x1E100] =	vst v63  }
0x4c: {  	_ =	swait.ge [sflag:s29], $0x100  }
0x4d: {  	[sflag:s29] =	ssyncset.done $0x0  }
0x4e: {  	s7 =	simm.s32 $0x0;
	[sflag:s29] =	ssyncadd.s32 $0xFFFFFF00  }
0x4f: {  	[tilespmem:s30], [sflag:$0x9] =	stream.indirect.gather [hbm4b:s4+s22], $0x80, s19, s22, $0xb8;
	[tilespmem:$0x1E100] =	vst v63  }
.LBB2_2:
0x50: {  	_ =	swait.ge [sflag:s31], $0x2000  }
0x51: {  	[sflag:s31] =	ssyncset.done $0x0  }
0x52: {  	[sflag:s31] =	ssyncadd.s32 $0xFFFFE000  }
0x53: {  	[spmem:s2] =	stream.indirect.scatter.add.f32 [tilespmem:s23], [sflag:$0xB], $0x80, s0, s22, $0xb8;
	[tilespmem:$0x1E100] =	vst v63  }
0x54: {  	p0 =	seq.s32 s7, $0x1360;
	_ =	swait.ge [sflag:s16], $0x2000  }
0x55: {  	s21 =	sadd.s32 @!p0 s7, s14;
	[sflag:s16] =	ssyncset.done $0x0  }
0x56: {  	s6 =	simm.s32 @!p0 $0x0;
	s24 =	sadd.s32 @!p0 $0xA0, s21;
	[sflag:s16] =	ssyncadd.s32 $0xFFFFE000  }
0x57: {  	[tilespmem:s6], [sflag:$0x1] =	stream.linear.gather @!p0 [hbm4b:s24+s6], $0x100, $0x38;
	[tilespmem:$0x1E100] =	vst v63  }
0x58: {  	_ =	swait.ge [sflag:s1], $0x100  }
0x59: {  	[sflag:s1] =	ssyncset.done $0x0  }
0x5a: {  	[sflag:s1] =	ssyncadd.s32 $0xFFFFFF00  }
0x5b: {  	[tilespmem:s5], [sflag:$0xA] =	stream.indirect.gather [hbm4b:s4+s22], $0x80, s20, s22, $0xb8;
	[tilespmem:$0x1E100] =	vst v63  }
0x5c: {  	_ =	swait.ge [sflag:s8], $0x2000  }
0x5d: {  	[sflag:s8] =	ssyncset.done $0x0  }
0x5e: {  	[sflag:s8] =	ssyncadd.s32 $0xFFFFE000  }
0x5f: {  	[spmem:s2] =	stream.indirect.scatter.add.f32 [tilespmem:s25], [sflag:$0xB], $0x80, s9, s22, $0xb8;
	[tilespmem:$0x1E100] =	vst v63  }
0x60: {  	_ =	swait.ge [sflag:s16], $0x2000  }
0x61: {  	[sflag:s16] =	ssyncset.done $0x0  }
0x62: {  	s24 =	simm.s32 @p0 $0x8;
	[sflag:s16] =	ssyncadd.s32 $0xFFFFE000  }
0x63: {  	_ =	swait.ge @p0 [sflag:s24], $0x2000  }
0x64: {  	s15 =	simm.s32 @p0 $0x280;
	[sflag:s24] =	ssyncset.done @p0 $0x0  }
0x65: {  	s17 =	simm.s32 @p0 $0x4500;
	[sflag:s24] =	ssyncadd.s32 @p0 $0xFFFFE000;
	s24 =	simm.s32 @p0 $0x40  }
0x66: {  	[spmem:s2] =	stream.indirect.scatter.add.f32 @p0 [tilespmem:s17], [sflag:$0xB], $0x80, s15, s24, $0xb8;
	[tilespmem:$0x1E100] =	vst v63  }
0x67: {  	s15 =	simm.s32 @p0 $0xB  }
0x68: {  	_ =	swait.ge @p0 [sflag:s15], $0x2000  }
0x69: {  	[sflag:s15] =	ssyncset.done @p0 $0x0  }
0x6a: {  	s17 =	simm.s32 @!p0 $0x100;
	[sflag:s15] =	ssyncadd.s32 @p0 $0xFFFFE000;
	s15 =	sadd.s32 @!p0 $0xC0, s21  }
0x6b: {  	[tilespmem:s17], [sflag:$0x2] =	stream.linear.gather @!p0 [hbm4b:s15+s6], $0x100, $0x38;
	[tilespmem:$0x1E100] =	vst v63  }
0x6c: {  	s15 =	simm.s32 @!p0 $0x1  }
0x6d: {  	_ =	swait.ge @!p0 [sflag:s15], $0x100  }
0x6e: {  	[sflag:s15] =	ssyncset.done @!p0 $0x0  }
0x6f: {  	s24 =	simm.s32 @!p0 $0x500;
	[sflag:s15] =	ssyncadd.s32 @!p0 $0xFFFFFF00;
	s15 =	simm.s32 @!p0 $0x40  }
0x70: {  	[tilespmem:s24], [sflag:$0x6] =	stream.indirect.gather @!p0 [hbm4b:s4+s15], $0x80, s6, s15, $0xb8;
	[tilespmem:$0x1E100] =	vst v63  }
0x71: {  	s24 =	simm.s32 @!p0 $0x8  }
0x72: {  	_ =	swait.ge @!p0 [sflag:s24], $0x2000  }
0x73: {  	[sflag:s24] =	ssyncset.done @!p0 $0x0  }
0x74: {  	s18 =	simm.s32 @!p0 $0x4500;
	[sflag:s24] =	ssyncadd.s32 @!p0 $0xFFFFE000;
	s24 =	simm.s32 @!p0 $0x280  }
0x75: {  	[spmem:s2] =	stream.indirect.scatter.add.f32 @!p0 [tilespmem:s18], [sflag:$0xB], $0x80, s24, s15, $0xb8;
	[tilespmem:$0x1E100] =	vst v63  }
0x76: {  	s18 =	simm.s32 @!p0 $0xB  }
0x77: {  	_ =	swait.ge @!p0 [sflag:s18], $0x2000  }
0x78: {  	[sflag:s18] =	ssyncset.done @!p0 $0x0  }
0x79: {  	[sflag:s18] =	ssyncadd.s32 @!p0 $0xFFFFE000;
	s18 =	sadd.s32 @!p0 $0xE0, s21;
	s21 =	simm.s32 @!p0 $0x200  }
0x7a: {  	[tilespmem:s21], [sflag:$0x3] =	stream.linear.gather @!p0 [hbm4b:s18+s6], $0x100, $0x38;
	[tilespmem:$0x1E100] =	vst v63  }
0x7b: {  	s6 =	simm.s32 @!p0 $0x2  }
0x7c: {  	_ =	swait.ge @!p0 [sflag:s6], $0x100  }
0x7d: {  	[sflag:s6] =	ssyncset.done @!p0 $0x0  }
0x7e: {  	[sflag:s6] =	ssyncadd.s32 @!p0 $0xFFFFFF00;
	s6 =	simm.s32 @!p0 $0x2500  }
0x7f: {  	[tilespmem:s6], [sflag:$0x7] =	stream.indirect.gather @!p0 [hbm4b:s4+s15], $0x80, s17, s15, $0xb8;
	[tilespmem:$0x1E100] =	vst v63  }
0x80: {  	_ =	swait.ge [sflag:s10], $0x2000  }
0x81: {  	[sflag:s10] =	ssyncset.done $0x0  }
.Ltmp2:
0x82: {  	[sflag:s10] =	ssyncadd.s32 $0xFFFFE000;
	(pc) =	sbr.rel @p0 .LBB2_4-.Ltmp2, $4  }
0x83: {  	[spmem:s2] =	stream.indirect.scatter.add.f32 [tilespmem:s30], [sflag:$0xB], $0x80, s11, s22, $0xb8;
	[tilespmem:$0x1E100] =	vst v63  }
0x84: {  	_ =	swait.ge [sflag:s16], $0x2000  }
0x85: {  	[sflag:s16] =	ssyncset.done $0x0  }
0x86: {  	[sflag:s16] =	ssyncadd.s32 $0xFFFFE000  }
0x87: {  	s6 =	sadd.s32 s7, s14  }
0x88: {  	s15 =	sadd.s32 $0x100, s6  }
0x89: {  	[tilespmem:s19], [sflag:$0x4] =	stream.linear.gather [hbm4b:s15+s3], $0x100, $0x38;
	[tilespmem:$0x1E100] =	vst v63  }
0x8a: {  	_ =	swait.ge [sflag:s26], $0x100  }
0x8b: {  	[sflag:s26] =	ssyncset.done $0x0  }
0x8c: {  	s24 =	simm.s32 $0x4500;
	[sflag:s26] =	ssyncadd.s32 $0xFFFFFF00  }
0x8d: {  	[tilespmem:s24], [sflag:$0x8] =	stream.indirect.gather [hbm4b:s4+s22], $0x80, s28, s22, $0xb8;
	[tilespmem:$0x1E100] =	vst v63  }
0x8e: {  	_ =	swait.ge [sflag:s12], $0x2000  }
0x8f: {  	[sflag:s12] =	ssyncset.done $0x0  }
0x90: {  	[sflag:s12] =	ssyncadd.s32 $0xFFFFE000  }
0x91: {  	[spmem:s2] =	stream.indirect.scatter.add.f32 [tilespmem:s5], [sflag:$0xB], $0x80, s13, s22, $0xb8;
	[tilespmem:$0x1E100] =	vst v63  }
0x92: {  	_ =	swait.ge [sflag:s16], $0x2000  }
0x93: {  	[sflag:s16] =	ssyncset.done $0x0  }
0x94: {  	s6 =	sadd.s32 $0x120, s6;
	[sflag:s16] =	ssyncadd.s32 $0xFFFFE000  }
0x95: {  	[tilespmem:s20], [sflag:$0x5] =	stream.linear.gather [hbm4b:s6+s3], $0x100, $0x38;
	[tilespmem:$0x1E100] =	vst v63  }
.Ltmp3:
0x96: {  	_ = 	snop;
	(pc) =	sbr.rel .LBB2_2-.Ltmp3, $4  }
0x97: {  	_ =	swait.ge [sflag:s29], $0x100  }
0x98: {  	[sflag:s29] =	ssyncset.done $0x0  }
0x99: {  	s7 =	sadd.s32 $0xA0, s7;
	[sflag:s29] =	ssyncadd.s32 $0xFFFFFF00  }
0x9a: {  	[tilespmem:s30], [sflag:$0x9] =	stream.indirect.gather [hbm4b:s4+s22], $0x80, s19, s22, $0xb8;
	[tilespmem:$0x1E100] =	vst v63  }
.LBB2_5:
0x9b: {  	_ =	sfence.sel $0x180000  }
0x9c: {  	[bflag:$0x0] =	sbarrier.arrive $0xFFFF  }
0x9d: {  	_ =	strace $0x90000050  }
0x9e: {  	s0 =	stileid.u32;
	[bflag:$0x2] =	sbarrier.arrive $0xFFFF  }
0x9f: {  	p0 =	sne.s32 s0, $0x0;
	s0 =	rddreg [dreg:$0x2]  }
0xa0: {  	s0 =	sadd.s32 @!p0 $0x100000, s0  }
0xa1: {  	[sflag:s0] =	ssyncadd.tile.s32 @!p0 $0x1;
	_ =	shalt  }
.Lfunc_end2:
_tile_overlayer_lowered:
.L_overlay_start_2:
0xa2: {  	(tag) =	ssettag $0x2  }
0xa3: {  	s0 =	rddreg [dreg:$0x0];
	s2 =	stileid.u32  }
0xa4: {  	s1 =	rddreg [dreg:$0x1];
	p0 =	sne.s32 s2, $0x0  }
0xa5: {  	s3 =	rddreg [dreg:$0x2];
	[bflag:$0x3] =	sbarrier.arrive $0xFFFF;
	s2 =	simm.s32 @!p0 $0x1C0B  }
0xa6: {  	[timem:s3], [sflag:s2] =	dma.local @!p0 [hbm:s0], s1  }
0xa7: {  	s0 =	simm.s32 @!p0 $0xB  }
0xa8: {  	_ =	swait.ge @!p0 [sflag:s0], s1  }
0xa9: {  	s1 =	ssub.s32 @!p0 $0x0, s1;
	[sflag:s0] =	ssyncset.done @!p0 $0x0  }
0xaa: {  	[sflag:s0] =	ssyncadd.s32 @!p0 s1  }
0xab: {  	[bflag:$0x3] =	sbarrier.arrive $0xFFFF  }
0xac: {  	_ =	shalt  }

</sc_bundles>
